<compile_context>
chip_gen: v7x
topology: tpu7x:2x2x1
jax: 0.10.2.dev20260603
libtpu: 0.0.44.dev20260713+nightly
codegen_flags: <defaults>
</compile_context>

<pallas_src>
import functools

import jax
import jax.numpy as jnp
from jax import lax
from jax.experimental import pallas as pl
from jax.experimental.pallas import tpu as pltpu
from jax.experimental.pallas import tpu_sc as plsc

_NC = 2
_NS = 16
_LANES = 16


@functools.lru_cache(maxsize=None)
def _make_scatter(n, d, e):
    nw = _NC * _NS
    assert e % nw == 0
    epw = e // nw
    chunk = 128
    full = epw // chunk
    tail = epw % chunk
    assert tail % 8 == 0
    rpt = (n // _NS) // 8 * 8
    rextra = n - _NS * rpt
    assert rextra % 8 == 0
    nun = 3
    assert full % nun == 0
    zsrc = chunk
    nz_full = rpt // zsrc
    zrem = rpt - nz_full * zsrc
    assert zrem % 8 == 0 and rextra <= zsrc
    mesh = plsc.VectorSubcoreMesh(core_axis_name="c", subcore_axis_name="s")

    @functools.partial(
        pl.kernel,
        mesh=mesh,
        out_type=jax.ShapeDtypeStruct((_NC, n, d), jnp.float32),
        scratch_types=(
            [pltpu.VMEM((chunk,), jnp.int32) for _ in range(nun)]
            + [pltpu.VMEM((chunk,), jnp.int32) for _ in range(nun)]
            + [pltpu.VMEM((chunk, d), jnp.float32) for _ in range(nun)]
            + [pltpu.VMEM_SHARED((n, d), jnp.float32)]
            + [pltpu.SemaphoreType.DMA for _ in range(3 * nun)]
        ),
    )
    def scatter_kernel(h_hbm, src_hbm, dst_hbm, out_hbm, *rest):
        srcv = rest[0:nun]
        dstv = rest[nun:2 * nun]
        rowsv = rest[2 * nun:3 * nun]
        acc_sh = rest[3 * nun]
        isem = rest[3 * nun + 1:3 * nun + 1 + nun]
        gsem = rest[3 * nun + 1 + nun:3 * nun + 1 + 2 * nun]
        ssem = rest[3 * nun + 1 + 2 * nun:3 * nun + 1 + 3 * nun]
        cid = lax.axis_index("c")
        sid = lax.axis_index("s")
        wid = sid * _NC + cid

        zb = rowsv[0]
        def zstore(t, carry):
            r = t // (d // _LANES)
            c16 = (t % (d // _LANES)) * _LANES
            zb[r, pl.ds(c16, _LANES)] = jnp.zeros((_LANES,), jnp.float32)
            return carry
        lax.fori_loop(0, zsrc * (d // _LANES), zstore, 0)
        row0 = sid * rpt
        def zcopy(j, carry):
            pltpu.sync_copy(zb.at[pl.ds(0, zsrc)],
                            acc_sh.at[pl.ds(row0 + j * zsrc, zsrc)])
            return carry
        lax.fori_loop(0, nz_full, zcopy, 0)
        if zrem:
            pltpu.sync_copy(zb.at[pl.ds(0, zrem)],
                            acc_sh.at[pl.ds(row0 + nz_full * zsrc, zrem)])
        @pl.when(sid == _NS - 1)
        def _ztail():
            pltpu.sync_copy(zb.at[pl.ds(0, rextra)],
                            acc_sh.at[pl.ds(_NS * rpt, rextra)])
        plsc.subcore_barrier()

        e0 = wid * epw
        def body(i, carry):
            hi = []
            for b in range(nun):
                base = e0 + (nun * i + b) * chunk
                hi.append(pltpu.async_copy(
                    src_hbm.at[pl.ds(base, chunk)], srcv[b], isem[b]))
                hi.append(pltpu.async_copy(
                    dst_hbm.at[pl.ds(base, chunk)], dstv[b], isem[b]))
            hg = []
            for b in range(nun):
                hi[2 * b].wait()
                hi[2 * b + 1].wait()
                hg.append(pltpu.async_copy(h_hbm.at[srcv[b]], rowsv[b], gsem[b]))
            hs = []
            for b in range(nun):
                hg[b].wait()
                hs.append(pltpu.async_copy(rowsv[b], acc_sh.at[dstv[b]],
                                           ssem[b], add=True))
            for b in range(nun):
                hs[b].wait()
            return carry
        lax.fori_loop(0, full // nun, body, 0)
        if tail:
            base = e0 + full * chunk
            pltpu.sync_copy(src_hbm.at[pl.ds(base, tail)], srcv[0].at[pl.ds(0, tail)])
            pltpu.sync_copy(dst_hbm.at[pl.ds(base, tail)], dstv[0].at[pl.ds(0, tail)])
            pltpu.async_copy(h_hbm.at[srcv[0].at[pl.ds(0, tail)]],
                             rowsv[0].at[pl.ds(0, tail)], gsem[0]).wait()
            pltpu.sync_copy(rowsv[0].at[pl.ds(0, tail)],
                            acc_sh.at[dstv[0].at[pl.ds(0, tail)]], add=True)
        plsc.subcore_barrier()

        pltpu.sync_copy(acc_sh.at[pl.ds(row0, rpt)], out_hbm.at[cid].at[pl.ds(row0, rpt)])
        @pl.when(sid == _NS - 1)
        def _otail():
            pltpu.sync_copy(acc_sh.at[pl.ds(_NS * rpt, rextra)],
                            out_hbm.at[cid].at[pl.ds(_NS * rpt, rextra)])

    return scatter_kernel


@functools.lru_cache(maxsize=None)
def _make_dense(n, d_in, d, relu_out):
    def body(h_ref, a0_ref, a1_ref, w1_ref, b1_ref, w2_ref, b2_ref,
             g_ref, bt_ref, o_ref):
        z = h_ref[...] + a0_ref[...] + a1_ref[...]
        z = jnp.dot(z, w1_ref[...], preferred_element_type=jnp.float32) + b1_ref[...]
        z = jnp.maximum(z, 0.0)
        z = jnp.dot(z, w2_ref[...], preferred_element_type=jnp.float32) + b2_ref[...]
        mu = jnp.mean(z, axis=0, keepdims=True)
        var = jnp.mean((z - mu) * (z - mu), axis=0, keepdims=True)
        z = g_ref[...] * (z - mu) * lax.rsqrt(var + 1e-5) + bt_ref[...]
        if relu_out:
            z = jnp.maximum(z, 0.0)
        o_ref[...] = z

    return pl.pallas_call(
        body,
        out_shape=jax.ShapeDtypeStruct((n, d), jnp.float32),
    )


def kernel(nodes, edge_indexs, graph_indicators,
           W1_0, b1_0, W2_0, b2_0, gamma_0, beta_0,
           W1_1, b1_1, W2_1, b2_1, gamma_1, beta_1,
           W1_2, b1_2, W2_2, b2_2, gamma_2, beta_2):
    del graph_indicators
    n, d = nodes.shape
    e = edge_indexs.shape[1]
    src = edge_indexs[0]
    dst = edge_indexs[1]
    params = [
        (W1_0, b1_0, W2_0, b2_0, gamma_0, beta_0),
        (W1_1, b1_1, W2_1, b2_1, gamma_1, beta_1),
        (W1_2, b1_2, W2_2, b2_2, gamma_2, beta_2),
    ]
    scatter = _make_scatter(n, d, e)
    h = nodes
    for layer, (w1, b1, w2, b2, g, bt) in enumerate(params):
        agg = scatter(h, src, dst)
        dense = _make_dense(n, w1.shape[0], d, layer < len(params) - 1)
        h = dense(h, agg[0], agg[1], w1, b1.reshape(1, d), w2, b2.reshape(1, d),
                  g.reshape(1, d), bt.reshape(1, d))
    return h

# --- scband reference (transcript-rebuilt; emitter-appended) ---
"""Pipeline reference for scband-gnn-encoder-10917806867253 (READ-ONLY COPY).

The authoritative reference and input builder live on the scoring server;
editing this copy changes nothing except your own understanding.
"""

import jax, jax.numpy as jnp
import numpy as np

N = 10000
E = 320000
D_IN = 128
D = 128
L = 3


def setup_inputs(seed: int = 0) -> dict:
    key = jax.random.key(seed)
    ks = jax.random.split(key, 4 + 6 * L)
    inp = {}
    inp["nodes"] = jax.random.normal(ks[0], (N, D_IN), dtype=jnp.float32)
    inp["edge_indexs"] = jax.random.randint(ks[1], (2, E), 0, N, dtype=jnp.int32)
    inp["graph_indicators"] = jnp.sort(jax.random.randint(ks[2], (N,), 0, 64, dtype=jnp.int32))
    for l in range(L):
        d_in = D_IN if l == 0 else D
        base = 3 + 6 * l
        inp[f"W1_{l}"] = jax.random.normal(ks[base + 0], (d_in, D), dtype=jnp.float32) * 0.05
        inp[f"b1_{l}"] = jnp.zeros((D,), dtype=jnp.float32)
        inp[f"W2_{l}"] = jax.random.normal(ks[base + 2], (D, D), dtype=jnp.float32) * 0.05
        inp[f"b2_{l}"] = jnp.zeros((D,), dtype=jnp.float32)
        inp[f"gamma_{l}"] = jnp.ones((D,), dtype=jnp.float32)
        inp[f"beta_{l}"] = jnp.zeros((D,), dtype=jnp.float32)
    return inp


def _gin_conv(x, edge_index, W1, b1, W2, b2):
    # GINConv (eps=0): MLP((1+eps)*x + sum_{j in N(i)} x_j)
    src = edge_index[0]
    dst = edge_index[1]
    msg = jnp.take(x, src, axis=0)
    agg = jax.ops.segment_sum(msg, dst, num_segments=N)
    h = x + agg
    h = jnp.maximum(h @ W1 + b1, 0.0)
    h = h @ W2 + b2
    return h


def _batch_norm(x, gamma, beta, eps=1e-5):
    # track_running_stats=False -> always uses batch statistics (biased var)
    mu = jnp.mean(x, axis=0)
    var = jnp.var(x, axis=0)
    return gamma * (x - mu) / jnp.sqrt(var + eps) + beta


def reference(nodes, edge_indexs, graph_indicators,
              W1_0, b1_0, W2_0, b2_0, gamma_0, beta_0,
              W1_1, b1_1, W2_1, b2_1, gamma_1, beta_1,
              W1_2, b1_2, W2_2, b2_2, gamma_2, beta_2):
    params = [
        (W1_0, b1_0, W2_0, b2_0, gamma_0, beta_0),
        (W1_1, b1_1, W2_1, b2_1, gamma_1, beta_1),
        (W1_2, b1_2, W2_2, b2_2, gamma_2, beta_2),
    ]
    h = nodes
    for layer, (W1, b1, W2, b2, g, bt) in enumerate(params):
        h = _gin_conv(h, edge_indexs, W1, b1, W2, b2)
        h = _batch_norm(h, g, bt)
        if layer < L - 1:
            h = jnp.maximum(h, 0.0)
        # dropout is identity in eval mode
    return h

if __name__ == "__main__":
    import jax
    _d = setup_inputs()
    print(jax.jit(kernel)(*tuple(_d.values())))

</pallas_src>

<mosaic_0001>
#map = affine_map<(d0, d1) -> (0, 0)>
#map1 = affine_map<(d0, d1) -> (0)>
#map2 = affine_map<(d0, d1) -> (0, 0, 0)>
module attributes {stable_mosaic.version = 14 : i64} {
  func.func @scatter_kernel(%arg0: i32, %arg1: i32, %arg2: memref<10000x128xf32, #tpu.memory_space<hbm>>, %arg3: memref<320000xi32, #tpu.memory_space<hbm>>, %arg4: memref<320000xi32, #tpu.memory_space<hbm>>, %arg5: memref<2x10000x128xf32, #tpu.memory_space<hbm>>, %arg6: memref<128xi32, #tpu.memory_space<vmem>>, %arg7: memref<128xi32, #tpu.memory_space<vmem>>, %arg8: memref<128xi32, #tpu.memory_space<vmem>>, %arg9: memref<128xi32, #tpu.memory_space<vmem>>, %arg10: memref<128xi32, #tpu.memory_space<vmem>>, %arg11: memref<128xi32, #tpu.memory_space<vmem>>, %arg12: memref<128x128xf32, #tpu.memory_space<vmem>>, %arg13: memref<128x128xf32, #tpu.memory_space<vmem>>, %arg14: memref<128x128xf32, #tpu.memory_space<vmem>>, %arg15: memref<10000x128xf32, #tpu.memory_space<vmem_shared>>, %arg16: memref<!tpu.dma_semaphore, #tpu.memory_space<semaphore_mem>>, %arg17: memref<!tpu.dma_semaphore, #tpu.memory_space<semaphore_mem>>, %arg18: memref<!tpu.dma_semaphore, #tpu.memory_space<semaphore_mem>>, %arg19: memref<!tpu.dma_semaphore, #tpu.memory_space<semaphore_mem>>, %arg20: memref<!tpu.dma_semaphore, #tpu.memory_space<semaphore_mem>>, %arg21: memref<!tpu.dma_semaphore, #tpu.memory_space<semaphore_mem>>, %arg22: memref<!tpu.dma_semaphore, #tpu.memory_space<semaphore_mem>>, %arg23: memref<!tpu.dma_semaphore, #tpu.memory_space<semaphore_mem>>, %arg24: memref<!tpu.dma_semaphore, #tpu.memory_space<semaphore_mem>>) attributes {dimension_semantics = [#tpu.dimension_semantics<core_parallel>, #tpu.dimension_semantics<subcore_parallel>], iteration_bounds = array<i64: 2, 16>, scalar_prefetch = 0 : i64, scratch_operands = 19 : i64, tpu.core_type = #tpu.core_type<sc_vector_subcore>, window_params = [{transform_indices = #map}, {transform_indices = #map1}, {transform_indices = #map1}, {transform_indices = #map2}]} {
    %mul3A = arith.constant 2 : i32
    %mul3A_0 = arith.muli %arg1, %mul3A : i32
    %add3A = arith.addi %mul3A_0, %arg0 : i32
    %scan3A = arith.constant 0 : i32
    %scan3A_1 = arith.constant 0 : i32
    %scan3A_2 = arith.constant 1024 : i32
    %scan3A_3 = arith.addi %scan3A_1, %scan3A_2 : i32
    %scan3A_4 = arith.constant 1 : i32
    scf.for %scan3A_48 = %scan3A_1 to %scan3A_3 step %scan3A_4  : i32 {
      %jit3A = arith.constant 8 : i32
      %div3A = arith.divsi %scan3A_48, %jit3A : i32
      %sign3A = arith.constant 0 : i32
      %sign3A_49 = arith.cmpi sgt, %scan3A_48, %sign3A : i32
      %sign3A_50 = arith.extui %sign3A_49 : i1 to i32
      %sign3A_51 = arith.constant 0 : i32
      %sign3A_52 = arith.cmpi slt, %scan3A_48, %sign3A_51 : i32
      %sign3A_53 = arith.extui %sign3A_52 : i1 to i32
      %sign3A_54 = arith.subi %sign3A_50, %sign3A_53 : i32
      %sign3A_55 = arith.constant 0 : i32
      %sign3A_56 = arith.cmpi sgt, %jit3A, %sign3A_55 : i32
      %sign3A_57 = arith.extui %sign3A_56 : i1 to i32
      %sign3A_58 = arith.constant 0 : i32
      %sign3A_59 = arith.cmpi slt, %jit3A, %sign3A_58 : i32
      %sign3A_60 = arith.extui %sign3A_59 : i1 to i32
      %sign3A_61 = arith.subi %sign3A_57, %sign3A_60 : i32
      %ne3A = arith.cmpi ne, %sign3A_54, %sign3A_61 : i32
      %rem3A = arith.remsi %scan3A_48, %jit3A : i32
      %ne3A_62 = arith.constant 0 : i32
      %ne3A_63 = arith.cmpi ne, %rem3A, %ne3A_62 : i32
      %and3A = arith.andi %ne3A, %ne3A_63 : i1
      %sub3A = arith.constant 1 : i32
      %sub3A_64 = arith.subi %div3A, %sub3A : i32
      %select_n3A = arith.select %and3A, %sub3A_64, %div3A : i32
      %jit3A_65 = arith.constant 8 : i32
      %eq3A_66 = arith.constant 0 : i32
      %eq3A_67 = arith.cmpi eq, %jit3A_65, %eq3A_66 : i32
      %jit3A_68 = arith.constant 1 : i32
      %select_n3A_69 = arith.select %eq3A_67, %jit3A_68, %jit3A_65 : i32
      %rem3A_70 = arith.remsi %scan3A_48, %select_n3A_69 : i32
      %ne3A_71 = arith.constant 0 : i32
      %ne3A_72 = arith.cmpi ne, %rem3A_70, %ne3A_71 : i32
      %lt3A = arith.constant 0 : i32
      %lt3A_73 = arith.cmpi slt, %rem3A_70, %lt3A : i32
      %lt3A_74 = arith.constant 0 : i32
      %lt3A_75 = arith.cmpi slt, %select_n3A_69, %lt3A_74 : i32
      %ne3A_76 = arith.xori %lt3A_73, %lt3A_75 : i1
      %and3A_77 = arith.andi %ne3A_76, %ne3A_72 : i1
      %add3A_78 = arith.addi %rem3A_70, %select_n3A_69 : i32
      %select_n3A_79 = arith.select %and3A_77, %add3A_78, %rem3A_70 : i32
      %mul3A_80 = arith.constant 16 : i32
      %mul3A_81 = arith.muli %select_n3A_79, %mul3A_80 : i32
      %broadcast_in_dim3A = arith.constant 0.000000e+00 : f32
      %broadcast_in_dim3A_82 = vector.broadcast %broadcast_in_dim3A : f32 to vector<16xf32>
      %swap3A = arith.index_cast %select_n3A : i32 to index
      %swap3A_83 = arith.index_cast %mul3A_81 : i32 to index
      %swap3A_84 = tpu.vector_load %arg12[%swap3A, %swap3A_83] {strides = array<i32>} : memref<128x128xf32, #tpu.memory_space<vmem>>, vector<1x16xf32>,
      %swap3A_85 = vector.shape_cast %swap3A_84 : vector<1x16xf32> to vector<16xf32>
      %swap3A_86 = vector.shape_cast %broadcast_in_dim3A_82 : vector<16xf32> to vector<1x16xf32>
      tpu.vector_store %arg12[%swap3A, %swap3A_83], %swap3A_86 {strides = array<i32>} : memref<128x128xf32, #tpu.memory_space<vmem>>, vector<1x16xf32>,
    }
    %scan3A_5 = arith.constant 1024 : i32
    %mul3A_6 = arith.constant 624 : i32
    %mul3A_7 = arith.muli %arg1, %mul3A_6 : i32
    %scan3A_8 = arith.constant 0 : i32
    %scan3A_9 = arith.constant 0 : i32
    %scan3A_10 = arith.constant 4 : i32
    %scan3A_11 = arith.addi %scan3A_9, %scan3A_10 : i32
    %scan3A_12 = arith.constant 1 : i32
    scf.for %scan3A_48 = %scan3A_9 to %scan3A_11 step %scan3A_12  : i32 {
      %mul3A_49 = arith.constant 128 : i32
      %mul3A_50 = arith.muli %scan3A_48, %mul3A_49 : i32
      %add3A_51 = arith.addi %mul3A_7, %mul3A_50 : i32
      "tpu.region"() ({
        %run_scoped3A = tpu.sem_alloc : memref<!tpu.dma_semaphore, #tpu.memory_space<semaphore_mem>>
        %dma_start3A_52 = arith.constant 0 : i32
        %dma_start3A_53 = arith.constant 0 : i32
        %dma_start3A_54 = tpu.memref_slice %arg12[%dma_start3A_52, %dma_start3A_53] : memref<128x128xf32, #tpu.memory_space<vmem>> -> memref<128x128xf32, #tpu.memory_space<vmem>>
        %dma_start3A_55 = arith.constant 0 : i32
        %dma_start3A_56 = tpu.memref_slice %arg15[%add3A_51, %dma_start3A_55] : memref<10000x128xf32, #tpu.memory_space<vmem_shared>> -> memref<128x128xf32, #tpu.memory_space<vmem_shared>>
        %dma_start3A_57 = arith.constant 0 : i32
        %dma_start3A_58 = tpu.memref_slice %arg15[%add3A_51, %dma_start3A_57] : memref<10000x128xf32, #tpu.memory_space<vmem_shared>> -> memref<128x128xf32, #tpu.memory_space<vmem_shared>>
        %dma_start3A_59 = arith.constant 0 : i32
        %dma_start3A_60 = arith.constant 0 : i32
        %dma_start3A_61 = tpu.memref_slice %arg12[%dma_start3A_59, %dma_start3A_60] : memref<128x128xf32, #tpu.memory_space<vmem>> -> memref<128x128xf32, #tpu.memory_space<vmem>>
        tpu.enqueue_dma source(%dma_start3A_61 : memref<128x128xf32, #tpu.memory_space<vmem>>) target(%dma_start3A_58 : memref<128x128xf32, #tpu.memory_space<vmem_shared>>) target_semaphore(%run_scoped3A : memref<!tpu.dma_semaphore, #tpu.memory_space<semaphore_mem>>)
        %dma_wait3A_62 = arith.constant 0 : i32
        %dma_wait3A_63 = arith.constant 0 : i32
        %dma_wait3A_64 = tpu.memref_slice %arg12[%dma_wait3A_62, %dma_wait3A_63] : memref<128x128xf32, #tpu.memory_space<vmem>> -> memref<128x128xf32, #tpu.memory_space<vmem>>
        %dma_wait3A_65 = arith.constant 0 : i32
        %dma_wait3A_66 = tpu.memref_slice %arg15[%add3A_51, %dma_wait3A_65] : memref<10000x128xf32, #tpu.memory_space<vmem_shared>> -> memref<128x128xf32, #tpu.memory_space<vmem_shared>>
        %dma_wait3A_67 = arith.constant 0 : i32
        %dma_wait3A_68 = tpu.memref_slice %arg15[%add3A_51, %dma_wait3A_67] : memref<10000x128xf32, #tpu.memory_space<vmem_shared>> -> memref<128x128xf32, #tpu.memory_space<vmem_shared>>
        %dma_wait3A_69 = arith.constant 0 : i32
        %dma_wait3A_70 = arith.constant 0 : i32
        %dma_wait3A_71 = tpu.memref_slice %arg12[%dma_wait3A_69, %dma_wait3A_70] : memref<128x128xf32, #tpu.memory_space<vmem>> -> memref<128x128xf32, #tpu.memory_space<vmem>>
        tpu.wait_dma2 semaphore(%run_scoped3A : memref<!tpu.dma_semaphore, #tpu.memory_space<semaphore_mem>>) src(%dma_wait3A_71 : memref<128x128xf32, #tpu.memory_space<vmem>>) dst(%dma_wait3A_68 : memref<128x128xf32, #tpu.memory_space<vmem_shared>>)
        tpu.yield
      }) : () -> ()
    }
    %scan3A_13 = arith.constant 4 : i32
    %add3A_14 = arith.constant 512 : i32
    %add3A_15 = arith.addi %mul3A_7, %add3A_14 : i32
    "tpu.region"() ({
      %run_scoped3A = tpu.sem_alloc : memref<!tpu.dma_semaphore, #tpu.memory_space<semaphore_mem>>
      %dma_start3A_48 = arith.constant 0 : i32
      %dma_start3A_49 = arith.constant 0 : i32
      %dma_start3A_50 = tpu.memref_slice %arg12[%dma_start3A_48, %dma_start3A_49] : memref<128x128xf32, #tpu.memory_space<vmem>> -> memref<112x128xf32, #tpu.memory_space<vmem>>
      %dma_start3A_51 = arith.constant 0 : i32
      %dma_start3A_52 = tpu.memref_slice %arg15[%add3A_15, %dma_start3A_51] : memref<10000x128xf32, #tpu.memory_space<vmem_shared>> -> memref<112x128xf32, #tpu.memory_space<vmem_shared>>
      %dma_start3A_53 = arith.constant 0 : i32
      %dma_start3A_54 = tpu.memref_slice %arg15[%add3A_15, %dma_start3A_53] : memref<10000x128xf32, #tpu.memory_space<vmem_shared>> -> memref<112x128xf32, #tpu.memory_space<vmem_shared>>
      %dma_start3A_55 = arith.constant 0 : i32
      %dma_start3A_56 = arith.constant 0 : i32
      %dma_start3A_57 = tpu.memref_slice %arg12[%dma_start3A_55, %dma_start3A_56] : memref<128x128xf32, #tpu.memory_space<vmem>> -> memref<112x128xf32, #tpu.memory_space<vmem>>
      tpu.enqueue_dma source(%dma_start3A_57 : memref<112x128xf32, #tpu.memory_space<vmem>>) target(%dma_start3A_54 : memref<112x128xf32, #tpu.memory_space<vmem_shared>>) target_semaphore(%run_scoped3A : memref<!tpu.dma_semaphore, #tpu.memory_space<semaphore_mem>>)
      %dma_wait3A_58 = arith.constant 0 : i32
      %dma_wait3A_59 = arith.constant 0 : i32
      %dma_wait3A_60 = tpu.memref_slice %arg12[%dma_wait3A_58, %dma_wait3A_59] : memref<128x128xf32, #tpu.memory_space<vmem>> -> memref<112x128xf32, #tpu.memory_space<vmem>>
      %dma_wait3A_61 = arith.constant 0 : i32
      %dma_wait3A_62 = tpu.memref_slice %arg15[%add3A_15, %dma_wait3A_61] : memref<10000x128xf32, #tpu.memory_space<vmem_shared>> -> memref<112x128xf32, #tpu.memory_space<vmem_shared>>
      %dma_wait3A_63 = arith.constant 0 : i32
      %dma_wait3A_64 = tpu.memref_slice %arg15[%add3A_15, %dma_wait3A_63] : memref<10000x128xf32, #tpu.memory_space<vmem_shared>> -> memref<112x128xf32, #tpu.memory_space<vmem_shared>>
      %dma_wait3A_65 = arith.constant 0 : i32
      %dma_wait3A_66 = arith.constant 0 : i32
      %dma_wait3A_67 = tpu.memref_slice %arg12[%dma_wait3A_65, %dma_wait3A_66] : memref<128x128xf32, #tpu.memory_space<vmem>> -> memref<112x128xf32, #tpu.memory_space<vmem>>
      tpu.wait_dma2 semaphore(%run_scoped3A : memref<!tpu.dma_semaphore, #tpu.memory_space<semaphore_mem>>) src(%dma_wait3A_67 : memref<112x128xf32, #tpu.memory_space<vmem>>) dst(%dma_wait3A_64 : memref<112x128xf32, #tpu.memory_space<vmem_shared>>)
      tpu.yield
    }) : () -> ()
    %eq3A = arith.constant 15 : i32
    %eq3A_16 = arith.cmpi eq, %arg1, %eq3A : i32
    %convert_element_type3A = arith.extui %eq3A_16 : i1 to i32
    %cond3A = arith.constant 0 : i32
    %cond3A_17 = arith.cmpi ne, %convert_element_type3A, %cond3A : i32
    scf.if %cond3A_17 {
      "tpu.region"() ({
        %run_scoped3A = tpu.sem_alloc : memref<!tpu.dma_semaphore, #tpu.memory_space<semaphore_mem>>
        %dma_start3A_48 = arith.constant 0 : i32
        %dma_start3A_49 = arith.constant 0 : i32
        %dma_start3A_50 = tpu.memref_slice %arg12[%dma_start3A_48, %dma_start3A_49] : memref<128x128xf32, #tpu.memory_space<vmem>> -> memref<16x128xf32, #tpu.memory_space<vmem>>
        %dma_start3A_51 = arith.constant 9984 : i32
        %dma_start3A_52 = arith.constant 0 : i32
        %dma_start3A_53 = tpu.memref_slice %arg15[%dma_start3A_51, %dma_start3A_52] : memref<10000x128xf32, #tpu.memory_space<vmem_shared>> -> memref<16x128xf32, #tpu.memory_space<vmem_shared>>
        %dma_start3A_54 = arith.constant 9984 : i32
        %dma_start3A_55 = arith.constant 0 : i32
        %dma_start3A_56 = tpu.memref_slice %arg15[%dma_start3A_54, %dma_start3A_55] : memref<10000x128xf32, #tpu.memory_space<vmem_shared>> -> memref<16x128xf32, #tpu.memory_space<vmem_shared>>
        %dma_start3A_57 = arith.constant 0 : i32
        %dma_start3A_58 = arith.constant 0 : i32
        %dma_start3A_59 = tpu.memref_slice %arg12[%dma_start3A_57, %dma_start3A_58] : memref<128x128xf32, #tpu.memory_space<vmem>> -> memref<16x128xf32, #tpu.memory_space<vmem>>
        tpu.enqueue_dma source(%dma_start3A_59 : memref<16x128xf32, #tpu.memory_space<vmem>>) target(%dma_start3A_56 : memref<16x128xf32, #tpu.memory_space<vmem_shared>>) target_semaphore(%run_scoped3A : memref<!tpu.dma_semaphore, #tpu.memory_space<semaphore_mem>>)
        %dma_wait3A_60 = arith.constant 0 : i32
        %dma_wait3A_61 = arith.constant 0 : i32
        %dma_wait3A_62 = tpu.memref_slice %arg12[%dma_wait3A_60, %dma_wait3A_61] : memref<128x128xf32, #tpu.memory_space<vmem>> -> memref<16x128xf32, #tpu.memory_space<vmem>>
        %dma_wait3A_63 = arith.constant 9984 : i32
        %dma_wait3A_64 = arith.constant 0 : i32
        %dma_wait3A_65 = tpu.memref_slice %arg15[%dma_wait3A_63, %dma_wait3A_64] : memref<10000x128xf32, #tpu.memory_space<vmem_shared>> -> memref<16x128xf32, #tpu.memory_space<vmem_shared>>
        %dma_wait3A_66 = arith.constant 9984 : i32
        %dma_wait3A_67 = arith.constant 0 : i32
        %dma_wait3A_68 = tpu.memref_slice %arg15[%dma_wait3A_66, %dma_wait3A_67] : memref<10000x128xf32, #tpu.memory_space<vmem_shared>> -> memref<16x128xf32, #tpu.memory_space<vmem_shared>>
        %dma_wait3A_69 = arith.constant 0 : i32
        %dma_wait3A_70 = arith.constant 0 : i32
        %dma_wait3A_71 = tpu.memref_slice %arg12[%dma_wait3A_69, %dma_wait3A_70] : memref<128x128xf32, #tpu.memory_space<vmem>> -> memref<16x128xf32, #tpu.memory_space<vmem>>
        tpu.wait_dma2 semaphore(%run_scoped3A : memref<!tpu.dma_semaphore, #tpu.memory_space<semaphore_mem>>) src(%dma_wait3A_71 : memref<16x128xf32, #tpu.memory_space<vmem>>) dst(%dma_wait3A_68 : memref<16x128xf32, #tpu.memory_space<vmem_shared>>)
        tpu.yield
      }) : () -> ()
    } else {
    }
    %barrier3A = arith.constant 0 : index
    tpu.barrier barrier_id(%barrier3A)
    %mul3A_18 = arith.constant 10000 : i32
    %mul3A_19 = arith.muli %add3A, %mul3A_18 : i32
    %scan3A_20 = arith.constant 0 : i32
    %scan3A_21 = arith.constant 0 : i32
    %scan3A_22 = arith.constant 26 : i32
    %scan3A_23 = arith.addi %scan3A_21, %scan3A_22 : i32
    %scan3A_24 = arith.constant 1 : i32
    scf.for %scan3A_48 = %scan3A_21 to %scan3A_23 step %scan3A_24  : i32 {
      %mul3A_49 = arith.constant 3 : i32
      %mul3A_50 = arith.muli %mul3A_49, %scan3A_48 : i32
      %add3A_51 = arith.constant 0 : i32
      %add3A_52 = arith.addi %mul3A_50, %add3A_51 : i32
      %mul3A_53 = arith.constant 128 : i32
      %mul3A_54 = arith.muli %add3A_52, %mul3A_53 : i32
      %add3A_55 = arith.addi %mul3A_19, %mul3A_54 : i32
      %dma_start3A_56 = tpu.memref_slice %arg3[%add3A_55] : memref<320000xi32, #tpu.memory_space<hbm>> -> memref<128xi32, #tpu.memory_space<hbm>>
      %dma_start3A_57 = tpu.memref_slice %arg3[%add3A_55] : memref<320000xi32, #tpu.memory_space<hbm>> -> memref<128xi32, #tpu.memory_space<hbm>>
      tpu.enqueue_dma source(%dma_start3A_57 : memref<128xi32, #tpu.memory_space<hbm>>) target(%arg6 : memref<128xi32, #tpu.memory_space<vmem>>) target_semaphore(%arg16 : memref<!tpu.dma_semaphore, #tpu.memory_space<semaphore_mem>>)
      %dma_start3A_58 = tpu.memref_slice %arg4[%add3A_55] : memref<320000xi32, #tpu.memory_space<hbm>> -> memref<128xi32, #tpu.memory_space<hbm>>
      %dma_start3A_59 = tpu.memref_slice %arg4[%add3A_55] : memref<320000xi32, #tpu.memory_space<hbm>> -> memref<128xi32, #tpu.memory_space<hbm>>
      tpu.enqueue_dma source(%dma_start3A_59 : memref<128xi32, #tpu.memory_space<hbm>>) target(%arg9 : memref<128xi32, #tpu.memory_space<vmem>>) target_semaphore(%arg16 : memref<!tpu.dma_semaphore, #tpu.memory_space<semaphore_mem>>)
      %mul3A_60 = arith.constant 3 : i32
      %mul3A_61 = arith.muli %mul3A_60, %scan3A_48 : i32
      %add3A_62 = arith.constant 1 : i32
      %add3A_63 = arith.addi %mul3A_61, %add3A_62 : i32
      %mul3A_64 = arith.constant 128 : i32
      %mul3A_65 = arith.muli %add3A_63, %mul3A_64 : i32
      %add3A_66 = arith.addi %mul3A_19, %mul3A_65 : i32
      %dma_start3A_67 = tpu.memref_slice %arg3[%add3A_66] : memref<320000xi32, #tpu.memory_space<hbm>> -> memref<128xi32, #tpu.memory_space<hbm>>
      %dma_start3A_68 = tpu.memref_slice %arg3[%add3A_66] : memref<320000xi32, #tpu.memory_space<hbm>> -> memref<128xi32, #tpu.memory_space<hbm>>
      tpu.enqueue_dma source(%dma_start3A_68 : memref<128xi32, #tpu.memory_space<hbm>>) target(%arg7 : memref<128xi32, #tpu.memory_space<vmem>>) target_semaphore(%arg17 : memref<!tpu.dma_semaphore, #tpu.memory_space<semaphore_mem>>)
      %dma_start3A_69 = tpu.memref_slice %arg4[%add3A_66] : memref<320000xi32, #tpu.memory_space<hbm>> -> memref<128xi32, #tpu.memory_space<hbm>>
      %dma_start3A_70 = tpu.memref_slice %arg4[%add3A_66] : memref<320000xi32, #tpu.memory_space<hbm>> -> memref<128xi32, #tpu.memory_space<hbm>>
      tpu.enqueue_dma source(%dma_start3A_70 : memref<128xi32, #tpu.memory_space<hbm>>) target(%arg10 : memref<128xi32, #tpu.memory_space<vmem>>) target_semaphore(%arg17 : memref<!tpu.dma_semaphore, #tpu.memory_space<semaphore_mem>>)
      %mul3A_71 = arith.constant 3 : i32
      %mul3A_72 = arith.muli %mul3A_71, %scan3A_48 : i32
      %add3A_73 = arith.constant 2 : i32
      %add3A_74 = arith.addi %mul3A_72, %add3A_73 : i32
      %mul3A_75 = arith.constant 128 : i32
      %mul3A_76 = arith.muli %add3A_74, %mul3A_75 : i32
      %add3A_77 = arith.addi %mul3A_19, %mul3A_76 : i32
      %dma_start3A_78 = tpu.memref_slice %arg3[%add3A_77] : memref<320000xi32, #tpu.memory_space<hbm>> -> memref<128xi32, #tpu.memory_space<hbm>>
      %dma_start3A_79 = tpu.memref_slice %arg3[%add3A_77] : memref<320000xi32, #tpu.memory_space<hbm>> -> memref<128xi32, #tpu.memory_space<hbm>>
      tpu.enqueue_dma source(%dma_start3A_79 : memref<128xi32, #tpu.memory_space<hbm>>) target(%arg8 : memref<128xi32, #tpu.memory_space<vmem>>) target_semaphore(%arg18 : memref<!tpu.dma_semaphore, #tpu.memory_space<semaphore_mem>>)
      %dma_start3A_80 = tpu.memref_slice %arg4[%add3A_77] : memref<320000xi32, #tpu.memory_space<hbm>> -> memref<128xi32, #tpu.memory_space<hbm>>
      %dma_start3A_81 = tpu.memref_slice %arg4[%add3A_77] : memref<320000xi32, #tpu.memory_space<hbm>> -> memref<128xi32, #tpu.memory_space<hbm>>
      tpu.enqueue_dma source(%dma_start3A_81 : memref<128xi32, #tpu.memory_space<hbm>>) target(%arg11 : memref<128xi32, #tpu.memory_space<vmem>>) target_semaphore(%arg18 : memref<!tpu.dma_semaphore, #tpu.memory_space<semaphore_mem>>)
      %dma_wait3A_82 = tpu.memref_slice %arg3[%add3A_55] : memref<320000xi32, #tpu.memory_space<hbm>> -> memref<128xi32, #tpu.memory_space<hbm>>
      %dma_wait3A_83 = tpu.memref_slice %arg3[%add3A_55] : memref<320000xi32, #tpu.memory_space<hbm>> -> memref<128xi32, #tpu.memory_space<hbm>>
      tpu.wait_dma2 semaphore(%arg16 : memref<!tpu.dma_semaphore, #tpu.memory_space<semaphore_mem>>) src(%dma_wait3A_83 : memref<128xi32, #tpu.memory_space<hbm>>) dst(%arg6 : memref<128xi32, #tpu.memory_space<vmem>>)
      %dma_wait3A_84 = tpu.memref_slice %arg4[%add3A_55] : memref<320000xi32, #tpu.memory_space<hbm>> -> memref<128xi32, #tpu.memory_space<hbm>>
      %dma_wait3A_85 = tpu.memref_slice %arg4[%add3A_55] : memref<320000xi32, #tpu.memory_space<hbm>> -> memref<128xi32, #tpu.memory_space<hbm>>
      tpu.wait_dma2 semaphore(%arg16 : memref<!tpu.dma_semaphore, #tpu.memory_space<semaphore_mem>>) src(%dma_wait3A_85 : memref<128xi32, #tpu.memory_space<hbm>>) dst(%arg9 : memref<128xi32, #tpu.memory_space<vmem>>)
      %dma_start3A_86 = arith.constant 0 : i32
      %dma_start3A_87 = arith.constant 0 : i32
      %dma_start3A_88 = tpu.memref_slice %arg2[%dma_start3A_86, %dma_start3A_87] : memref<10000x128xf32, #tpu.memory_space<hbm>> -> memref<10000x128xf32, #tpu.memory_space<hbm>>
      tpu.enqueue_indirect_dma source(%dma_start3A_88 : memref<10000x128xf32, #tpu.memory_space<hbm>>) target(%arg12 : memref<128x128xf32, #tpu.memory_space<vmem>>) offsets(%arg6 : memref<128xi32, #tpu.memory_space<vmem>>) semaphore(%arg19 : memref<!tpu.dma_semaphore, #tpu.memory_space<semaphore_mem>>)
      %dma_wait3A_89 = tpu.memref_slice %arg3[%add3A_66] : memref<320000xi32, #tpu.memory_space<hbm>> -> memref<128xi32, #tpu.memory_space<hbm>>
      %dma_wait3A_90 = tpu.memref_slice %arg3[%add3A_66] : memref<320000xi32, #tpu.memory_space<hbm>> -> memref<128xi32, #tpu.memory_space<hbm>>
      tpu.wait_dma2 semaphore(%arg17 : memref<!tpu.dma_semaphore, #tpu.memory_space<semaphore_mem>>) src(%dma_wait3A_90 : memref<128xi32, #tpu.memory_space<hbm>>) dst(%arg7 : memref<128xi32, #tpu.memory_space<vmem>>)
      %dma_wait3A_91 = tpu.memref_slice %arg4[%add3A_66] : memref<320000xi32, #tpu.memory_space<hbm>> -> memref<128xi32, #tpu.memory_space<hbm>>
      %dma_wait3A_92 = tpu.memref_slice %arg4[%add3A_66] : memref<320000xi32, #tpu.memory_space<hbm>> -> memref<128xi32, #tpu.memory_space<hbm>>
      tpu.wait_dma2 semaphore(%arg17 : memref<!tpu.dma_semaphore, #tpu.memory_space<semaphore_mem>>) src(%dma_wait3A_92 : memref<128xi32, #tpu.memory_space<hbm>>) dst(%arg10 : memref<128xi32, #tpu.memory_space<vmem>>)
      %dma_start3A_93 = arith.constant 0 : i32
      %dma_start3A_94 = arith.constant 0 : i32
      %dma_start3A_95 = tpu.memref_slice %arg2[%dma_start3A_93, %dma_start3A_94] : memref<10000x128xf32, #tpu.memory_space<hbm>> -> memref<10000x128xf32, #tpu.memory_space<hbm>>
      tpu.enqueue_indirect_dma source(%dma_start3A_95 : memref<10000x128xf32, #tpu.memory_space<hbm>>) target(%arg13 : memref<128x128xf32, #tpu.memory_space<vmem>>) offsets(%arg7 : memref<128xi32, #tpu.memory_space<vmem>>) semaphore(%arg20 : memref<!tpu.dma_semaphore, #tpu.memory_space<semaphore_mem>>)
      %dma_wait3A_96 = tpu.memref_slice %arg3[%add3A_77] : memref<320000xi32, #tpu.memory_space<hbm>> -> memref<128xi32, #tpu.memory_space<hbm>>
      %dma_wait3A_97 = tpu.memref_slice %arg3[%add3A_77] : memref<320000xi32, #tpu.memory_space<hbm>> -> memref<128xi32, #tpu.memory_space<hbm>>
      tpu.wait_dma2 semaphore(%arg18 : memref<!tpu.dma_semaphore, #tpu.memory_space<semaphore_mem>>) src(%dma_wait3A_97 : memref<128xi32, #tpu.memory_space<hbm>>) dst(%arg8 : memref<128xi32, #tpu.memory_space<vmem>>)
      %dma_wait3A_98 = tpu.memref_slice %arg4[%add3A_77] : memref<320000xi32, #tpu.memory_space<hbm>> -> memref<128xi32, #tpu.memory_space<hbm>>
      %dma_wait3A_99 = tpu.memref_slice %arg4[%add3A_77] : memref<320000xi32, #tpu.memory_space<hbm>> -> memref<128xi32, #tpu.memory_space<hbm>>
      tpu.wait_dma2 semaphore(%arg18 : memref<!tpu.dma_semaphore, #tpu.memory_space<semaphore_mem>>) src(%dma_wait3A_99 : memref<128xi32, #tpu.memory_space<hbm>>) dst(%arg11 : memref<128xi32, #tpu.memory_space<vmem>>)
      %dma_start3A_100 = arith.constant 0 : i32
      %dma_start3A_101 = arith.constant 0 : i32
      %dma_start3A_102 = tpu.memref_slice %arg2[%dma_start3A_100, %dma_start3A_101] : memref<10000x128xf32, #tpu.memory_space<hbm>> -> memref<10000x128xf32, #tpu.memory_space<hbm>>
      tpu.enqueue_indirect_dma source(%dma_start3A_102 : memref<10000x128xf32, #tpu.memory_space<hbm>>) target(%arg14 : memref<128x128xf32, #tpu.memory_space<vmem>>) offsets(%arg8 : memref<128xi32, #tpu.memory_space<vmem>>) semaphore(%arg21 : memref<!tpu.dma_semaphore, #tpu.memory_space<semaphore_mem>>)
      %dma_wait3A_103 = arith.constant 0 : i32
      %dma_wait3A_104 = arith.constant 0 : i32
      %dma_wait3A_105 = tpu.memref_slice %arg2[%dma_wait3A_103, %dma_wait3A_104] : memref<10000x128xf32, #tpu.memory_space<hbm>> -> memref<10000x128xf32, #tpu.memory_space<hbm>>
      tpu.wait_indirect_dma semaphore(%arg19 : memref<!tpu.dma_semaphore, #tpu.memory_space<semaphore_mem>>) src(%dma_wait3A_105 : memref<10000x128xf32, #tpu.memory_space<hbm>>) dst(%arg12 : memref<128x128xf32, #tpu.memory_space<vmem>>)
      %dma_start3A_106 = arith.constant 0 : i32
      %dma_start3A_107 = arith.constant 0 : i32
      %dma_start3A_108 = tpu.memref_slice %arg15[%dma_start3A_106, %dma_start3A_107] : memref<10000x128xf32, #tpu.memory_space<vmem_shared>> -> memref<10000x128xf32, #tpu.memory_space<vmem_shared>>
      tpu.enqueue_indirect_dma source(%arg12 : memref<128x128xf32, #tpu.memory_space<vmem>>) target(%dma_start3A_108 : memref<10000x128xf32, #tpu.memory_space<vmem_shared>>) offsets(%arg9 : memref<128xi32, #tpu.memory_space<vmem>>) semaphore(%arg22 : memref<!tpu.dma_semaphore, #tpu.memory_space<semaphore_mem>>) {add = true}
      %dma_wait3A_109 = arith.constant 0 : i32
      %dma_wait3A_110 = arith.constant 0 : i32
      %dma_wait3A_111 = tpu.memref_slice %arg2[%dma_wait3A_109, %dma_wait3A_110] : memref<10000x128xf32, #tpu.memory_space<hbm>> -> memref<10000x128xf32, #tpu.memory_space<hbm>>
      tpu.wait_indirect_dma semaphore(%arg20 : memref<!tpu.dma_semaphore, #tpu.memory_space<semaphore_mem>>) src(%dma_wait3A_111 : memref<10000x128xf32, #tpu.memory_space<hbm>>) dst(%arg13 : memref<128x128xf32, #tpu.memory_space<vmem>>)
      %dma_start3A_112 = arith.constant 0 : i32
      %dma_start3A_113 = arith.constant 0 : i32
      %dma_start3A_114 = tpu.memref_slice %arg15[%dma_start3A_112, %dma_start3A_113] : memref<10000x128xf32, #tpu.memory_space<vmem_shared>> -> memref<10000x128xf32, #tpu.memory_space<vmem_shared>>
      tpu.enqueue_indirect_dma source(%arg13 : memref<128x128xf32, #tpu.memory_space<vmem>>) target(%dma_start3A_114 : memref<10000x128xf32, #tpu.memory_space<vmem_shared>>) offsets(%arg10 : memref<128xi32, #tpu.memory_space<vmem>>) semaphore(%arg23 : memref<!tpu.dma_semaphore, #tpu.memory_space<semaphore_mem>>) {add = true}
      %dma_wait3A_115 = arith.constant 0 : i32
      %dma_wait3A_116 = arith.constant 0 : i32
      %dma_wait3A_117 = tpu.memref_slice %arg2[%dma_wait3A_115, %dma_wait3A_116] : memref<10000x128xf32, #tpu.memory_space<hbm>> -> memref<10000x128xf32, #tpu.memory_space<hbm>>
      tpu.wait_indirect_dma semaphore(%arg21 : memref<!tpu.dma_semaphore, #tpu.memory_space<semaphore_mem>>) src(%dma_wait3A_117 : memref<10000x128xf32, #tpu.memory_space<hbm>>) dst(%arg14 : memref<128x128xf32, #tpu.memory_space<vmem>>)
      %dma_start3A_118 = arith.constant 0 : i32
      %dma_start3A_119 = arith.constant 0 : i32
      %dma_start3A_120 = tpu.memref_slice %arg15[%dma_start3A_118, %dma_start3A_119] : memref<10000x128xf32, #tpu.memory_space<vmem_shared>> -> memref<10000x128xf32, #tpu.memory_space<vmem_shared>>
      tpu.enqueue_indirect_dma source(%arg14 : memref<128x128xf32, #tpu.memory_space<vmem>>) target(%dma_start3A_120 : memref<10000x128xf32, #tpu.memory_space<vmem_shared>>) offsets(%arg11 : memref<128xi32, #tpu.memory_space<vmem>>) semaphore(%arg24 : memref<!tpu.dma_semaphore, #tpu.memory_space<semaphore_mem>>) {add = true}
      %dma_wait3A_121 = arith.constant 0 : i32
      %dma_wait3A_122 = arith.constant 0 : i32
      %dma_wait3A_123 = tpu.memref_slice %arg15[%dma_wait3A_121, %dma_wait3A_122] : memref<10000x128xf32, #tpu.memory_space<vmem_shared>> -> memref<10000x128xf32, #tpu.memory_space<vmem_shared>>
      tpu.wait_indirect_dma semaphore(%arg22 : memref<!tpu.dma_semaphore, #tpu.memory_space<semaphore_mem>>) src(%arg12 : memref<128x128xf32, #tpu.memory_space<vmem>>) dst(%dma_wait3A_123 : memref<10000x128xf32, #tpu.memory_space<vmem_shared>>)
      %dma_wait3A_124 = arith.constant 0 : i32
      %dma_wait3A_125 = arith.constant 0 : i32
      %dma_wait3A_126 = tpu.memref_slice %arg15[%dma_wait3A_124, %dma_wait3A_125] : memref<10000x128xf32, #tpu.memory_space<vmem_shared>> -> memref<10000x128xf32, #tpu.memory_space<vmem_shared>>
      tpu.wait_indirect_dma semaphore(%arg23 : memref<!tpu.dma_semaphore, #tpu.memory_space<semaphore_mem>>) src(%arg13 : memref<128x128xf32, #tpu.memory_space<vmem>>) dst(%dma_wait3A_126 : memref<10000x128xf32, #tpu.memory_space<vmem_shared>>)
      %dma_wait3A_127 = arith.constant 0 : i32
      %dma_wait3A_128 = arith.constant 0 : i32
      %dma_wait3A_129 = tpu.memref_slice %arg15[%dma_wait3A_127, %dma_wait3A_128] : memref<10000x128xf32, #tpu.memory_space<vmem_shared>> -> memref<10000x128xf32, #tpu.memory_space<vmem_shared>>
      tpu.wait_indirect_dma semaphore(%arg24 : memref<!tpu.dma_semaphore, #tpu.memory_space<semaphore_mem>>) src(%arg14 : memref<128x128xf32, #tpu.memory_space<vmem>>) dst(%dma_wait3A_129 : memref<10000x128xf32, #tpu.memory_space<vmem_shared>>)
    }
    %scan3A_25 = arith.constant 26 : i32
    %add3A_26 = arith.constant 9984 : i32
    %add3A_27 = arith.addi %mul3A_19, %add3A_26 : i32
    "tpu.region"() ({
      %run_scoped3A = tpu.sem_alloc : memref<!tpu.dma_semaphore, #tpu.memory_space<semaphore_mem>>
      %dma_start3A_48 = arith.constant 0 : i32
      %dma_start3A_49 = tpu.memref_slice %arg6[%dma_start3A_48] : memref<128xi32, #tpu.memory_space<vmem>> -> memref<16xi32, #tpu.memory_space<vmem>>
      %dma_start3A_50 = tpu.memref_slice %arg3[%add3A_27] : memref<320000xi32, #tpu.memory_space<hbm>> -> memref<16xi32, #tpu.memory_space<hbm>>
      %dma_start3A_51 = arith.constant 0 : i32
      %dma_start3A_52 = tpu.memref_slice %arg6[%dma_start3A_51] : memref<128xi32, #tpu.memory_space<vmem>> -> memref<16xi32, #tpu.memory_space<vmem>>
      %dma_start3A_53 = tpu.memref_slice %arg3[%add3A_27] : memref<320000xi32, #tpu.memory_space<hbm>> -> memref<16xi32, #tpu.memory_space<hbm>>
      tpu.enqueue_dma source(%dma_start3A_53 : memref<16xi32, #tpu.memory_space<hbm>>) target(%dma_start3A_52 : memref<16xi32, #tpu.memory_space<vmem>>) target_semaphore(%run_scoped3A : memref<!tpu.dma_semaphore, #tpu.memory_space<semaphore_mem>>)
      %dma_wait3A_54 = arith.constant 0 : i32
      %dma_wait3A_55 = tpu.memref_slice %arg6[%dma_wait3A_54] : memref<128xi32, #tpu.memory_space<vmem>> -> memref<16xi32, #tpu.memory_space<vmem>>
      %dma_wait3A_56 = tpu.memref_slice %arg3[%add3A_27] : memref<320000xi32, #tpu.memory_space<hbm>> -> memref<16xi32, #tpu.memory_space<hbm>>
      %dma_wait3A_57 = arith.constant 0 : i32
      %dma_wait3A_58 = tpu.memref_slice %arg6[%dma_wait3A_57] : memref<128xi32, #tpu.memory_space<vmem>> -> memref<16xi32, #tpu.memory_space<vmem>>
      %dma_wait3A_59 = tpu.memref_slice %arg3[%add3A_27] : memref<320000xi32, #tpu.memory_space<hbm>> -> memref<16xi32, #tpu.memory_space<hbm>>
      tpu.wait_dma2 semaphore(%run_scoped3A : memref<!tpu.dma_semaphore, #tpu.memory_space<semaphore_mem>>) src(%dma_wait3A_59 : memref<16xi32, #tpu.memory_space<hbm>>) dst(%dma_wait3A_58 : memref<16xi32, #tpu.memory_space<vmem>>)
      tpu.yield
    }) : () -> ()
    "tpu.region"() ({
      %run_scoped3A = tpu.sem_alloc : memref<!tpu.dma_semaphore, #tpu.memory_space<semaphore_mem>>
      %dma_start3A_48 = arith.constant 0 : i32
      %dma_start3A_49 = tpu.memref_slice %arg9[%dma_start3A_48] : memref<128xi32, #tpu.memory_space<vmem>> -> memref<16xi32, #tpu.memory_space<vmem>>
      %dma_start3A_50 = tpu.memref_slice %arg4[%add3A_27] : memref<320000xi32, #tpu.memory_space<hbm>> -> memref<16xi32, #tpu.memory_space<hbm>>
      %dma_start3A_51 = arith.constant 0 : i32
      %dma_start3A_52 = tpu.memref_slice %arg9[%dma_start3A_51] : memref<128xi32, #tpu.memory_space<vmem>> -> memref<16xi32, #tpu.memory_space<vmem>>
      %dma_start3A_53 = tpu.memref_slice %arg4[%add3A_27] : memref<320000xi32, #tpu.memory_space<hbm>> -> memref<16xi32, #tpu.memory_space<hbm>>
      tpu.enqueue_dma source(%dma_start3A_53 : memref<16xi32, #tpu.memory_space<hbm>>) target(%dma_start3A_52 : memref<16xi32, #tpu.memory_space<vmem>>) target_semaphore(%run_scoped3A : memref<!tpu.dma_semaphore, #tpu.memory_space<semaphore_mem>>)
      %dma_wait3A_54 = arith.constant 0 : i32
      %dma_wait3A_55 = tpu.memref_slice %arg9[%dma_wait3A_54] : memref<128xi32, #tpu.memory_space<vmem>> -> memref<16xi32, #tpu.memory_space<vmem>>
      %dma_wait3A_56 = tpu.memref_slice %arg4[%add3A_27] : memref<320000xi32, #tpu.memory_space<hbm>> -> memref<16xi32, #tpu.memory_space<hbm>>
      %dma_wait3A_57 = arith.constant 0 : i32
      %dma_wait3A_58 = tpu.memref_slice %arg9[%dma_wait3A_57] : memref<128xi32, #tpu.memory_space<vmem>> -> memref<16xi32, #tpu.memory_space<vmem>>
      %dma_wait3A_59 = tpu.memref_slice %arg4[%add3A_27] : memref<320000xi32, #tpu.memory_space<hbm>> -> memref<16xi32, #tpu.memory_space<hbm>>
      tpu.wait_dma2 semaphore(%run_scoped3A : memref<!tpu.dma_semaphore, #tpu.memory_space<semaphore_mem>>) src(%dma_wait3A_59 : memref<16xi32, #tpu.memory_space<hbm>>) dst(%dma_wait3A_58 : memref<16xi32, #tpu.memory_space<vmem>>)
      tpu.yield
    }) : () -> ()
    %dma_start3A = arith.constant 0 : i32
    %dma_start3A_28 = arith.constant 0 : i32
    %dma_start3A_29 = tpu.memref_slice %arg12[%dma_start3A, %dma_start3A_28] : memref<128x128xf32, #tpu.memory_space<vmem>> -> memref<16x128xf32, #tpu.memory_space<vmem>>
    %dma_start3A_30 = arith.constant 0 : i32
    %dma_start3A_31 = tpu.memref_slice %arg6[%dma_start3A_30] : memref<128xi32, #tpu.memory_space<vmem>> -> memref<16xi32, #tpu.memory_space<vmem>>
    %dma_start3A_32 = arith.constant 0 : i32
    %dma_start3A_33 = arith.constant 0 : i32
    %dma_start3A_34 = tpu.memref_slice %arg2[%dma_start3A_32, %dma_start3A_33] : memref<10000x128xf32, #tpu.memory_space<hbm>> -> memref<10000x128xf32, #tpu.memory_space<hbm>>
    tpu.enqueue_indirect_dma source(%dma_start3A_34 : memref<10000x128xf32, #tpu.memory_space<hbm>>) target(%dma_start3A_29 : memref<16x128xf32, #tpu.memory_space<vmem>>) offsets(%dma_start3A_31 : memref<16xi32, #tpu.memory_space<vmem>>) semaphore(%arg19 : memref<!tpu.dma_semaphore, #tpu.memory_space<semaphore_mem>>)
    %dma_wait3A = arith.constant 0 : i32
    %dma_wait3A_35 = arith.constant 0 : i32
    %dma_wait3A_36 = tpu.memref_slice %arg12[%dma_wait3A, %dma_wait3A_35] : memref<128x128xf32, #tpu.memory_space<vmem>> -> memref<16x128xf32, #tpu.memory_space<vmem>>
    %dma_wait3A_37 = arith.constant 0 : i32
    %dma_wait3A_38 = tpu.memref_slice %arg6[%dma_wait3A_37] : memref<128xi32, #tpu.memory_space<vmem>> -> memref<16xi32, #tpu.memory_space<vmem>>
    %dma_wait3A_39 = arith.constant 0 : i32
    %dma_wait3A_40 = arith.constant 0 : i32
    %dma_wait3A_41 = tpu.memref_slice %arg2[%dma_wait3A_39, %dma_wait3A_40] : memref<10000x128xf32, #tpu.memory_space<hbm>> -> memref<10000x128xf32, #tpu.memory_space<hbm>>
    tpu.wait_indirect_dma semaphore(%arg19 : memref<!tpu.dma_semaphore, #tpu.memory_space<semaphore_mem>>) src(%dma_wait3A_41 : memref<10000x128xf32, #tpu.memory_space<hbm>>) dst(%dma_wait3A_36 : memref<16x128xf32, #tpu.memory_space<vmem>>)
    "tpu.region"() ({
      %run_scoped3A = tpu.sem_alloc : memref<!tpu.dma_semaphore, #tpu.memory_space<semaphore_mem>>
      %dma_start3A_48 = arith.constant 0 : i32
      %dma_start3A_49 = arith.constant 0 : i32
      %dma_start3A_50 = tpu.memref_slice %arg12[%dma_start3A_48, %dma_start3A_49] : memref<128x128xf32, #tpu.memory_space<vmem>> -> memref<16x128xf32, #tpu.memory_space<vmem>>
      %dma_start3A_51 = arith.constant 0 : i32
      %dma_start3A_52 = tpu.memref_slice %arg9[%dma_start3A_51] : memref<128xi32, #tpu.memory_space<vmem>> -> memref<16xi32, #tpu.memory_space<vmem>>
      %dma_start3A_53 = arith.constant 0 : i32
      %dma_start3A_54 = arith.constant 0 : i32
      %dma_start3A_55 = tpu.memref_slice %arg15[%dma_start3A_53, %dma_start3A_54] : memref<10000x128xf32, #tpu.memory_space<vmem_shared>> -> memref<10000x128xf32, #tpu.memory_space<vmem_shared>>
      tpu.enqueue_indirect_dma source(%dma_start3A_50 : memref<16x128xf32, #tpu.memory_space<vmem>>) target(%dma_start3A_55 : memref<10000x128xf32, #tpu.memory_space<vmem_shared>>) offsets(%dma_start3A_52 : memref<16xi32, #tpu.memory_space<vmem>>) semaphore(%run_scoped3A : memref<!tpu.dma_semaphore, #tpu.memory_space<semaphore_mem>>) {add = true}
      %dma_wait3A_56 = arith.constant 0 : i32
      %dma_wait3A_57 = arith.constant 0 : i32
      %dma_wait3A_58 = tpu.memref_slice %arg12[%dma_wait3A_56, %dma_wait3A_57] : memref<128x128xf32, #tpu.memory_space<vmem>> -> memref<16x128xf32, #tpu.memory_space<vmem>>
      %dma_wait3A_59 = arith.constant 0 : i32
      %dma_wait3A_60 = tpu.memref_slice %arg9[%dma_wait3A_59] : memref<128xi32, #tpu.memory_space<vmem>> -> memref<16xi32, #tpu.memory_space<vmem>>
      %dma_wait3A_61 = arith.constant 0 : i32
      %dma_wait3A_62 = arith.constant 0 : i32
      %dma_wait3A_63 = tpu.memref_slice %arg15[%dma_wait3A_61, %dma_wait3A_62] : memref<10000x128xf32, #tpu.memory_space<vmem_shared>> -> memref<10000x128xf32, #tpu.memory_space<vmem_shared>>
      tpu.wait_indirect_dma semaphore(%run_scoped3A : memref<!tpu.dma_semaphore, #tpu.memory_space<semaphore_mem>>) src(%dma_wait3A_58 : memref<16x128xf32, #tpu.memory_space<vmem>>) dst(%dma_wait3A_63 : memref<10000x128xf32, #tpu.memory_space<vmem_shared>>)
      tpu.yield
    }) : () -> ()
    %barrier3A_42 = arith.constant 0 : index
    tpu.barrier barrier_id(%barrier3A_42)
    "tpu.region"() ({
      %run_scoped3A = tpu.sem_alloc : memref<!tpu.dma_semaphore, #tpu.memory_space<semaphore_mem>>
      %dma_start3A_48 = arith.constant 0 : i32
      %dma_start3A_49 = arith.constant 0 : i32
      %dma_start3A_50 = tpu.memref_slice %arg5[%arg0, %dma_start3A_48, %dma_start3A_49] : memref<2x10000x128xf32, #tpu.memory_space<hbm>> -> memref<1x10000x128xf32, #tpu.memory_space<hbm>>
      %dma_start3A_51 = tpu.memref_squeeze %dma_start3A_50 : memref<1x10000x128xf32, #tpu.memory_space<hbm>> -> memref<10000x128xf32, #tpu.memory_space<hbm>>
      %dma_start3A_52 = arith.constant 0 : i32
      %dma_start3A_53 = tpu.memref_slice %dma_start3A_51[%mul3A_7, %dma_start3A_52] : memref<10000x128xf32, #tpu.memory_space<hbm>> -> memref<624x128xf32, #tpu.memory_space<hbm>>
      %dma_start3A_54 = arith.constant 0 : i32
      %dma_start3A_55 = tpu.memref_slice %arg15[%mul3A_7, %dma_start3A_54] : memref<10000x128xf32, #tpu.memory_space<vmem_shared>> -> memref<624x128xf32, #tpu.memory_space<vmem_shared>>
      tpu.enqueue_dma source(%dma_start3A_55 : memref<624x128xf32, #tpu.memory_space<vmem_shared>>) target(%dma_start3A_53 : memref<624x128xf32, #tpu.memory_space<hbm>>) target_semaphore(%run_scoped3A : memref<!tpu.dma_semaphore, #tpu.memory_space<semaphore_mem>>)
      %dma_wait3A_56 = arith.constant 0 : i32
      %dma_wait3A_57 = arith.constant 0 : i32
      %dma_wait3A_58 = tpu.memref_slice %arg5[%arg0, %dma_wait3A_56, %dma_wait3A_57] : memref<2x10000x128xf32, #tpu.memory_space<hbm>> -> memref<1x10000x128xf32, #tpu.memory_space<hbm>>
      %dma_wait3A_59 = tpu.memref_squeeze %dma_wait3A_58 : memref<1x10000x128xf32, #tpu.memory_space<hbm>> -> memref<10000x128xf32, #tpu.memory_space<hbm>>
      %dma_wait3A_60 = arith.constant 0 : i32
      %dma_wait3A_61 = tpu.memref_slice %dma_wait3A_59[%mul3A_7, %dma_wait3A_60] : memref<10000x128xf32, #tpu.memory_space<hbm>> -> memref<624x128xf32, #tpu.memory_space<hbm>>
      %dma_wait3A_62 = arith.constant 0 : i32
      %dma_wait3A_63 = tpu.memref_slice %arg15[%mul3A_7, %dma_wait3A_62] : memref<10000x128xf32, #tpu.memory_space<vmem_shared>> -> memref<624x128xf32, #tpu.memory_space<vmem_shared>>
      tpu.wait_dma2 semaphore(%run_scoped3A : memref<!tpu.dma_semaphore, #tpu.memory_space<semaphore_mem>>) src(%dma_wait3A_63 : memref<624x128xf32, #tpu.memory_space<vmem_shared>>) dst(%dma_wait3A_61 : memref<624x128xf32, #tpu.memory_space<hbm>>)
      tpu.yield
    }) : () -> ()
    %eq3A_43 = arith.constant 15 : i32
    %eq3A_44 = arith.cmpi eq, %arg1, %eq3A_43 : i32
    %convert_element_type3A_45 = arith.extui %eq3A_44 : i1 to i32
    %cond3A_46 = arith.constant 0 : i32
    %cond3A_47 = arith.cmpi ne, %convert_element_type3A_45, %cond3A_46 : i32
    scf.if %cond3A_47 {
      "tpu.region"() ({
        %run_scoped3A = tpu.sem_alloc : memref<!tpu.dma_semaphore, #tpu.memory_space<semaphore_mem>>
        %dma_start3A_48 = arith.constant 0 : i32
        %dma_start3A_49 = arith.constant 0 : i32
        %dma_start3A_50 = tpu.memref_slice %arg5[%arg0, %dma_start3A_48, %dma_start3A_49] : memref<2x10000x128xf32, #tpu.memory_space<hbm>> -> memref<1x10000x128xf32, #tpu.memory_space<hbm>>
        %dma_start3A_51 = tpu.memref_squeeze %dma_start3A_50 : memref<1x10000x128xf32, #tpu.memory_space<hbm>> -> memref<10000x128xf32, #tpu.memory_space<hbm>>
        %dma_start3A_52 = arith.constant 9984 : i32
        %dma_start3A_53 = arith.constant 0 : i32
        %dma_start3A_54 = tpu.memref_slice %dma_start3A_51[%dma_start3A_52, %dma_start3A_53] : memref<10000x128xf32, #tpu.memory_space<hbm>> -> memref<16x128xf32, #tpu.memory_space<hbm>>
        %dma_start3A_55 = arith.constant 9984 : i32
        %dma_start3A_56 = arith.constant 0 : i32
        %dma_start3A_57 = tpu.memref_slice %arg15[%dma_start3A_55, %dma_start3A_56] : memref<10000x128xf32, #tpu.memory_space<vmem_shared>> -> memref<16x128xf32, #tpu.memory_space<vmem_shared>>
        tpu.enqueue_dma source(%dma_start3A_57 : memref<16x128xf32, #tpu.memory_space<vmem_shared>>) target(%dma_start3A_54 : memref<16x128xf32, #tpu.memory_space<hbm>>) target_semaphore(%run_scoped3A : memref<!tpu.dma_semaphore, #tpu.memory_space<semaphore_mem>>)
        %dma_wait3A_58 = arith.constant 0 : i32
        %dma_wait3A_59 = arith.constant 0 : i32
        %dma_wait3A_60 = tpu.memref_slice %arg5[%arg0, %dma_wait3A_58, %dma_wait3A_59] : memref<2x10000x128xf32, #tpu.memory_space<hbm>> -> memref<1x10000x128xf32, #tpu.memory_space<hbm>>
        %dma_wait3A_61 = tpu.memref_squeeze %dma_wait3A_60 : memref<1x10000x128xf32, #tpu.memory_space<hbm>> -> memref<10000x128xf32, #tpu.memory_space<hbm>>
        %dma_wait3A_62 = arith.constant 9984 : i32
        %dma_wait3A_63 = arith.constant 0 : i32
        %dma_wait3A_64 = tpu.memref_slice %dma_wait3A_61[%dma_wait3A_62, %dma_wait3A_63] : memref<10000x128xf32, #tpu.memory_space<hbm>> -> memref<16x128xf32, #tpu.memory_space<hbm>>
        %dma_wait3A_65 = arith.constant 9984 : i32
        %dma_wait3A_66 = arith.constant 0 : i32
        %dma_wait3A_67 = tpu.memref_slice %arg15[%dma_wait3A_65, %dma_wait3A_66] : memref<10000x128xf32, #tpu.memory_space<vmem_shared>> -> memref<16x128xf32, #tpu.memory_space<vmem_shared>>
        tpu.wait_dma2 semaphore(%run_scoped3A : memref<!tpu.dma_semaphore, #tpu.memory_space<semaphore_mem>>) src(%dma_wait3A_67 : memref<16x128xf32, #tpu.memory_space<vmem_shared>>) dst(%dma_wait3A_64 : memref<16x128xf32, #tpu.memory_space<hbm>>)
        tpu.yield
      }) : () -> ()
    } else {
    }
    return
  }
}

#map = affine_map<(d0, d1) -> (0, 0)>
#map1 = affine_map<(d0, d1) -> (0)>
#map2 = affine_map<(d0, d1) -> (0, 0, 0)>
module attributes {stable_mosaic.version = 14 : i64} {
  func.func @scatter_kernel(%arg0: i32, %arg1: i32, %arg2: memref<10000x128xf32, #tpu.memory_space<hbm>>, %arg3: memref<320000xi32, #tpu.memory_space<hbm>>, %arg4: memref<320000xi32, #tpu.memory_space<hbm>>, %arg5: memref<2x10000x128xf32, #tpu.memory_space<hbm>>, %arg6: memref<128xi32, #tpu.memory_space<vmem>>, %arg7: memref<128xi32, #tpu.memory_space<vmem>>, %arg8: memref<128xi32, #tpu.memory_space<vmem>>, %arg9: memref<128xi32, #tpu.memory_space<vmem>>, %arg10: memref<128xi32, #tpu.memory_space<vmem>>, %arg11: memref<128xi32, #tpu.memory_space<vmem>>, %arg12: memref<128x128xf32, #tpu.memory_space<vmem>>, %arg13: memref<128x128xf32, #tpu.memory_space<vmem>>, %arg14: memref<128x128xf32, #tpu.memory_space<vmem>>, %arg15: memref<10000x128xf32, #tpu.memory_space<vmem_shared>>, %arg16: memref<!tpu.dma_semaphore, #tpu.memory_space<semaphore_mem>>, %arg17: memref<!tpu.dma_semaphore, #tpu.memory_space<semaphore_mem>>, %arg18: memref<!tpu.dma_semaphore, #tpu.memory_space<semaphore_mem>>, %arg19: memref<!tpu.dma_semaphore, #tpu.memory_space<semaphore_mem>>, %arg20: memref<!tpu.dma_semaphore, #tpu.memory_space<semaphore_mem>>, %arg21: memref<!tpu.dma_semaphore, #tpu.memory_space<semaphore_mem>>, %arg22: memref<!tpu.dma_semaphore, #tpu.memory_space<semaphore_mem>>, %arg23: memref<!tpu.dma_semaphore, #tpu.memory_space<semaphore_mem>>, %arg24: memref<!tpu.dma_semaphore, #tpu.memory_space<semaphore_mem>>) attributes {dimension_semantics = [#tpu.dimension_semantics<core_parallel>, #tpu.dimension_semantics<subcore_parallel>], iteration_bounds = array<i64: 2, 16>, scalar_prefetch = 0 : i64, scratch_operands = 19 : i64, tpu.core_type = #tpu.core_type<sc_vector_subcore>, window_params = [{transform_indices = #map}, {transform_indices = #map1}, {transform_indices = #map1}, {transform_indices = #map2}]} {
    %mul3A = arith.constant 2 : i32
    %mul3A_0 = arith.muli %arg1, %mul3A : i32
    %add3A = arith.addi %mul3A_0, %arg0 : i32
    %scan3A = arith.constant 0 : i32
    %scan3A_1 = arith.constant 0 : i32
    %scan3A_2 = arith.constant 1024 : i32
    %scan3A_3 = arith.addi %scan3A_1, %scan3A_2 : i32
    %scan3A_4 = arith.constant 1 : i32
    scf.for %scan3A_48 = %scan3A_1 to %scan3A_3 step %scan3A_4  : i32 {
      %jit3A = arith.constant 8 : i32
      %div3A = arith.divsi %scan3A_48, %jit3A : i32
      %sign3A = arith.constant 0 : i32
      %sign3A_49 = arith.cmpi sgt, %scan3A_48, %sign3A : i32
      %sign3A_50 = arith.extui %sign3A_49 : i1 to i32
      %sign3A_51 = arith.constant 0 : i32
      %sign3A_52 = arith.cmpi slt, %scan3A_48, %sign3A_51 : i32
      %sign3A_53 = arith.extui %sign3A_52 : i1 to i32
      %sign3A_54 = arith.subi %sign3A_50, %sign3A_53 : i32
      %sign3A_55 = arith.constant 0 : i32
      %sign3A_56 = arith.cmpi sgt, %jit3A, %sign3A_55 : i32
      %sign3A_57 = arith.extui %sign3A_56 : i1 to i32
      %sign3A_58 = arith.constant 0 : i32
      %sign3A_59 = arith.cmpi slt, %jit3A, %sign3A_58 : i32
      %sign3A_60 = arith.extui %sign3A_59 : i1 to i32
      %sign3A_61 = arith.subi %sign3A_57, %sign3A_60 : i32
      %ne3A = arith.cmpi ne, %sign3A_54, %sign3A_61 : i32
      %rem3A = arith.remsi %scan3A_48, %jit3A : i32
      %ne3A_62 = arith.constant 0 : i32
      %ne3A_63 = arith.cmpi ne, %rem3A, %ne3A_62 : i32
      %and3A = arith.andi %ne3A, %ne3A_63 : i1
      %sub3A = arith.constant 1 : i32
      %sub3A_64 = arith.subi %div3A, %sub3A : i32
      %select_n3A = arith.select %and3A, %sub3A_64, %div3A : i32
      %jit3A_65 = arith.constant 8 : i32
      %eq3A_66 = arith.constant 0 : i32
      %eq3A_67 = arith.cmpi eq, %jit3A_65, %eq3A_66 : i32
      %jit3A_68 = arith.constant 1 : i32
      %select_n3A_69 = arith.select %eq3A_67, %jit3A_68, %jit3A_65 : i32
      %rem3A_70 = arith.remsi %scan3A_48, %select_n3A_69 : i32
      %ne3A_71 = arith.constant 0 : i32
      %ne3A_72 = arith.cmpi ne, %rem3A_70, %ne3A_71 : i32
      %lt3A = arith.constant 0 : i32
      %lt3A_73 = arith.cmpi slt, %rem3A_70, %lt3A : i32
      %lt3A_74 = arith.constant 0 : i32
      %lt3A_75 = arith.cmpi slt, %select_n3A_69, %lt3A_74 : i32
      %ne3A_76 = arith.xori %lt3A_73, %lt3A_75 : i1
      %and3A_77 = arith.andi %ne3A_76, %ne3A_72 : i1
      %add3A_78 = arith.addi %rem3A_70, %select_n3A_69 : i32
      %select_n3A_79 = arith.select %and3A_77, %add3A_78, %rem3A_70 : i32
      %mul3A_80 = arith.constant 16 : i32
      %mul3A_81 = arith.muli %select_n3A_79, %mul3A_80 : i32
      %broadcast_in_dim3A = arith.constant 0.000000e+00 : f32
      %broadcast_in_dim3A_82 = vector.broadcast %broadcast_in_dim3A : f32 to vector<16xf32>
      %swap3A = arith.index_cast %select_n3A : i32 to index
      %swap3A_83 = arith.index_cast %mul3A_81 : i32 to index
      %swap3A_84 = tpu.vector_load %arg12[%swap3A, %swap3A_83] {strides = array<i32>} : memref<128x128xf32, #tpu.memory_space<vmem>>, vector<1x16xf32>,
      %swap3A_85 = vector.shape_cast %swap3A_84 : vector<1x16xf32> to vector<16xf32>
      %swap3A_86 = vector.shape_cast %broadcast_in_dim3A_82 : vector<16xf32> to vector<1x16xf32>
      tpu.vector_store %arg12[%swap3A, %swap3A_83], %swap3A_86 {strides = array<i32>} : memref<128x128xf32, #tpu.memory_space<vmem>>, vector<1x16xf32>,
    }
    %scan3A_5 = arith.constant 1024 : i32
    %mul3A_6 = arith.constant 624 : i32
    %mul3A_7 = arith.muli %arg1, %mul3A_6 : i32
    %scan3A_8 = arith.constant 0 : i32
    %scan3A_9 = arith.constant 0 : i32
    %scan3A_10 = arith.constant 4 : i32
    %scan3A_11 = arith.addi %scan3A_9, %scan3A_10 : i32
    %scan3A_12 = arith.constant 1 : i32
    scf.for %scan3A_48 = %scan3A_9 to %scan3A_11 step %scan3A_12  : i32 {
      %mul3A_49 = arith.constant 128 : i32
      %mul3A_50 = arith.muli %scan3A_48, %mul3A_49 : i32
      %add3A_51 = arith.addi %mul3A_7, %mul3A_50 : i32
      "tpu.region"() ({
        %run_scoped3A = tpu.sem_alloc : memref<!tpu.dma_semaphore, #tpu.memory_space<semaphore_mem>>
        %dma_start3A_52 = arith.constant 0 : i32
        %dma_start3A_53 = arith.constant 0 : i32
        %dma_start3A_54 = tpu.memref_slice %arg12[%dma_start3A_52, %dma_start3A_53] : memref<128x128xf32, #tpu.memory_space<vmem>> -> memref<128x128xf32, #tpu.memory_space<vmem>>
        %dma_start3A_55 = arith.constant 0 : i32
        %dma_start3A_56 = tpu.memref_slice %arg15[%add3A_51, %dma_start3A_55] : memref<10000x128xf32, #tpu.memory_space<vmem_shared>> -> memref<128x128xf32, #tpu.memory_space<vmem_shared>>
        %dma_start3A_57 = arith.constant 0 : i32
        %dma_start3A_58 = tpu.memref_slice %arg15[%add3A_51, %dma_start3A_57] : memref<10000x128xf32, #tpu.memory_space<vmem_shared>> -> memref<128x128xf32, #tpu.memory_space<vmem_shared>>
        %dma_start3A_59 = arith.constant 0 : i32
        %dma_start3A_60 = arith.constant 0 : i32
        %dma_start3A_61 = tpu.memref_slice %arg12[%dma_start3A_59, %dma_start3A_60] : memref<128x128xf32, #tpu.memory_space<vmem>> -> memref<128x128xf32, #tpu.memory_space<vmem>>
        tpu.enqueue_dma source(%dma_start3A_61 : memref<128x128xf32, #tpu.memory_space<vmem>>) target(%dma_start3A_58 : memref<128x128xf32, #tpu.memory_space<vmem_shared>>) target_semaphore(%run_scoped3A : memref<!tpu.dma_semaphore, #tpu.memory_space<semaphore_mem>>)
        %dma_wait3A_62 = arith.constant 0 : i32
        %dma_wait3A_63 = arith.constant 0 : i32
        %dma_wait3A_64 = tpu.memref_slice %arg12[%dma_wait3A_62, %dma_wait3A_63] : memref<128x128xf32, #tpu.memory_space<vmem>> -> memref<128x128xf32, #tpu.memory_space<vmem>>
        %dma_wait3A_65 = arith.constant 0 : i32
        %dma_wait3A_66 = tpu.memref_slice %arg15[%add3A_51, %dma_wait3A_65] : memref<10000x128xf32, #tpu.memory_space<vmem_shared>> -> memref<128x128xf32, #tpu.memory_space<vmem_shared>>
        %dma_wait3A_67 = arith.constant 0 : i32
        %dma_wait3A_68 = tpu.memref_slice %arg15[%add3A_51, %dma_wait3A_67] : memref<10000x128xf32, #tpu.memory_space<vmem_shared>> -> memref<128x128xf32, #tpu.memory_space<vmem_shared>>
        %dma_wait3A_69 = arith.constant 0 : i32
        %dma_wait3A_70 = arith.constant 0 : i32
        %dma_wait3A_71 = tpu.memref_slice %arg12[%dma_wait3A_69, %dma_wait3A_70] : memref<128x128xf32, #tpu.memory_space<vmem>> -> memref<128x128xf32, #tpu.memory_space<vmem>>
        tpu.wait_dma2 semaphore(%run_scoped3A : memref<!tpu.dma_semaphore, #tpu.memory_space<semaphore_mem>>) src(%dma_wait3A_71 : memref<128x128xf32, #tpu.memory_space<vmem>>) dst(%dma_wait3A_68 : memref<128x128xf32, #tpu.memory_space<vmem_shared>>)
        tpu.yield
      }) : () -> ()
    }
    %scan3A_13 = arith.constant 4 : i32
    %add3A_14 = arith.constant 512 : i32
    %add3A_15 = arith.addi %mul3A_7, %add3A_14 : i32
    "tpu.region"() ({
      %run_scoped3A = tpu.sem_alloc : memref<!tpu.dma_semaphore, #tpu.memory_space<semaphore_mem>>
      %dma_start3A_48 = arith.constant 0 : i32
      %dma_start3A_49 = arith.constant 0 : i32
      %dma_start3A_50 = tpu.memref_slice %arg12[%dma_start3A_48, %dma_start3A_49] : memref<128x128xf32, #tpu.memory_space<vmem>> -> memref<112x128xf32, #tpu.memory_space<vmem>>
      %dma_start3A_51 = arith.constant 0 : i32
      %dma_start3A_52 = tpu.memref_slice %arg15[%add3A_15, %dma_start3A_51] : memref<10000x128xf32, #tpu.memory_space<vmem_shared>> -> memref<112x128xf32, #tpu.memory_space<vmem_shared>>
      %dma_start3A_53 = arith.constant 0 : i32
      %dma_start3A_54 = tpu.memref_slice %arg15[%add3A_15, %dma_start3A_53] : memref<10000x128xf32, #tpu.memory_space<vmem_shared>> -> memref<112x128xf32, #tpu.memory_space<vmem_shared>>
      %dma_start3A_55 = arith.constant 0 : i32
      %dma_start3A_56 = arith.constant 0 : i32
      %dma_start3A_57 = tpu.memref_slice %arg12[%dma_start3A_55, %dma_start3A_56] : memref<128x128xf32, #tpu.memory_space<vmem>> -> memref<112x128xf32, #tpu.memory_space<vmem>>
      tpu.enqueue_dma source(%dma_start3A_57 : memref<112x128xf32, #tpu.memory_space<vmem>>) target(%dma_start3A_54 : memref<112x128xf32, #tpu.memory_space<vmem_shared>>) target_semaphore(%run_scoped3A : memref<!tpu.dma_semaphore, #tpu.memory_space<semaphore_mem>>)
      %dma_wait3A_58 = arith.constant 0 : i32
      %dma_wait3A_59 = arith.constant 0 : i32
      %dma_wait3A_60 = tpu.memref_slice %arg12[%dma_wait3A_58, %dma_wait3A_59] : memref<128x128xf32, #tpu.memory_space<vmem>> -> memref<112x128xf32, #tpu.memory_space<vmem>>
      %dma_wait3A_61 = arith.constant 0 : i32
      %dma_wait3A_62 = tpu.memref_slice %arg15[%add3A_15, %dma_wait3A_61] : memref<10000x128xf32, #tpu.memory_space<vmem_shared>> -> memref<112x128xf32, #tpu.memory_space<vmem_shared>>
      %dma_wait3A_63 = arith.constant 0 : i32
      %dma_wait3A_64 = tpu.memref_slice %arg15[%add3A_15, %dma_wait3A_63] : memref<10000x128xf32, #tpu.memory_space<vmem_shared>> -> memref<112x128xf32, #tpu.memory_space<vmem_shared>>
      %dma_wait3A_65 = arith.constant 0 : i32
      %dma_wait3A_66 = arith.constant 0 : i32
      %dma_wait3A_67 = tpu.memref_slice %arg12[%dma_wait3A_65, %dma_wait3A_66] : memref<128x128xf32, #tpu.memory_space<vmem>> -> memref<112x128xf32, #tpu.memory_space<vmem>>
      tpu.wait_dma2 semaphore(%run_scoped3A : memref<!tpu.dma_semaphore, #tpu.memory_space<semaphore_mem>>) src(%dma_wait3A_67 : memref<112x128xf32, #tpu.memory_space<vmem>>) dst(%dma_wait3A_64 : memref<112x128xf32, #tpu.memory_space<vmem_shared>>)
      tpu.yield
    }) : () -> ()
    %eq3A = arith.constant 15 : i32
    %eq3A_16 = arith.cmpi eq, %arg1, %eq3A : i32
    %convert_element_type3A = arith.extui %eq3A_16 : i1 to i32
    %cond3A = arith.constant 0 : i32
    %cond3A_17 = arith.cmpi ne, %convert_element_type3A, %cond3A : i32
    scf.if %cond3A_17 {
      "tpu.region"() ({
        %run_scoped3A = tpu.sem_alloc : memref<!tpu.dma_semaphore, #tpu.memory_space<semaphore_mem>>
        %dma_start3A_48 = arith.constant 0 : i32
        %dma_start3A_49 = arith.constant 0 : i32
        %dma_start3A_50 = tpu.memref_slice %arg12[%dma_start3A_48, %dma_start3A_49] : memref<128x128xf32, #tpu.memory_space<vmem>> -> memref<16x128xf32, #tpu.memory_space<vmem>>
        %dma_start3A_51 = arith.constant 9984 : i32
        %dma_start3A_52 = arith.constant 0 : i32
        %dma_start3A_53 = tpu.memref_slice %arg15[%dma_start3A_51, %dma_start3A_52] : memref<10000x128xf32, #tpu.memory_space<vmem_shared>> -> memref<16x128xf32, #tpu.memory_space<vmem_shared>>
        %dma_start3A_54 = arith.constant 9984 : i32
        %dma_start3A_55 = arith.constant 0 : i32
        %dma_start3A_56 = tpu.memref_slice %arg15[%dma_start3A_54, %dma_start3A_55] : memref<10000x128xf32, #tpu.memory_space<vmem_shared>> -> memref<16x128xf32, #tpu.memory_space<vmem_shared>>
        %dma_start3A_57 = arith.constant 0 : i32
        %dma_start3A_58 = arith.constant 0 : i32
        %dma_start3A_59 = tpu.memref_slice %arg12[%dma_start3A_57, %dma_start3A_58] : memref<128x128xf32, #tpu.memory_space<vmem>> -> memref<16x128xf32, #tpu.memory_space<vmem>>
        tpu.enqueue_dma source(%dma_start3A_59 : memref<16x128xf32, #tpu.memory_space<vmem>>) target(%dma_start3A_56 : memref<16x128xf32, #tpu.memory_space<vmem_shared>>) target_semaphore(%run_scoped3A : memref<!tpu.dma_semaphore, #tpu.memory_space<semaphore_mem>>)
        %dma_wait3A_60 = arith.constant 0 : i32
        %dma_wait3A_61 = arith.constant 0 : i32
        %dma_wait3A_62 = tpu.memref_slice %arg12[%dma_wait3A_60, %dma_wait3A_61] : memref<128x128xf32, #tpu.memory_space<vmem>> -> memref<16x128xf32, #tpu.memory_space<vmem>>
        %dma_wait3A_63 = arith.constant 9984 : i32
        %dma_wait3A_64 = arith.constant 0 : i32
        %dma_wait3A_65 = tpu.memref_slice %arg15[%dma_wait3A_63, %dma_wait3A_64] : memref<10000x128xf32, #tpu.memory_space<vmem_shared>> -> memref<16x128xf32, #tpu.memory_space<vmem_shared>>
        %dma_wait3A_66 = arith.constant 9984 : i32
        %dma_wait3A_67 = arith.constant 0 : i32
        %dma_wait3A_68 = tpu.memref_slice %arg15[%dma_wait3A_66, %dma_wait3A_67] : memref<10000x128xf32, #tpu.memory_space<vmem_shared>> -> memref<16x128xf32, #tpu.memory_space<vmem_shared>>
        %dma_wait3A_69 = arith.constant 0 : i32
        %dma_wait3A_70 = arith.constant 0 : i32
        %dma_wait3A_71 = tpu.memref_slice %arg12[%dma_wait3A_69, %dma_wait3A_70] : memref<128x128xf32, #tpu.memory_space<vmem>> -> memref<16x128xf32, #tpu.memory_space<vmem>>
        tpu.wait_dma2 semaphore(%run_scoped3A : memref<!tpu.dma_semaphore, #tpu.memory_space<semaphore_mem>>) src(%dma_wait3A_71 : memref<16x128xf32, #tpu.memory_space<vmem>>) dst(%dma_wait3A_68 : memref<16x128xf32, #tpu.memory_space<vmem_shared>>)
        tpu.yield
      }) : () -> ()
    } else {
    }
    %barrier3A = arith.constant 0 : index
    tpu.barrier barrier_id(%barrier3A)
    %mul3A_18 = arith.constant 10000 : i32
    %mul3A_19 = arith.muli %add3A, %mul3A_18 : i32
    %scan3A_20 = arith.constant 0 : i32
    %scan3A_21 = arith.constant 0 : i32
    %scan3A_22 = arith.constant 26 : i32
    %scan3A_23 = arith.addi %scan3A_21, %scan3A_22 : i32
    %scan3A_24 = arith.constant 1 : i32
    scf.for %scan3A_48 = %scan3A_21 to %scan3A_23 step %scan3A_24  : i32 {
      %mul3A_49 = arith.constant 3 : i32
      %mul3A_50 = arith.muli %mul3A_49, %scan3A_48 : i32
      %add3A_51 = arith.constant 0 : i32
      %add3A_52 = arith.addi %mul3A_50, %add3A_51 : i32
      %mul3A_53 = arith.constant 128 : i32
      %mul3A_54 = arith.muli %add3A_52, %mul3A_53 : i32
      %add3A_55 = arith.addi %mul3A_19, %mul3A_54 : i32
      %dma_start3A_56 = tpu.memref_slice %arg3[%add3A_55] : memref<320000xi32, #tpu.memory_space<hbm>> -> memref<128xi32, #tpu.memory_space<hbm>>
      %dma_start3A_57 = tpu.memref_slice %arg3[%add3A_55] : memref<320000xi32, #tpu.memory_space<hbm>> -> memref<128xi32, #tpu.memory_space<hbm>>
      tpu.enqueue_dma source(%dma_start3A_57 : memref<128xi32, #tpu.memory_space<hbm>>) target(%arg6 : memref<128xi32, #tpu.memory_space<vmem>>) target_semaphore(%arg16 : memref<!tpu.dma_semaphore, #tpu.memory_space<semaphore_mem>>)
      %dma_start3A_58 = tpu.memref_slice %arg4[%add3A_55] : memref<320000xi32, #tpu.memory_space<hbm>> -> memref<128xi32, #tpu.memory_space<hbm>>
      %dma_start3A_59 = tpu.memref_slice %arg4[%add3A_55] : memref<320000xi32, #tpu.memory_space<hbm>> -> memref<128xi32, #tpu.memory_space<hbm>>
      tpu.enqueue_dma source(%dma_start3A_59 : memref<128xi32, #tpu.memory_space<hbm>>) target(%arg9 : memref<128xi32, #tpu.memory_space<vmem>>) target_semaphore(%arg16 : memref<!tpu.dma_semaphore, #tpu.memory_space<semaphore_mem>>)
      %mul3A_60 = arith.constant 3 : i32
      %mul3A_61 = arith.muli %mul3A_60, %scan3A_48 : i32
      %add3A_62 = arith.constant 1 : i32
      %add3A_63 = arith.addi %mul3A_61, %add3A_62 : i32
      %mul3A_64 = arith.constant 128 : i32
      %mul3A_65 = arith.muli %add3A_63, %mul3A_64 : i32
      %add3A_66 = arith.addi %mul3A_19, %mul3A_65 : i32
      %dma_start3A_67 = tpu.memref_slice %arg3[%add3A_66] : memref<320000xi32, #tpu.memory_space<hbm>> -> memref<128xi32, #tpu.memory_space<hbm>>
      %dma_start3A_68 = tpu.memref_slice %arg3[%add3A_66] : memref<320000xi32, #tpu.memory_space<hbm>> -> memref<128xi32, #tpu.memory_space<hbm>>
      tpu.enqueue_dma source(%dma_start3A_68 : memref<128xi32, #tpu.memory_space<hbm>>) target(%arg7 : memref<128xi32, #tpu.memory_space<vmem>>) target_semaphore(%arg17 : memref<!tpu.dma_semaphore, #tpu.memory_space<semaphore_mem>>)
      %dma_start3A_69 = tpu.memref_slice %arg4[%add3A_66] : memref<320000xi32, #tpu.memory_space<hbm>> -> memref<128xi32, #tpu.memory_space<hbm>>
      %dma_start3A_70 = tpu.memref_slice %arg4[%add3A_66] : memref<320000xi32, #tpu.memory_space<hbm>> -> memref<128xi32, #tpu.memory_space<hbm>>
      tpu.enqueue_dma source(%dma_start3A_70 : memref<128xi32, #tpu.memory_space<hbm>>) target(%arg10 : memref<128xi32, #tpu.memory_space<vmem>>) target_semaphore(%arg17 : memref<!tpu.dma_semaphore, #tpu.memory_space<semaphore_mem>>)
      %mul3A_71 = arith.constant 3 : i32
      %mul3A_72 = arith.muli %mul3A_71, %scan3A_48 : i32
      %add3A_73 = arith.constant 2 : i32
      %add3A_74 = arith.addi %mul3A_72, %add3A_73 : i32
      %mul3A_75 = arith.constant 128 : i32
      %mul3A_76 = arith.muli %add3A_74, %mul3A_75 : i32
      %add3A_77 = arith.addi %mul3A_19, %mul3A_76 : i32
      %dma_start3A_78 = tpu.memref_slice %arg3[%add3A_77] : memref<320000xi32, #tpu.memory_space<hbm>> -> memref<128xi32, #tpu.memory_space<hbm>>
      %dma_start3A_79 = tpu.memref_slice %arg3[%add3A_77] : memref<320000xi32, #tpu.memory_space<hbm>> -> memref<128xi32, #tpu.memory_space<hbm>>
      tpu.enqueue_dma source(%dma_start3A_79 : memref<128xi32, #tpu.memory_space<hbm>>) target(%arg8 : memref<128xi32, #tpu.memory_space<vmem>>) target_semaphore(%arg18 : memref<!tpu.dma_semaphore, #tpu.memory_space<semaphore_mem>>)
      %dma_start3A_80 = tpu.memref_slice %arg4[%add3A_77] : memref<320000xi32, #tpu.memory_space<hbm>> -> memref<128xi32, #tpu.memory_space<hbm>>
      %dma_start3A_81 = tpu.memref_slice %arg4[%add3A_77] : memref<320000xi32, #tpu.memory_space<hbm>> -> memref<128xi32, #tpu.memory_space<hbm>>
      tpu.enqueue_dma source(%dma_start3A_81 : memref<128xi32, #tpu.memory_space<hbm>>) target(%arg11 : memref<128xi32, #tpu.memory_space<vmem>>) target_semaphore(%arg18 : memref<!tpu.dma_semaphore, #tpu.memory_space<semaphore_mem>>)
      %dma_wait3A_82 = tpu.memref_slice %arg3[%add3A_55] : memref<320000xi32, #tpu.memory_space<hbm>> -> memref<128xi32, #tpu.memory_space<hbm>>
      %dma_wait3A_83 = tpu.memref_slice %arg3[%add3A_55] : memref<320000xi32, #tpu.memory_space<hbm>> -> memref<128xi32, #tpu.memory_space<hbm>>
      tpu.wait_dma2 semaphore(%arg16 : memref<!tpu.dma_semaphore, #tpu.memory_space<semaphore_mem>>) src(%dma_wait3A_83 : memref<128xi32, #tpu.memory_space<hbm>>) dst(%arg6 : memref<128xi32, #tpu.memory_space<vmem>>)
      %dma_wait3A_84 = tpu.memref_slice %arg4[%add3A_55] : memref<320000xi32, #tpu.memory_space<hbm>> -> memref<128xi32, #tpu.memory_space<hbm>>
      %dma_wait3A_85 = tpu.memref_slice %arg4[%add3A_55] : memref<320000xi32, #tpu.memory_space<hbm>> -> memref<128xi32, #tpu.memory_space<hbm>>
      tpu.wait_dma2 semaphore(%arg16 : memref<!tpu.dma_semaphore, #tpu.memory_space<semaphore_mem>>) src(%dma_wait3A_85 : memref<128xi32, #tpu.memory_space<hbm>>) dst(%arg9 : memref<128xi32, #tpu.memory_space<vmem>>)
      %dma_start3A_86 = arith.constant 0 : i32
      %dma_start3A_87 = arith.constant 0 : i32
      %dma_start3A_88 = tpu.memref_slice %arg2[%dma_start3A_86, %dma_start3A_87] : memref<10000x128xf32, #tpu.memory_space<hbm>> -> memref<10000x128xf32, #tpu.memory_space<hbm>>
      tpu.enqueue_indirect_dma source(%dma_start3A_88 : memref<10000x128xf32, #tpu.memory_space<hbm>>) target(%arg12 : memref<128x128xf32, #tpu.memory_space<vmem>>) offsets(%arg6 : memref<128xi32, #tpu.memory_space<vmem>>) semaphore(%arg19 : memref<!tpu.dma_semaphore, #tpu.memory_space<semaphore_mem>>)
      %dma_wait3A_89 = tpu.memref_slice %arg3[%add3A_66] : memref<320000xi32, #tpu.memory_space<hbm>> -> memref<128xi32, #tpu.memory_space<hbm>>
      %dma_wait3A_90 = tpu.memref_slice %arg3[%add3A_66] : memref<320000xi32, #tpu.memory_space<hbm>> -> memref<128xi32, #tpu.memory_space<hbm>>
      tpu.wait_dma2 semaphore(%arg17 : memref<!tpu.dma_semaphore, #tpu.memory_space<semaphore_mem>>) src(%dma_wait3A_90 : memref<128xi32, #tpu.memory_space<hbm>>) dst(%arg7 : memref<128xi32, #tpu.memory_space<vmem>>)
      %dma_wait3A_91 = tpu.memref_slice %arg4[%add3A_66] : memref<320000xi32, #tpu.memory_space<hbm>> -> memref<128xi32, #tpu.memory_space<hbm>>
      %dma_wait3A_92 = tpu.memref_slice %arg4[%add3A_66] : memref<320000xi32, #tpu.memory_space<hbm>> -> memref<128xi32, #tpu.memory_space<hbm>>
      tpu.wait_dma2 semaphore(%arg17 : memref<!tpu.dma_semaphore, #tpu.memory_space<semaphore_mem>>) src(%dma_wait3A_92 : memref<128xi32, #tpu.memory_space<hbm>>) dst(%arg10 : memref<128xi32, #tpu.memory_space<vmem>>)
      %dma_start3A_93 = arith.constant 0 : i32
      %dma_start3A_94 = arith.constant 0 : i32
      %dma_start3A_95 = tpu.memref_slice %arg2[%dma_start3A_93, %dma_start3A_94] : memref<10000x128xf32, #tpu.memory_space<hbm>> -> memref<10000x128xf32, #tpu.memory_space<hbm>>
      tpu.enqueue_indirect_dma source(%dma_start3A_95 : memref<10000x128xf32, #tpu.memory_space<hbm>>) target(%arg13 : memref<128x128xf32, #tpu.memory_space<vmem>>) offsets(%arg7 : memref<128xi32, #tpu.memory_space<vmem>>) semaphore(%arg20 : memref<!tpu.dma_semaphore, #tpu.memory_space<semaphore_mem>>)
      %dma_wait3A_96 = tpu.memref_slice %arg3[%add3A_77] : memref<320000xi32, #tpu.memory_space<hbm>> -> memref<128xi32, #tpu.memory_space<hbm>>
      %dma_wait3A_97 = tpu.memref_slice %arg3[%add3A_77] : memref<320000xi32, #tpu.memory_space<hbm>> -> memref<128xi32, #tpu.memory_space<hbm>>
      tpu.wait_dma2 semaphore(%arg18 : memref<!tpu.dma_semaphore, #tpu.memory_space<semaphore_mem>>) src(%dma_wait3A_97 : memref<128xi32, #tpu.memory_space<hbm>>) dst(%arg8 : memref<128xi32, #tpu.memory_space<vmem>>)
      %dma_wait3A_98 = tpu.memref_slice %arg4[%add3A_77] : memref<320000xi32, #tpu.memory_space<hbm>> -> memref<128xi32, #tpu.memory_space<hbm>>
      %dma_wait3A_99 = tpu.memref_slice %arg4[%add3A_77] : memref<320000xi32, #tpu.memory_space<hbm>> -> memref<128xi32, #tpu.memory_space<hbm>>
      tpu.wait_dma2 semaphore(%arg18 : memref<!tpu.dma_semaphore, #tpu.memory_space<semaphore_mem>>) src(%dma_wait3A_99 : memref<128xi32, #tpu.memory_space<hbm>>) dst(%arg11 : memref<128xi32, #tpu.memory_space<vmem>>)
      %dma_start3A_100 = arith.constant 0 : i32
      %dma_start3A_101 = arith.constant 0 : i32
      %dma_start3A_102 = tpu.memref_slice %arg2[%dma_start3A_100, %dma_start3A_101] : memref<10000x128xf32, #tpu.memory_space<hbm>> -> memref<10000x128xf32, #tpu.memory_space<hbm>>
      tpu.enqueue_indirect_dma source(%dma_start3A_102 : memref<10000x128xf32, #tpu.memory_space<hbm>>) target(%arg14 : memref<128x128xf32, #tpu.memory_space<vmem>>) offsets(%arg8 : memref<128xi32, #tpu.memory_space<vmem>>) semaphore(%arg21 : memref<!tpu.dma_semaphore, #tpu.memory_space<semaphore_mem>>)
      %dma_wait3A_103 = arith.constant 0 : i32
      %dma_wait3A_104 = arith.constant 0 : i32
      %dma_wait3A_105 = tpu.memref_slice %arg2[%dma_wait3A_103, %dma_wait3A_104] : memref<10000x128xf32, #tpu.memory_space<hbm>> -> memref<10000x128xf32, #tpu.memory_space<hbm>>
      tpu.wait_indirect_dma semaphore(%arg19 : memref<!tpu.dma_semaphore, #tpu.memory_space<semaphore_mem>>) src(%dma_wait3A_105 : memref<10000x128xf32, #tpu.memory_space<hbm>>) dst(%arg12 : memref<128x128xf32, #tpu.memory_space<vmem>>)
      %dma_start3A_106 = arith.constant 0 : i32
      %dma_start3A_107 = arith.constant 0 : i32
      %dma_start3A_108 = tpu.memref_slice %arg15[%dma_start3A_106, %dma_start3A_107] : memref<10000x128xf32, #tpu.memory_space<vmem_shared>> -> memref<10000x128xf32, #tpu.memory_space<vmem_shared>>
      tpu.enqueue_indirect_dma source(%arg12 : memref<128x128xf32, #tpu.memory_space<vmem>>) target(%dma_start3A_108 : memref<10000x128xf32, #tpu.memory_space<vmem_shared>>) offsets(%arg9 : memref<128xi32, #tpu.memory_space<vmem>>) semaphore(%arg22 : memref<!tpu.dma_semaphore, #tpu.memory_space<semaphore_mem>>) {add = true}
      %dma_wait3A_109 = arith.constant 0 : i32
      %dma_wait3A_110 = arith.constant 0 : i32
      %dma_wait3A_111 = tpu.memref_slice %arg2[%dma_wait3A_109, %dma_wait3A_110] : memref<10000x128xf32, #tpu.memory_space<hbm>> -> memref<10000x128xf32, #tpu.memory_space<hbm>>
      tpu.wait_indirect_dma semaphore(%arg20 : memref<!tpu.dma_semaphore, #tpu.memory_space<semaphore_mem>>) src(%dma_wait3A_111 : memref<10000x128xf32, #tpu.memory_space<hbm>>) dst(%arg13 : memref<128x128xf32, #tpu.memory_space<vmem>>)
      %dma_start3A_112 = arith.constant 0 : i32
      %dma_start3A_113 = arith.constant 0 : i32
      %dma_start3A_114 = tpu.memref_slice %arg15[%dma_start3A_112, %dma_start3A_113] : memref<10000x128xf32, #tpu.memory_space<vmem_shared>> -> memref<10000x128xf32, #tpu.memory_space<vmem_shared>>
      tpu.enqueue_indirect_dma source(%arg13 : memref<128x128xf32, #tpu.memory_space<vmem>>) target(%dma_start3A_114 : memref<10000x128xf32, #tpu.memory_space<vmem_shared>>) offsets(%arg10 : memref<128xi32, #tpu.memory_space<vmem>>) semaphore(%arg23 : memref<!tpu.dma_semaphore, #tpu.memory_space<semaphore_mem>>) {add = true}
      %dma_wait3A_115 = arith.constant 0 : i32
      %dma_wait3A_116 = arith.constant 0 : i32
      %dma_wait3A_117 = tpu.memref_slice %arg2[%dma_wait3A_115, %dma_wait3A_116] : memref<10000x128xf32, #tpu.memory_space<hbm>> -> memref<10000x128xf32, #tpu.memory_space<hbm>>
      tpu.wait_indirect_dma semaphore(%arg21 : memref<!tpu.dma_semaphore, #tpu.memory_space<semaphore_mem>>) src(%dma_wait3A_117 : memref<10000x128xf32, #tpu.memory_space<hbm>>) dst(%arg14 : memref<128x128xf32, #tpu.memory_space<vmem>>)
      %dma_start3A_118 = arith.constant 0 : i32
      %dma_start3A_119 = arith.constant 0 : i32
      %dma_start3A_120 = tpu.memref_slice %arg15[%dma_start3A_118, %dma_start3A_119] : memref<10000x128xf32, #tpu.memory_space<vmem_shared>> -> memref<10000x128xf32, #tpu.memory_space<vmem_shared>>
      tpu.enqueue_indirect_dma source(%arg14 : memref<128x128xf32, #tpu.memory_space<vmem>>) target(%dma_start3A_120 : memref<10000x128xf32, #tpu.memory_space<vmem_shared>>) offsets(%arg11 : memref<128xi32, #tpu.memory_space<vmem>>) semaphore(%arg24 : memref<!tpu.dma_semaphore, #tpu.memory_space<semaphore_mem>>) {add = true}
      %dma_wait3A_121 = arith.constant 0 : i32
      %dma_wait3A_122 = arith.constant 0 : i32
      %dma_wait3A_123 = tpu.memref_slice %arg15[%dma_wait3A_121, %dma_wait3A_122] : memref<10000x128xf32, #tpu.memory_space<vmem_shared>> -> memref<10000x128xf32, #tpu.memory_space<vmem_shared>>
      tpu.wait_indirect_dma semaphore(%arg22 : memref<!tpu.dma_semaphore, #tpu.memory_space<semaphore_mem>>) src(%arg12 : memref<128x128xf32, #tpu.memory_space<vmem>>) dst(%dma_wait3A_123 : memref<10000x128xf32, #tpu.memory_space<vmem_shared>>)
      %dma_wait3A_124 = arith.constant 0 : i32
      %dma_wait3A_125 = arith.constant 0 : i32
      %dma_wait3A_126 = tpu.memref_slice %arg15[%dma_wait3A_124, %dma_wait3A_125] : memref<10000x128xf32, #tpu.memory_space<vmem_shared>> -> memref<10000x128xf32, #tpu.memory_space<vmem_shared>>
      tpu.wait_indirect_dma semaphore(%arg23 : memref<!tpu.dma_semaphore, #tpu.memory_space<semaphore_mem>>) src(%arg13 : memref<128x128xf32, #tpu.memory_space<vmem>>) dst(%dma_wait3A_126 : memref<10000x128xf32, #tpu.memory_space<vmem_shared>>)
      %dma_wait3A_127 = arith.constant 0 : i32
      %dma_wait3A_128 = arith.constant 0 : i32
      %dma_wait3A_129 = tpu.memref_slice %arg15[%dma_wait3A_127, %dma_wait3A_128] : memref<10000x128xf32, #tpu.memory_space<vmem_shared>> -> memref<10000x128xf32, #tpu.memory_space<vmem_shared>>
      tpu.wait_indirect_dma semaphore(%arg24 : memref<!tpu.dma_semaphore, #tpu.memory_space<semaphore_mem>>) src(%arg14 : memref<128x128xf32, #tpu.memory_space<vmem>>) dst(%dma_wait3A_129 : memref<10000x128xf32, #tpu.memory_space<vmem_shared>>)
    }
    %scan3A_25 = arith.constant 26 : i32
    %add3A_26 = arith.constant 9984 : i32
    %add3A_27 = arith.addi %mul3A_19, %add3A_26 : i32
    "tpu.region"() ({
      %run_scoped3A = tpu.sem_alloc : memref<!tpu.dma_semaphore, #tpu.memory_space<semaphore_mem>>
      %dma_start3A_48 = arith.constant 0 : i32
      %dma_start3A_49 = tpu.memref_slice %arg6[%dma_start3A_48] : memref<128xi32, #tpu.memory_space<vmem>> -> memref<16xi32, #tpu.memory_space<vmem>>
      %dma_start3A_50 = tpu.memref_slice %arg3[%add3A_27] : memref<320000xi32, #tpu.memory_space<hbm>> -> memref<16xi32, #tpu.memory_space<hbm>>
      %dma_start3A_51 = arith.constant 0 : i32
      %dma_start3A_52 = tpu.memref_slice %arg6[%dma_start3A_51] : memref<128xi32, #tpu.memory_space<vmem>> -> memref<16xi32, #tpu.memory_space<vmem>>
      %dma_start3A_53 = tpu.memref_slice %arg3[%add3A_27] : memref<320000xi32, #tpu.memory_space<hbm>> -> memref<16xi32, #tpu.memory_space<hbm>>
      tpu.enqueue_dma source(%dma_start3A_53 : memref<16xi32, #tpu.memory_space<hbm>>) target(%dma_start3A_52 : memref<16xi32, #tpu.memory_space<vmem>>) target_semaphore(%run_scoped3A : memref<!tpu.dma_semaphore, #tpu.memory_space<semaphore_mem>>)
      %dma_wait3A_54 = arith.constant 0 : i32
      %dma_wait3A_55 = tpu.memref_slice %arg6[%dma_wait3A_54] : memref<128xi32, #tpu.memory_space<vmem>> -> memref<16xi32, #tpu.memory_space<vmem>>
      %dma_wait3A_56 = tpu.memref_slice %arg3[%add3A_27] : memref<320000xi32, #tpu.memory_space<hbm>> -> memref<16xi32, #tpu.memory_space<hbm>>
      %dma_wait3A_57 = arith.constant 0 : i32
      %dma_wait3A_58 = tpu.memref_slice %arg6[%dma_wait3A_57] : memref<128xi32, #tpu.memory_space<vmem>> -> memref<16xi32, #tpu.memory_space<vmem>>
      %dma_wait3A_59 = tpu.memref_slice %arg3[%add3A_27] : memref<320000xi32, #tpu.memory_space<hbm>> -> memref<16xi32, #tpu.memory_space<hbm>>
      tpu.wait_dma2 semaphore(%run_scoped3A : memref<!tpu.dma_semaphore, #tpu.memory_space<semaphore_mem>>) src(%dma_wait3A_59 : memref<16xi32, #tpu.memory_space<hbm>>) dst(%dma_wait3A_58 : memref<16xi32, #tpu.memory_space<vmem>>)
      tpu.yield
    }) : () -> ()
    "tpu.region"() ({
      %run_scoped3A = tpu.sem_alloc : memref<!tpu.dma_semaphore, #tpu.memory_space<semaphore_mem>>
      %dma_start3A_48 = arith.constant 0 : i32
      %dma_start3A_49 = tpu.memref_slice %arg9[%dma_start3A_48] : memref<128xi32, #tpu.memory_space<vmem>> -> memref<16xi32, #tpu.memory_space<vmem>>
      %dma_start3A_50 = tpu.memref_slice %arg4[%add3A_27] : memref<320000xi32, #tpu.memory_space<hbm>> -> memref<16xi32, #tpu.memory_space<hbm>>
      %dma_start3A_51 = arith.constant 0 : i32
      %dma_start3A_52 = tpu.memref_slice %arg9[%dma_start3A_51] : memref<128xi32, #tpu.memory_space<vmem>> -> memref<16xi32, #tpu.memory_space<vmem>>
      %dma_start3A_53 = tpu.memref_slice %arg4[%add3A_27] : memref<320000xi32, #tpu.memory_space<hbm>> -> memref<16xi32, #tpu.memory_space<hbm>>
      tpu.enqueue_dma source(%dma_start3A_53 : memref<16xi32, #tpu.memory_space<hbm>>) target(%dma_start3A_52 : memref<16xi32, #tpu.memory_space<vmem>>) target_semaphore(%run_scoped3A : memref<!tpu.dma_semaphore, #tpu.memory_space<semaphore_mem>>)
      %dma_wait3A_54 = arith.constant 0 : i32
      %dma_wait3A_55 = tpu.memref_slice %arg9[%dma_wait3A_54] : memref<128xi32, #tpu.memory_space<vmem>> -> memref<16xi32, #tpu.memory_space<vmem>>
      %dma_wait3A_56 = tpu.memref_slice %arg4[%add3A_27] : memref<320000xi32, #tpu.memory_space<hbm>> -> memref<16xi32, #tpu.memory_space<hbm>>
      %dma_wait3A_57 = arith.constant 0 : i32
      %dma_wait3A_58 = tpu.memref_slice %arg9[%dma_wait3A_57] : memref<128xi32, #tpu.memory_space<vmem>> -> memref<16xi32, #tpu.memory_space<vmem>>
      %dma_wait3A_59 = tpu.memref_slice %arg4[%add3A_27] : memref<320000xi32, #tpu.memory_space<hbm>> -> memref<16xi32, #tpu.memory_space<hbm>>
      tpu.wait_dma2 semaphore(%run_scoped3A : memref<!tpu.dma_semaphore, #tpu.memory_space<semaphore_mem>>) src(%dma_wait3A_59 : memref<16xi32, #tpu.memory_space<hbm>>) dst(%dma_wait3A_58 : memref<16xi32, #tpu.memory_space<vmem>>)
      tpu.yield
    }) : () -> ()
    %dma_start3A = arith.constant 0 : i32
    %dma_start3A_28 = arith.constant 0 : i32
    %dma_start3A_29 = tpu.memref_slice %arg12[%dma_start3A, %dma_start3A_28] : memref<128x128xf32, #tpu.memory_space<vmem>> -> memref<16x128xf32, #tpu.memory_space<vmem>>
    %dma_start3A_30 = arith.constant 0 : i32
    %dma_start3A_31 = tpu.memref_slice %arg6[%dma_start3A_30] : memref<128xi32, #tpu.memory_space<vmem>> -> memref<16xi32, #tpu.memory_space<vmem>>
    %dma_start3A_32 = arith.constant 0 : i32
    %dma_start3A_33 = arith.constant 0 : i32
    %dma_start3A_34 = tpu.memref_slice %arg2[%dma_start3A_32, %dma_start3A_33] : memref<10000x128xf32, #tpu.memory_space<hbm>> -> memref<10000x128xf32, #tpu.memory_space<hbm>>
    tpu.enqueue_indirect_dma source(%dma_start3A_34 : memref<10000x128xf32, #tpu.memory_space<hbm>>) target(%dma_start3A_29 : memref<16x128xf32, #tpu.memory_space<vmem>>) offsets(%dma_start3A_31 : memref<16xi32, #tpu.memory_space<vmem>>) semaphore(%arg19 : memref<!tpu.dma_semaphore, #tpu.memory_space<semaphore_mem>>)
    %dma_wait3A = arith.constant 0 : i32
    %dma_wait3A_35 = arith.constant 0 : i32
    %dma_wait3A_36 = tpu.memref_slice %arg12[%dma_wait3A, %dma_wait3A_35] : memref<128x128xf32, #tpu.memory_space<vmem>> -> memref<16x128xf32, #tpu.memory_space<vmem>>
    %dma_wait3A_37 = arith.constant 0 : i32
    %dma_wait3A_38 = tpu.memref_slice %arg6[%dma_wait3A_37] : memref<128xi32, #tpu.memory_space<vmem>> -> memref<16xi32, #tpu.memory_space<vmem>>
    %dma_wait3A_39 = arith.constant 0 : i32
    %dma_wait3A_40 = arith.constant 0 : i32
    %dma_wait3A_41 = tpu.memref_slice %arg2[%dma_wait3A_39, %dma_wait3A_40] : memref<10000x128xf32, #tpu.memory_space<hbm>> -> memref<10000x128xf32, #tpu.memory_space<hbm>>
    tpu.wait_indirect_dma semaphore(%arg19 : memref<!tpu.dma_semaphore, #tpu.memory_space<semaphore_mem>>) src(%dma_wait3A_41 : memref<10000x128xf32, #tpu.memory_space<hbm>>) dst(%dma_wait3A_36 : memref<16x128xf32, #tpu.memory_space<vmem>>)
    "tpu.region"() ({
      %run_scoped3A = tpu.sem_alloc : memref<!tpu.dma_semaphore, #tpu.memory_space<semaphore_mem>>
      %dma_start3A_48 = arith.constant 0 : i32
      %dma_start3A_49 = arith.constant 0 : i32
      %dma_start3A_50 = tpu.memref_slice %arg12[%dma_start3A_48, %dma_start3A_49] : memref<128x128xf32, #tpu.memory_space<vmem>> -> memref<16x128xf32, #tpu.memory_space<vmem>>
      %dma_start3A_51 = arith.constant 0 : i32
      %dma_start3A_52 = tpu.memref_slice %arg9[%dma_start3A_51] : memref<128xi32, #tpu.memory_space<vmem>> -> memref<16xi32, #tpu.memory_space<vmem>>
      %dma_start3A_53 = arith.constant 0 : i32
      %dma_start3A_54 = arith.constant 0 : i32
      %dma_start3A_55 = tpu.memref_slice %arg15[%dma_start3A_53, %dma_start3A_54] : memref<10000x128xf32, #tpu.memory_space<vmem_shared>> -> memref<10000x128xf32, #tpu.memory_space<vmem_shared>>
      tpu.enqueue_indirect_dma source(%dma_start3A_50 : memref<16x128xf32, #tpu.memory_space<vmem>>) target(%dma_start3A_55 : memref<10000x128xf32, #tpu.memory_space<vmem_shared>>) offsets(%dma_start3A_52 : memref<16xi32, #tpu.memory_space<vmem>>) semaphore(%run_scoped3A : memref<!tpu.dma_semaphore, #tpu.memory_space<semaphore_mem>>) {add = true}
      %dma_wait3A_56 = arith.constant 0 : i32
      %dma_wait3A_57 = arith.constant 0 : i32
      %dma_wait3A_58 = tpu.memref_slice %arg12[%dma_wait3A_56, %dma_wait3A_57] : memref<128x128xf32, #tpu.memory_space<vmem>> -> memref<16x128xf32, #tpu.memory_space<vmem>>
      %dma_wait3A_59 = arith.constant 0 : i32
      %dma_wait3A_60 = tpu.memref_slice %arg9[%dma_wait3A_59] : memref<128xi32, #tpu.memory_space<vmem>> -> memref<16xi32, #tpu.memory_space<vmem>>
      %dma_wait3A_61 = arith.constant 0 : i32
      %dma_wait3A_62 = arith.constant 0 : i32
      %dma_wait3A_63 = tpu.memref_slice %arg15[%dma_wait3A_61, %dma_wait3A_62] : memref<10000x128xf32, #tpu.memory_space<vmem_shared>> -> memref<10000x128xf32, #tpu.memory_space<vmem_shared>>
      tpu.wait_indirect_dma semaphore(%run_scoped3A : memref<!tpu.dma_semaphore, #tpu.memory_space<semaphore_mem>>) src(%dma_wait3A_58 : memref<16x128xf32, #tpu.memory_space<vmem>>) dst(%dma_wait3A_63 : memref<10000x128xf32, #tpu.memory_space<vmem_shared>>)
      tpu.yield
    }) : () -> ()
    %barrier3A_42 = arith.constant 0 : index
    tpu.barrier barrier_id(%barrier3A_42)
    "tpu.region"() ({
      %run_scoped3A = tpu.sem_alloc : memref<!tpu.dma_semaphore, #tpu.memory_space<semaphore_mem>>
      %dma_start3A_48 = arith.constant 0 : i32
      %dma_start3A_49 = arith.constant 0 : i32
      %dma_start3A_50 = tpu.memref_slice %arg5[%arg0, %dma_start3A_48, %dma_start3A_49] : memref<2x10000x128xf32, #tpu.memory_space<hbm>> -> memref<1x10000x128xf32, #tpu.memory_space<hbm>>
      %dma_start3A_51 = tpu.memref_squeeze %dma_start3A_50 : memref<1x10000x128xf32, #tpu.memory_space<hbm>> -> memref<10000x128xf32, #tpu.memory_space<hbm>>
      %dma_start3A_52 = arith.constant 0 : i32
      %dma_start3A_53 = tpu.memref_slice %dma_start3A_51[%mul3A_7, %dma_start3A_52] : memref<10000x128xf32, #tpu.memory_space<hbm>> -> memref<624x128xf32, #tpu.memory_space<hbm>>
      %dma_start3A_54 = arith.constant 0 : i32
      %dma_start3A_55 = tpu.memref_slice %arg15[%mul3A_7, %dma_start3A_54] : memref<10000x128xf32, #tpu.memory_space<vmem_shared>> -> memref<624x128xf32, #tpu.memory_space<vmem_shared>>
      tpu.enqueue_dma source(%dma_start3A_55 : memref<624x128xf32, #tpu.memory_space<vmem_shared>>) target(%dma_start3A_53 : memref<624x128xf32, #tpu.memory_space<hbm>>) target_semaphore(%run_scoped3A : memref<!tpu.dma_semaphore, #tpu.memory_space<semaphore_mem>>)
      %dma_wait3A_56 = arith.constant 0 : i32
      %dma_wait3A_57 = arith.constant 0 : i32
      %dma_wait3A_58 = tpu.memref_slice %arg5[%arg0, %dma_wait3A_56, %dma_wait3A_57] : memref<2x10000x128xf32, #tpu.memory_space<hbm>> -> memref<1x10000x128xf32, #tpu.memory_space<hbm>>
      %dma_wait3A_59 = tpu.memref_squeeze %dma_wait3A_58 : memref<1x10000x128xf32, #tpu.memory_space<hbm>> -> memref<10000x128xf32, #tpu.memory_space<hbm>>
      %dma_wait3A_60 = arith.constant 0 : i32
      %dma_wait3A_61 = tpu.memref_slice %dma_wait3A_59[%mul3A_7, %dma_wait3A_60] : memref<10000x128xf32, #tpu.memory_space<hbm>> -> memref<624x128xf32, #tpu.memory_space<hbm>>
      %dma_wait3A_62 = arith.constant 0 : i32
      %dma_wait3A_63 = tpu.memref_slice %arg15[%mul3A_7, %dma_wait3A_62] : memref<10000x128xf32, #tpu.memory_space<vmem_shared>> -> memref<624x128xf32, #tpu.memory_space<vmem_shared>>
      tpu.wait_dma2 semaphore(%run_scoped3A : memref<!tpu.dma_semaphore, #tpu.memory_space<semaphore_mem>>) src(%dma_wait3A_63 : memref<624x128xf32, #tpu.memory_space<vmem_shared>>) dst(%dma_wait3A_61 : memref<624x128xf32, #tpu.memory_space<hbm>>)
      tpu.yield
    }) : () -> ()
    %eq3A_43 = arith.constant 15 : i32
    %eq3A_44 = arith.cmpi eq, %arg1, %eq3A_43 : i32
    %convert_element_type3A_45 = arith.extui %eq3A_44 : i1 to i32
    %cond3A_46 = arith.constant 0 : i32
    %cond3A_47 = arith.cmpi ne, %convert_element_type3A_45, %cond3A_46 : i32
    scf.if %cond3A_47 {
      "tpu.region"() ({
        %run_scoped3A = tpu.sem_alloc : memref<!tpu.dma_semaphore, #tpu.memory_space<semaphore_mem>>
        %dma_start3A_48 = arith.constant 0 : i32
        %dma_start3A_49 = arith.constant 0 : i32
        %dma_start3A_50 = tpu.memref_slice %arg5[%arg0, %dma_start3A_48, %dma_start3A_49] : memref<2x10000x128xf32, #tpu.memory_space<hbm>> -> memref<1x10000x128xf32, #tpu.memory_space<hbm>>
        %dma_start3A_51 = tpu.memref_squeeze %dma_start3A_50 : memref<1x10000x128xf32, #tpu.memory_space<hbm>> -> memref<10000x128xf32, #tpu.memory_space<hbm>>
        %dma_start3A_52 = arith.constant 9984 : i32
        %dma_start3A_53 = arith.constant 0 : i32
        %dma_start3A_54 = tpu.memref_slice %dma_start3A_51[%dma_start3A_52, %dma_start3A_53] : memref<10000x128xf32, #tpu.memory_space<hbm>> -> memref<16x128xf32, #tpu.memory_space<hbm>>
        %dma_start3A_55 = arith.constant 9984 : i32
        %dma_start3A_56 = arith.constant 0 : i32
        %dma_start3A_57 = tpu.memref_slice %arg15[%dma_start3A_55, %dma_start3A_56] : memref<10000x128xf32, #tpu.memory_space<vmem_shared>> -> memref<16x128xf32, #tpu.memory_space<vmem_shared>>
        tpu.enqueue_dma source(%dma_start3A_57 : memref<16x128xf32, #tpu.memory_space<vmem_shared>>) target(%dma_start3A_54 : memref<16x128xf32, #tpu.memory_space<hbm>>) target_semaphore(%run_scoped3A : memref<!tpu.dma_semaphore, #tpu.memory_space<semaphore_mem>>)
        %dma_wait3A_58 = arith.constant 0 : i32
        %dma_wait3A_59 = arith.constant 0 : i32
        %dma_wait3A_60 = tpu.memref_slice %arg5[%arg0, %dma_wait3A_58, %dma_wait3A_59] : memref<2x10000x128xf32, #tpu.memory_space<hbm>> -> memref<1x10000x128xf32, #tpu.memory_space<hbm>>
        %dma_wait3A_61 = tpu.memref_squeeze %dma_wait3A_60 : memref<1x10000x128xf32, #tpu.memory_space<hbm>> -> memref<10000x128xf32, #tpu.memory_space<hbm>>
        %dma_wait3A_62 = arith.constant 9984 : i32
        %dma_wait3A_63 = arith.constant 0 : i32
        %dma_wait3A_64 = tpu.memref_slice %dma_wait3A_61[%dma_wait3A_62, %dma_wait3A_63] : memref<10000x128xf32, #tpu.memory_space<hbm>> -> memref<16x128xf32, #tpu.memory_space<hbm>>
        %dma_wait3A_65 = arith.constant 9984 : i32
        %dma_wait3A_66 = arith.constant 0 : i32
        %dma_wait3A_67 = tpu.memref_slice %arg15[%dma_wait3A_65, %dma_wait3A_66] : memref<10000x128xf32, #tpu.memory_space<vmem_shared>> -> memref<16x128xf32, #tpu.memory_space<vmem_shared>>
        tpu.wait_dma2 semaphore(%run_scoped3A : memref<!tpu.dma_semaphore, #tpu.memory_space<semaphore_mem>>) src(%dma_wait3A_67 : memref<16x128xf32, #tpu.memory_space<vmem_shared>>) dst(%dma_wait3A_64 : memref<16x128xf32, #tpu.memory_space<hbm>>)
        tpu.yield
      }) : () -> ()
    } else {
    }
    return
  }
}

#map = affine_map<(d0, d1) -> (0, 0)>
#map1 = affine_map<(d0, d1) -> (0)>
#map2 = affine_map<(d0, d1) -> (0, 0, 0)>
module attributes {stable_mosaic.version = 14 : i64} {
  func.func @scatter_kernel(%arg0: i32, %arg1: i32, %arg2: memref<10000x128xf32, #tpu.memory_space<hbm>>, %arg3: memref<320000xi32, #tpu.memory_space<hbm>>, %arg4: memref<320000xi32, #tpu.memory_space<hbm>>, %arg5: memref<2x10000x128xf32, #tpu.memory_space<hbm>>, %arg6: memref<128xi32, #tpu.memory_space<vmem>>, %arg7: memref<128xi32, #tpu.memory_space<vmem>>, %arg8: memref<128xi32, #tpu.memory_space<vmem>>, %arg9: memref<128xi32, #tpu.memory_space<vmem>>, %arg10: memref<128xi32, #tpu.memory_space<vmem>>, %arg11: memref<128xi32, #tpu.memory_space<vmem>>, %arg12: memref<128x128xf32, #tpu.memory_space<vmem>>, %arg13: memref<128x128xf32, #tpu.memory_space<vmem>>, %arg14: memref<128x128xf32, #tpu.memory_space<vmem>>, %arg15: memref<10000x128xf32, #tpu.memory_space<vmem_shared>>, %arg16: memref<!tpu.dma_semaphore, #tpu.memory_space<semaphore_mem>>, %arg17: memref<!tpu.dma_semaphore, #tpu.memory_space<semaphore_mem>>, %arg18: memref<!tpu.dma_semaphore, #tpu.memory_space<semaphore_mem>>, %arg19: memref<!tpu.dma_semaphore, #tpu.memory_space<semaphore_mem>>, %arg20: memref<!tpu.dma_semaphore, #tpu.memory_space<semaphore_mem>>, %arg21: memref<!tpu.dma_semaphore, #tpu.memory_space<semaphore_mem>>, %arg22: memref<!tpu.dma_semaphore, #tpu.memory_space<semaphore_mem>>, %arg23: memref<!tpu.dma_semaphore, #tpu.memory_space<semaphore_mem>>, %arg24: memref<!tpu.dma_semaphore, #tpu.memory_space<semaphore_mem>>) attributes {dimension_semantics = [#tpu.dimension_semantics<core_parallel>, #tpu.dimension_semantics<subcore_parallel>], iteration_bounds = array<i64: 2, 16>, scalar_prefetch = 0 : i64, scratch_operands = 19 : i64, tpu.core_type = #tpu.core_type<sc_vector_subcore>, window_params = [{transform_indices = #map}, {transform_indices = #map1}, {transform_indices = #map1}, {transform_indices = #map2}]} {
    %mul3A = arith.constant 2 : i32
    %mul3A_0 = arith.muli %arg1, %mul3A : i32
    %add3A = arith.addi %mul3A_0, %arg0 : i32
    %scan3A = arith.constant 0 : i32
    %scan3A_1 = arith.constant 0 : i32
    %scan3A_2 = arith.constant 1024 : i32
    %scan3A_3 = arith.addi %scan3A_1, %scan3A_2 : i32
    %scan3A_4 = arith.constant 1 : i32
    scf.for %scan3A_48 = %scan3A_1 to %scan3A_3 step %scan3A_4  : i32 {
      %jit3A = arith.constant 8 : i32
      %div3A = arith.divsi %scan3A_48, %jit3A : i32
      %sign3A = arith.constant 0 : i32
      %sign3A_49 = arith.cmpi sgt, %scan3A_48, %sign3A : i32
      %sign3A_50 = arith.extui %sign3A_49 : i1 to i32
      %sign3A_51 = arith.constant 0 : i32
      %sign3A_52 = arith.cmpi slt, %scan3A_48, %sign3A_51 : i32
      %sign3A_53 = arith.extui %sign3A_52 : i1 to i32
      %sign3A_54 = arith.subi %sign3A_50, %sign3A_53 : i32
      %sign3A_55 = arith.constant 0 : i32
      %sign3A_56 = arith.cmpi sgt, %jit3A, %sign3A_55 : i32
      %sign3A_57 = arith.extui %sign3A_56 : i1 to i32
      %sign3A_58 = arith.constant 0 : i32
      %sign3A_59 = arith.cmpi slt, %jit3A, %sign3A_58 : i32
      %sign3A_60 = arith.extui %sign3A_59 : i1 to i32
      %sign3A_61 = arith.subi %sign3A_57, %sign3A_60 : i32
      %ne3A = arith.cmpi ne, %sign3A_54, %sign3A_61 : i32
      %rem3A = arith.remsi %scan3A_48, %jit3A : i32
      %ne3A_62 = arith.constant 0 : i32
      %ne3A_63 = arith.cmpi ne, %rem3A, %ne3A_62 : i32
      %and3A = arith.andi %ne3A, %ne3A_63 : i1
      %sub3A = arith.constant 1 : i32
      %sub3A_64 = arith.subi %div3A, %sub3A : i32
      %select_n3A = arith.select %and3A, %sub3A_64, %div3A : i32
      %jit3A_65 = arith.constant 8 : i32
      %eq3A_66 = arith.constant 0 : i32
      %eq3A_67 = arith.cmpi eq, %jit3A_65, %eq3A_66 : i32
      %jit3A_68 = arith.constant 1 : i32
      %select_n3A_69 = arith.select %eq3A_67, %jit3A_68, %jit3A_65 : i32
      %rem3A_70 = arith.remsi %scan3A_48, %select_n3A_69 : i32
      %ne3A_71 = arith.constant 0 : i32
      %ne3A_72 = arith.cmpi ne, %rem3A_70, %ne3A_71 : i32
      %lt3A = arith.constant 0 : i32
      %lt3A_73 = arith.cmpi slt, %rem3A_70, %lt3A : i32
      %lt3A_74 = arith.constant 0 : i32
      %lt3A_75 = arith.cmpi slt, %select_n3A_69, %lt3A_74 : i32
      %ne3A_76 = arith.xori %lt3A_73, %lt3A_75 : i1
      %and3A_77 = arith.andi %ne3A_76, %ne3A_72 : i1
      %add3A_78 = arith.addi %rem3A_70, %select_n3A_69 : i32
      %select_n3A_79 = arith.select %and3A_77, %add3A_78, %rem3A_70 : i32
      %mul3A_80 = arith.constant 16 : i32
      %mul3A_81 = arith.muli %select_n3A_79, %mul3A_80 : i32
      %broadcast_in_dim3A = arith.constant 0.000000e+00 : f32
      %broadcast_in_dim3A_82 = vector.broadcast %broadcast_in_dim3A : f32 to vector<16xf32>
      %swap3A = arith.index_cast %select_n3A : i32 to index
      %swap3A_83 = arith.index_cast %mul3A_81 : i32 to index
      %swap3A_84 = tpu.vector_load %arg12[%swap3A, %swap3A_83] {strides = array<i32>} : memref<128x128xf32, #tpu.memory_space<vmem>>, vector<1x16xf32>,
      %swap3A_85 = vector.shape_cast %swap3A_84 : vector<1x16xf32> to vector<16xf32>
      %swap3A_86 = vector.shape_cast %broadcast_in_dim3A_82 : vector<16xf32> to vector<1x16xf32>
      tpu.vector_store %arg12[%swap3A, %swap3A_83], %swap3A_86 {strides = array<i32>} : memref<128x128xf32, #tpu.memory_space<vmem>>, vector<1x16xf32>,
    }
    %scan3A_5 = arith.constant 1024 : i32
    %mul3A_6 = arith.constant 624 : i32
    %mul3A_7 = arith.muli %arg1, %mul3A_6 : i32
    %scan3A_8 = arith.constant 0 : i32
    %scan3A_9 = arith.constant 0 : i32
    %scan3A_10 = arith.constant 4 : i32
    %scan3A_11 = arith.addi %scan3A_9, %scan3A_10 : i32
    %scan3A_12 = arith.constant 1 : i32
    scf.for %scan3A_48 = %scan3A_9 to %scan3A_11 step %scan3A_12  : i32 {
      %mul3A_49 = arith.constant 128 : i32
      %mul3A_50 = arith.muli %scan3A_48, %mul3A_49 : i32
      %add3A_51 = arith.addi %mul3A_7, %mul3A_50 : i32
      "tpu.region"() ({
        %run_scoped3A = tpu.sem_alloc : memref<!tpu.dma_semaphore, #tpu.memory_space<semaphore_mem>>
        %dma_start3A_52 = arith.constant 0 : i32
        %dma_start3A_53 = arith.constant 0 : i32
        %dma_start3A_54 = tpu.memref_slice %arg12[%dma_start3A_52, %dma_start3A_53] : memref<128x128xf32, #tpu.memory_space<vmem>> -> memref<128x128xf32, #tpu.memory_space<vmem>>
        %dma_start3A_55 = arith.constant 0 : i32
        %dma_start3A_56 = tpu.memref_slice %arg15[%add3A_51, %dma_start3A_55] : memref<10000x128xf32, #tpu.memory_space<vmem_shared>> -> memref<128x128xf32, #tpu.memory_space<vmem_shared>>
        %dma_start3A_57 = arith.constant 0 : i32
        %dma_start3A_58 = tpu.memref_slice %arg15[%add3A_51, %dma_start3A_57] : memref<10000x128xf32, #tpu.memory_space<vmem_shared>> -> memref<128x128xf32, #tpu.memory_space<vmem_shared>>
        %dma_start3A_59 = arith.constant 0 : i32
        %dma_start3A_60 = arith.constant 0 : i32
        %dma_start3A_61 = tpu.memref_slice %arg12[%dma_start3A_59, %dma_start3A_60] : memref<128x128xf32, #tpu.memory_space<vmem>> -> memref<128x128xf32, #tpu.memory_space<vmem>>
        tpu.enqueue_dma source(%dma_start3A_61 : memref<128x128xf32, #tpu.memory_space<vmem>>) target(%dma_start3A_58 : memref<128x128xf32, #tpu.memory_space<vmem_shared>>) target_semaphore(%run_scoped3A : memref<!tpu.dma_semaphore, #tpu.memory_space<semaphore_mem>>)
        %dma_wait3A_62 = arith.constant 0 : i32
        %dma_wait3A_63 = arith.constant 0 : i32
        %dma_wait3A_64 = tpu.memref_slice %arg12[%dma_wait3A_62, %dma_wait3A_63] : memref<128x128xf32, #tpu.memory_space<vmem>> -> memref<128x128xf32, #tpu.memory_space<vmem>>
        %dma_wait3A_65 = arith.constant 0 : i32
        %dma_wait3A_66 = tpu.memref_slice %arg15[%add3A_51, %dma_wait3A_65] : memref<10000x128xf32, #tpu.memory_space<vmem_shared>> -> memref<128x128xf32, #tpu.memory_space<vmem_shared>>
        %dma_wait3A_67 = arith.constant 0 : i32
        %dma_wait3A_68 = tpu.memref_slice %arg15[%add3A_51, %dma_wait3A_67] : memref<10000x128xf32, #tpu.memory_space<vmem_shared>> -> memref<128x128xf32, #tpu.memory_space<vmem_shared>>
        %dma_wait3A_69 = arith.constant 0 : i32
        %dma_wait3A_70 = arith.constant 0 : i32
        %dma_wait3A_71 = tpu.memref_slice %arg12[%dma_wait3A_69, %dma_wait3A_70] : memref<128x128xf32, #tpu.memory_space<vmem>> -> memref<128x128xf32, #tpu.memory_space<vmem>>
        tpu.wait_dma2 semaphore(%run_scoped3A : memref<!tpu.dma_semaphore, #tpu.memory_space<semaphore_mem>>) src(%dma_wait3A_71 : memref<128x128xf32, #tpu.memory_space<vmem>>) dst(%dma_wait3A_68 : memref<128x128xf32, #tpu.memory_space<vmem_shared>>)
        tpu.yield
      }) : () -> ()
    }
    %scan3A_13 = arith.constant 4 : i32
    %add3A_14 = arith.constant 512 : i32
    %add3A_15 = arith.addi %mul3A_7, %add3A_14 : i32
    "tpu.region"() ({
      %run_scoped3A = tpu.sem_alloc : memref<!tpu.dma_semaphore, #tpu.memory_space<semaphore_mem>>
      %dma_start3A_48 = arith.constant 0 : i32
      %dma_start3A_49 = arith.constant 0 : i32
      %dma_start3A_50 = tpu.memref_slice %arg12[%dma_start3A_48, %dma_start3A_49] : memref<128x128xf32, #tpu.memory_space<vmem>> -> memref<112x128xf32, #tpu.memory_space<vmem>>
      %dma_start3A_51 = arith.constant 0 : i32
      %dma_start3A_52 = tpu.memref_slice %arg15[%add3A_15, %dma_start3A_51] : memref<10000x128xf32, #tpu.memory_space<vmem_shared>> -> memref<112x128xf32, #tpu.memory_space<vmem_shared>>
      %dma_start3A_53 = arith.constant 0 : i32
      %dma_start3A_54 = tpu.memref_slice %arg15[%add3A_15, %dma_start3A_53] : memref<10000x128xf32, #tpu.memory_space<vmem_shared>> -> memref<112x128xf32, #tpu.memory_space<vmem_shared>>
      %dma_start3A_55 = arith.constant 0 : i32
      %dma_start3A_56 = arith.constant 0 : i32
      %dma_start3A_57 = tpu.memref_slice %arg12[%dma_start3A_55, %dma_start3A_56] : memref<128x128xf32, #tpu.memory_space<vmem>> -> memref<112x128xf32, #tpu.memory_space<vmem>>
      tpu.enqueue_dma source(%dma_start3A_57 : memref<112x128xf32, #tpu.memory_space<vmem>>) target(%dma_start3A_54 : memref<112x128xf32, #tpu.memory_space<vmem_shared>>) target_semaphore(%run_scoped3A : memref<!tpu.dma_semaphore, #tpu.memory_space<semaphore_mem>>)
      %dma_wait3A_58 = arith.constant 0 : i32
      %dma_wait3A_59 = arith.constant 0 : i32
      %dma_wait3A_60 = tpu.memref_slice %arg12[%dma_wait3A_58, %dma_wait3A_59] : memref<128x128xf32, #tpu.memory_space<vmem>> -> memref<112x128xf32, #tpu.memory_space<vmem>>
      %dma_wait3A_61 = arith.constant 0 : i32
      %dma_wait3A_62 = tpu.memref_slice %arg15[%add3A_15, %dma_wait3A_61] : memref<10000x128xf32, #tpu.memory_space<vmem_shared>> -> memref<112x128xf32, #tpu.memory_space<vmem_shared>>
      %dma_wait3A_63 = arith.constant 0 : i32
      %dma_wait3A_64 = tpu.memref_slice %arg15[%add3A_15, %dma_wait3A_63] : memref<10000x128xf32, #tpu.memory_space<vmem_shared>> -> memref<112x128xf32, #tpu.memory_space<vmem_shared>>
      %dma_wait3A_65 = arith.constant 0 : i32
      %dma_wait3A_66 = arith.constant 0 : i32
      %dma_wait3A_67 = tpu.memref_slice %arg12[%dma_wait3A_65, %dma_wait3A_66] : memref<128x128xf32, #tpu.memory_space<vmem>> -> memref<112x128xf32, #tpu.memory_space<vmem>>
      tpu.wait_dma2 semaphore(%run_scoped3A : memref<!tpu.dma_semaphore, #tpu.memory_space<semaphore_mem>>) src(%dma_wait3A_67 : memref<112x128xf32, #tpu.memory_space<vmem>>) dst(%dma_wait3A_64 : memref<112x128xf32, #tpu.memory_space<vmem_shared>>)
      tpu.yield
    }) : () -> ()
    %eq3A = arith.constant 15 : i32
    %eq3A_16 = arith.cmpi eq, %arg1, %eq3A : i32
    %convert_element_type3A = arith.extui %eq3A_16 : i1 to i32
    %cond3A = arith.constant 0 : i32
    %cond3A_17 = arith.cmpi ne, %convert_element_type3A, %cond3A : i32
    scf.if %cond3A_17 {
      "tpu.region"() ({
        %run_scoped3A = tpu.sem_alloc : memref<!tpu.dma_semaphore, #tpu.memory_space<semaphore_mem>>
        %dma_start3A_48 = arith.constant 0 : i32
        %dma_start3A_49 = arith.constant 0 : i32
        %dma_start3A_50 = tpu.memref_slice %arg12[%dma_start3A_48, %dma_start3A_49] : memref<128x128xf32, #tpu.memory_space<vmem>> -> memref<16x128xf32, #tpu.memory_space<vmem>>
        %dma_start3A_51 = arith.constant 9984 : i32
        %dma_start3A_52 = arith.constant 0 : i32
        %dma_start3A_53 = tpu.memref_slice %arg15[%dma_start3A_51, %dma_start3A_52] : memref<10000x128xf32, #tpu.memory_space<vmem_shared>> -> memref<16x128xf32, #tpu.memory_space<vmem_shared>>
        %dma_start3A_54 = arith.constant 9984 : i32
        %dma_start3A_55 = arith.constant 0 : i32
        %dma_start3A_56 = tpu.memref_slice %arg15[%dma_start3A_54, %dma_start3A_55] : memref<10000x128xf32, #tpu.memory_space<vmem_shared>> -> memref<16x128xf32, #tpu.memory_space<vmem_shared>>
        %dma_start3A_57 = arith.constant 0 : i32
        %dma_start3A_58 = arith.constant 0 : i32
        %dma_start3A_59 = tpu.memref_slice %arg12[%dma_start3A_57, %dma_start3A_58] : memref<128x128xf32, #tpu.memory_space<vmem>> -> memref<16x128xf32, #tpu.memory_space<vmem>>
        tpu.enqueue_dma source(%dma_start3A_59 : memref<16x128xf32, #tpu.memory_space<vmem>>) target(%dma_start3A_56 : memref<16x128xf32, #tpu.memory_space<vmem_shared>>) target_semaphore(%run_scoped3A : memref<!tpu.dma_semaphore, #tpu.memory_space<semaphore_mem>>)
        %dma_wait3A_60 = arith.constant 0 : i32
        %dma_wait3A_61 = arith.constant 0 : i32
        %dma_wait3A_62 = tpu.memref_slice %arg12[%dma_wait3A_60, %dma_wait3A_61] : memref<128x128xf32, #tpu.memory_space<vmem>> -> memref<16x128xf32, #tpu.memory_space<vmem>>
        %dma_wait3A_63 = arith.constant 9984 : i32
        %dma_wait3A_64 = arith.constant 0 : i32
        %dma_wait3A_65 = tpu.memref_slice %arg15[%dma_wait3A_63, %dma_wait3A_64] : memref<10000x128xf32, #tpu.memory_space<vmem_shared>> -> memref<16x128xf32, #tpu.memory_space<vmem_shared>>
        %dma_wait3A_66 = arith.constant 9984 : i32
        %dma_wait3A_67 = arith.constant 0 : i32
        %dma_wait3A_68 = tpu.memref_slice %arg15[%dma_wait3A_66, %dma_wait3A_67] : memref<10000x128xf32, #tpu.memory_space<vmem_shared>> -> memref<16x128xf32, #tpu.memory_space<vmem_shared>>
        %dma_wait3A_69 = arith.constant 0 : i32
        %dma_wait3A_70 = arith.constant 0 : i32
        %dma_wait3A_71 = tpu.memref_slice %arg12[%dma_wait3A_69, %dma_wait3A_70] : memref<128x128xf32, #tpu.memory_space<vmem>> -> memref<16x128xf32, #tpu.memory_space<vmem>>
        tpu.wait_dma2 semaphore(%run_scoped3A : memref<!tpu.dma_semaphore, #tpu.memory_space<semaphore_mem>>) src(%dma_wait3A_71 : memref<16x128xf32, #tpu.memory_space<vmem>>) dst(%dma_wait3A_68 : memref<16x128xf32, #tpu.memory_space<vmem_shared>>)
        tpu.yield
      }) : () -> ()
    } else {
    }
    %barrier3A = arith.constant 0 : index
    tpu.barrier barrier_id(%barrier3A)
    %mul3A_18 = arith.constant 10000 : i32
    %mul3A_19 = arith.muli %add3A, %mul3A_18 : i32
    %scan3A_20 = arith.constant 0 : i32
    %scan3A_21 = arith.constant 0 : i32
    %scan3A_22 = arith.constant 26 : i32
    %scan3A_23 = arith.addi %scan3A_21, %scan3A_22 : i32
    %scan3A_24 = arith.constant 1 : i32
    scf.for %scan3A_48 = %scan3A_21 to %scan3A_23 step %scan3A_24  : i32 {
      %mul3A_49 = arith.constant 3 : i32
      %mul3A_50 = arith.muli %mul3A_49, %scan3A_48 : i32
      %add3A_51 = arith.constant 0 : i32
      %add3A_52 = arith.addi %mul3A_50, %add3A_51 : i32
      %mul3A_53 = arith.constant 128 : i32
      %mul3A_54 = arith.muli %add3A_52, %mul3A_53 : i32
      %add3A_55 = arith.addi %mul3A_19, %mul3A_54 : i32
      %dma_start3A_56 = tpu.memref_slice %arg3[%add3A_55] : memref<320000xi32, #tpu.memory_space<hbm>> -> memref<128xi32, #tpu.memory_space<hbm>>
      %dma_start3A_57 = tpu.memref_slice %arg3[%add3A_55] : memref<320000xi32, #tpu.memory_space<hbm>> -> memref<128xi32, #tpu.memory_space<hbm>>
      tpu.enqueue_dma source(%dma_start3A_57 : memref<128xi32, #tpu.memory_space<hbm>>) target(%arg6 : memref<128xi32, #tpu.memory_space<vmem>>) target_semaphore(%arg16 : memref<!tpu.dma_semaphore, #tpu.memory_space<semaphore_mem>>)
      %dma_start3A_58 = tpu.memref_slice %arg4[%add3A_55] : memref<320000xi32, #tpu.memory_space<hbm>> -> memref<128xi32, #tpu.memory_space<hbm>>
      %dma_start3A_59 = tpu.memref_slice %arg4[%add3A_55] : memref<320000xi32, #tpu.memory_space<hbm>> -> memref<128xi32, #tpu.memory_space<hbm>>
      tpu.enqueue_dma source(%dma_start3A_59 : memref<128xi32, #tpu.memory_space<hbm>>) target(%arg9 : memref<128xi32, #tpu.memory_space<vmem>>) target_semaphore(%arg16 : memref<!tpu.dma_semaphore, #tpu.memory_space<semaphore_mem>>)
      %mul3A_60 = arith.constant 3 : i32
      %mul3A_61 = arith.muli %mul3A_60, %scan3A_48 : i32
      %add3A_62 = arith.constant 1 : i32
      %add3A_63 = arith.addi %mul3A_61, %add3A_62 : i32
      %mul3A_64 = arith.constant 128 : i32
      %mul3A_65 = arith.muli %add3A_63, %mul3A_64 : i32
      %add3A_66 = arith.addi %mul3A_19, %mul3A_65 : i32
      %dma_start3A_67 = tpu.memref_slice %arg3[%add3A_66] : memref<320000xi32, #tpu.memory_space<hbm>> -> memref<128xi32, #tpu.memory_space<hbm>>
      %dma_start3A_68 = tpu.memref_slice %arg3[%add3A_66] : memref<320000xi32, #tpu.memory_space<hbm>> -> memref<128xi32, #tpu.memory_space<hbm>>
      tpu.enqueue_dma source(%dma_start3A_68 : memref<128xi32, #tpu.memory_space<hbm>>) target(%arg7 : memref<128xi32, #tpu.memory_space<vmem>>) target_semaphore(%arg17 : memref<!tpu.dma_semaphore, #tpu.memory_space<semaphore_mem>>)
      %dma_start3A_69 = tpu.memref_slice %arg4[%add3A_66] : memref<320000xi32, #tpu.memory_space<hbm>> -> memref<128xi32, #tpu.memory_space<hbm>>
      %dma_start3A_70 = tpu.memref_slice %arg4[%add3A_66] : memref<320000xi32, #tpu.memory_space<hbm>> -> memref<128xi32, #tpu.memory_space<hbm>>
      tpu.enqueue_dma source(%dma_start3A_70 : memref<128xi32, #tpu.memory_space<hbm>>) target(%arg10 : memref<128xi32, #tpu.memory_space<vmem>>) target_semaphore(%arg17 : memref<!tpu.dma_semaphore, #tpu.memory_space<semaphore_mem>>)
      %mul3A_71 = arith.constant 3 : i32
      %mul3A_72 = arith.muli %mul3A_71, %scan3A_48 : i32
      %add3A_73 = arith.constant 2 : i32
      %add3A_74 = arith.addi %mul3A_72, %add3A_73 : i32
      %mul3A_75 = arith.constant 128 : i32
      %mul3A_76 = arith.muli %add3A_74, %mul3A_75 : i32
      %add3A_77 = arith.addi %mul3A_19, %mul3A_76 : i32
      %dma_start3A_78 = tpu.memref_slice %arg3[%add3A_77] : memref<320000xi32, #tpu.memory_space<hbm>> -> memref<128xi32, #tpu.memory_space<hbm>>
      %dma_start3A_79 = tpu.memref_slice %arg3[%add3A_77] : memref<320000xi32, #tpu.memory_space<hbm>> -> memref<128xi32, #tpu.memory_space<hbm>>
      tpu.enqueue_dma source(%dma_start3A_79 : memref<128xi32, #tpu.memory_space<hbm>>) target(%arg8 : memref<128xi32, #tpu.memory_space<vmem>>) target_semaphore(%arg18 : memref<!tpu.dma_semaphore, #tpu.memory_space<semaphore_mem>>)
      %dma_start3A_80 = tpu.memref_slice %arg4[%add3A_77] : memref<320000xi32, #tpu.memory_space<hbm>> -> memref<128xi32, #tpu.memory_space<hbm>>
      %dma_start3A_81 = tpu.memref_slice %arg4[%add3A_77] : memref<320000xi32, #tpu.memory_space<hbm>> -> memref<128xi32, #tpu.memory_space<hbm>>
      tpu.enqueue_dma source(%dma_start3A_81 : memref<128xi32, #tpu.memory_space<hbm>>) target(%arg11 : memref<128xi32, #tpu.memory_space<vmem>>) target_semaphore(%arg18 : memref<!tpu.dma_semaphore, #tpu.memory_space<semaphore_mem>>)
      %dma_wait3A_82 = tpu.memref_slice %arg3[%add3A_55] : memref<320000xi32, #tpu.memory_space<hbm>> -> memref<128xi32, #tpu.memory_space<hbm>>
      %dma_wait3A_83 = tpu.memref_slice %arg3[%add3A_55] : memref<320000xi32, #tpu.memory_space<hbm>> -> memref<128xi32, #tpu.memory_space<hbm>>
      tpu.wait_dma2 semaphore(%arg16 : memref<!tpu.dma_semaphore, #tpu.memory_space<semaphore_mem>>) src(%dma_wait3A_83 : memref<128xi32, #tpu.memory_space<hbm>>) dst(%arg6 : memref<128xi32, #tpu.memory_space<vmem>>)
      %dma_wait3A_84 = tpu.memref_slice %arg4[%add3A_55] : memref<320000xi32, #tpu.memory_space<hbm>> -> memref<128xi32, #tpu.memory_space<hbm>>
      %dma_wait3A_85 = tpu.memref_slice %arg4[%add3A_55] : memref<320000xi32, #tpu.memory_space<hbm>> -> memref<128xi32, #tpu.memory_space<hbm>>
      tpu.wait_dma2 semaphore(%arg16 : memref<!tpu.dma_semaphore, #tpu.memory_space<semaphore_mem>>) src(%dma_wait3A_85 : memref<128xi32, #tpu.memory_space<hbm>>) dst(%arg9 : memref<128xi32, #tpu.memory_space<vmem>>)
      %dma_start3A_86 = arith.constant 0 : i32
      %dma_start3A_87 = arith.constant 0 : i32
      %dma_start3A_88 = tpu.memref_slice %arg2[%dma_start3A_86, %dma_start3A_87] : memref<10000x128xf32, #tpu.memory_space<hbm>> -> memref<10000x128xf32, #tpu.memory_space<hbm>>
      tpu.enqueue_indirect_dma source(%dma_start3A_88 : memref<10000x128xf32, #tpu.memory_space<hbm>>) target(%arg12 : memref<128x128xf32, #tpu.memory_space<vmem>>) offsets(%arg6 : memref<128xi32, #tpu.memory_space<vmem>>) semaphore(%arg19 : memref<!tpu.dma_semaphore, #tpu.memory_space<semaphore_mem>>)
      %dma_wait3A_89 = tpu.memref_slice %arg3[%add3A_66] : memref<320000xi32, #tpu.memory_space<hbm>> -> memref<128xi32, #tpu.memory_space<hbm>>
      %dma_wait3A_90 = tpu.memref_slice %arg3[%add3A_66] : memref<320000xi32, #tpu.memory_space<hbm>> -> memref<128xi32, #tpu.memory_space<hbm>>
      tpu.wait_dma2 semaphore(%arg17 : memref<!tpu.dma_semaphore, #tpu.memory_space<semaphore_mem>>) src(%dma_wait3A_90 : memref<128xi32, #tpu.memory_space<hbm>>) dst(%arg7 : memref<128xi32, #tpu.memory_space<vmem>>)
      %dma_wait3A_91 = tpu.memref_slice %arg4[%add3A_66] : memref<320000xi32, #tpu.memory_space<hbm>> -> memref<128xi32, #tpu.memory_space<hbm>>
      %dma_wait3A_92 = tpu.memref_slice %arg4[%add3A_66] : memref<320000xi32, #tpu.memory_space<hbm>> -> memref<128xi32, #tpu.memory_space<hbm>>
      tpu.wait_dma2 semaphore(%arg17 : memref<!tpu.dma_semaphore, #tpu.memory_space<semaphore_mem>>) src(%dma_wait3A_92 : memref<128xi32, #tpu.memory_space<hbm>>) dst(%arg10 : memref<128xi32, #tpu.memory_space<vmem>>)
      %dma_start3A_93 = arith.constant 0 : i32
      %dma_start3A_94 = arith.constant 0 : i32
      %dma_start3A_95 = tpu.memref_slice %arg2[%dma_start3A_93, %dma_start3A_94] : memref<10000x128xf32, #tpu.memory_space<hbm>> -> memref<10000x128xf32, #tpu.memory_space<hbm>>
      tpu.enqueue_indirect_dma source(%dma_start3A_95 : memref<10000x128xf32, #tpu.memory_space<hbm>>) target(%arg13 : memref<128x128xf32, #tpu.memory_space<vmem>>) offsets(%arg7 : memref<128xi32, #tpu.memory_space<vmem>>) semaphore(%arg20 : memref<!tpu.dma_semaphore, #tpu.memory_space<semaphore_mem>>)
      %dma_wait3A_96 = tpu.memref_slice %arg3[%add3A_77] : memref<320000xi32, #tpu.memory_space<hbm>> -> memref<128xi32, #tpu.memory_space<hbm>>
      %dma_wait3A_97 = tpu.memref_slice %arg3[%add3A_77] : memref<320000xi32, #tpu.memory_space<hbm>> -> memref<128xi32, #tpu.memory_space<hbm>>
      tpu.wait_dma2 semaphore(%arg18 : memref<!tpu.dma_semaphore, #tpu.memory_space<semaphore_mem>>) src(%dma_wait3A_97 : memref<128xi32, #tpu.memory_space<hbm>>) dst(%arg8 : memref<128xi32, #tpu.memory_space<vmem>>)
      %dma_wait3A_98 = tpu.memref_slice %arg4[%add3A_77] : memref<320000xi32, #tpu.memory_space<hbm>> -> memref<128xi32, #tpu.memory_space<hbm>>
      %dma_wait3A_99 = tpu.memref_slice %arg4[%add3A_77] : memref<320000xi32, #tpu.memory_space<hbm>> -> memref<128xi32, #tpu.memory_space<hbm>>
      tpu.wait_dma2 semaphore(%arg18 : memref<!tpu.dma_semaphore, #tpu.memory_space<semaphore_mem>>) src(%dma_wait3A_99 : memref<128xi32, #tpu.memory_space<hbm>>) dst(%arg11 : memref<128xi32, #tpu.memory_space<vmem>>)
      %dma_start3A_100 = arith.constant 0 : i32
      %dma_start3A_101 = arith.constant 0 : i32
      %dma_start3A_102 = tpu.memref_slice %arg2[%dma_start3A_100, %dma_start3A_101] : memref<10000x128xf32, #tpu.memory_space<hbm>> -> memref<10000x128xf32, #tpu.memory_space<hbm>>
      tpu.enqueue_indirect_dma source(%dma_start3A_102 : memref<10000x128xf32, #tpu.memory_space<hbm>>) target(%arg14 : memref<128x128xf32, #tpu.memory_space<vmem>>) offsets(%arg8 : memref<128xi32, #tpu.memory_space<vmem>>) semaphore(%arg21 : memref<!tpu.dma_semaphore, #tpu.memory_space<semaphore_mem>>)
      %dma_wait3A_103 = arith.constant 0 : i32
      %dma_wait3A_104 = arith.constant 0 : i32
      %dma_wait3A_105 = tpu.memref_slice %arg2[%dma_wait3A_103, %dma_wait3A_104] : memref<10000x128xf32, #tpu.memory_space<hbm>> -> memref<10000x128xf32, #tpu.memory_space<hbm>>
      tpu.wait_indirect_dma semaphore(%arg19 : memref<!tpu.dma_semaphore, #tpu.memory_space<semaphore_mem>>) src(%dma_wait3A_105 : memref<10000x128xf32, #tpu.memory_space<hbm>>) dst(%arg12 : memref<128x128xf32, #tpu.memory_space<vmem>>)
      %dma_start3A_106 = arith.constant 0 : i32
      %dma_start3A_107 = arith.constant 0 : i32
      %dma_start3A_108 = tpu.memref_slice %arg15[%dma_start3A_106, %dma_start3A_107] : memref<10000x128xf32, #tpu.memory_space<vmem_shared>> -> memref<10000x128xf32, #tpu.memory_space<vmem_shared>>
      tpu.enqueue_indirect_dma source(%arg12 : memref<128x128xf32, #tpu.memory_space<vmem>>) target(%dma_start3A_108 : memref<10000x128xf32, #tpu.memory_space<vmem_shared>>) offsets(%arg9 : memref<128xi32, #tpu.memory_space<vmem>>) semaphore(%arg22 : memref<!tpu.dma_semaphore, #tpu.memory_space<semaphore_mem>>) {add = true}
      %dma_wait3A_109 = arith.constant 0 : i32
      %dma_wait3A_110 = arith.constant 0 : i32
      %dma_wait3A_111 = tpu.memref_slice %arg2[%dma_wait3A_109, %dma_wait3A_110] : memref<10000x128xf32, #tpu.memory_space<hbm>> -> memref<10000x128xf32, #tpu.memory_space<hbm>>
      tpu.wait_indirect_dma semaphore(%arg20 : memref<!tpu.dma_semaphore, #tpu.memory_space<semaphore_mem>>) src(%dma_wait3A_111 : memref<10000x128xf32, #tpu.memory_space<hbm>>) dst(%arg13 : memref<128x128xf32, #tpu.memory_space<vmem>>)
      %dma_start3A_112 = arith.constant 0 : i32
      %dma_start3A_113 = arith.constant 0 : i32
      %dma_start3A_114 = tpu.memref_slice %arg15[%dma_start3A_112, %dma_start3A_113] : memref<10000x128xf32, #tpu.memory_space<vmem_shared>> -> memref<10000x128xf32, #tpu.memory_space<vmem_shared>>
      tpu.enqueue_indirect_dma source(%arg13 : memref<128x128xf32, #tpu.memory_space<vmem>>) target(%dma_start3A_114 : memref<10000x128xf32, #tpu.memory_space<vmem_shared>>) offsets(%arg10 : memref<128xi32, #tpu.memory_space<vmem>>) semaphore(%arg23 : memref<!tpu.dma_semaphore, #tpu.memory_space<semaphore_mem>>) {add = true}
      %dma_wait3A_115 = arith.constant 0 : i32
      %dma_wait3A_116 = arith.constant 0 : i32
      %dma_wait3A_117 = tpu.memref_slice %arg2[%dma_wait3A_115, %dma_wait3A_116] : memref<10000x128xf32, #tpu.memory_space<hbm>> -> memref<10000x128xf32, #tpu.memory_space<hbm>>
      tpu.wait_indirect_dma semaphore(%arg21 : memref<!tpu.dma_semaphore, #tpu.memory_space<semaphore_mem>>) src(%dma_wait3A_117 : memref<10000x128xf32, #tpu.memory_space<hbm>>) dst(%arg14 : memref<128x128xf32, #tpu.memory_space<vmem>>)
      %dma_start3A_118 = arith.constant 0 : i32
      %dma_start3A_119 = arith.constant 0 : i32
      %dma_start3A_120 = tpu.memref_slice %arg15[%dma_start3A_118, %dma_start3A_119] : memref<10000x128xf32, #tpu.memory_space<vmem_shared>> -> memref<10000x128xf32, #tpu.memory_space<vmem_shared>>
      tpu.enqueue_indirect_dma source(%arg14 : memref<128x128xf32, #tpu.memory_space<vmem>>) target(%dma_start3A_120 : memref<10000x128xf32, #tpu.memory_space<vmem_shared>>) offsets(%arg11 : memref<128xi32, #tpu.memory_space<vmem>>) semaphore(%arg24 : memref<!tpu.dma_semaphore, #tpu.memory_space<semaphore_mem>>) {add = true}
      %dma_wait3A_121 = arith.constant 0 : i32
      %dma_wait3A_122 = arith.constant 0 : i32
      %dma_wait3A_123 = tpu.memref_slice %arg15[%dma_wait3A_121, %dma_wait3A_122] : memref<10000x128xf32, #tpu.memory_space<vmem_shared>> -> memref<10000x128xf32, #tpu.memory_space<vmem_shared>>
      tpu.wait_indirect_dma semaphore(%arg22 : memref<!tpu.dma_semaphore, #tpu.memory_space<semaphore_mem>>) src(%arg12 : memref<128x128xf32, #tpu.memory_space<vmem>>) dst(%dma_wait3A_123 : memref<10000x128xf32, #tpu.memory_space<vmem_shared>>)
      %dma_wait3A_124 = arith.constant 0 : i32
      %dma_wait3A_125 = arith.constant 0 : i32
      %dma_wait3A_126 = tpu.memref_slice %arg15[%dma_wait3A_124, %dma_wait3A_125] : memref<10000x128xf32, #tpu.memory_space<vmem_shared>> -> memref<10000x128xf32, #tpu.memory_space<vmem_shared>>
      tpu.wait_indirect_dma semaphore(%arg23 : memref<!tpu.dma_semaphore, #tpu.memory_space<semaphore_mem>>) src(%arg13 : memref<128x128xf32, #tpu.memory_space<vmem>>) dst(%dma_wait3A_126 : memref<10000x128xf32, #tpu.memory_space<vmem_shared>>)
      %dma_wait3A_127 = arith.constant 0 : i32
      %dma_wait3A_128 = arith.constant 0 : i32
      %dma_wait3A_129 = tpu.memref_slice %arg15[%dma_wait3A_127, %dma_wait3A_128] : memref<10000x128xf32, #tpu.memory_space<vmem_shared>> -> memref<10000x128xf32, #tpu.memory_space<vmem_shared>>
      tpu.wait_indirect_dma semaphore(%arg24 : memref<!tpu.dma_semaphore, #tpu.memory_space<semaphore_mem>>) src(%arg14 : memref<128x128xf32, #tpu.memory_space<vmem>>) dst(%dma_wait3A_129 : memref<10000x128xf32, #tpu.memory_space<vmem_shared>>)
    }
    %scan3A_25 = arith.constant 26 : i32
    %add3A_26 = arith.constant 9984 : i32
    %add3A_27 = arith.addi %mul3A_19, %add3A_26 : i32
    "tpu.region"() ({
      %run_scoped3A = tpu.sem_alloc : memref<!tpu.dma_semaphore, #tpu.memory_space<semaphore_mem>>
      %dma_start3A_48 = arith.constant 0 : i32
      %dma_start3A_49 = tpu.memref_slice %arg6[%dma_start3A_48] : memref<128xi32, #tpu.memory_space<vmem>> -> memref<16xi32, #tpu.memory_space<vmem>>
      %dma_start3A_50 = tpu.memref_slice %arg3[%add3A_27] : memref<320000xi32, #tpu.memory_space<hbm>> -> memref<16xi32, #tpu.memory_space<hbm>>
      %dma_start3A_51 = arith.constant 0 : i32
      %dma_start3A_52 = tpu.memref_slice %arg6[%dma_start3A_51] : memref<128xi32, #tpu.memory_space<vmem>> -> memref<16xi32, #tpu.memory_space<vmem>>
      %dma_start3A_53 = tpu.memref_slice %arg3[%add3A_27] : memref<320000xi32, #tpu.memory_space<hbm>> -> memref<16xi32, #tpu.memory_space<hbm>>
      tpu.enqueue_dma source(%dma_start3A_53 : memref<16xi32, #tpu.memory_space<hbm>>) target(%dma_start3A_52 : memref<16xi32, #tpu.memory_space<vmem>>) target_semaphore(%run_scoped3A : memref<!tpu.dma_semaphore, #tpu.memory_space<semaphore_mem>>)
      %dma_wait3A_54 = arith.constant 0 : i32
      %dma_wait3A_55 = tpu.memref_slice %arg6[%dma_wait3A_54] : memref<128xi32, #tpu.memory_space<vmem>> -> memref<16xi32, #tpu.memory_space<vmem>>
      %dma_wait3A_56 = tpu.memref_slice %arg3[%add3A_27] : memref<320000xi32, #tpu.memory_space<hbm>> -> memref<16xi32, #tpu.memory_space<hbm>>
      %dma_wait3A_57 = arith.constant 0 : i32
      %dma_wait3A_58 = tpu.memref_slice %arg6[%dma_wait3A_57] : memref<128xi32, #tpu.memory_space<vmem>> -> memref<16xi32, #tpu.memory_space<vmem>>
      %dma_wait3A_59 = tpu.memref_slice %arg3[%add3A_27] : memref<320000xi32, #tpu.memory_space<hbm>> -> memref<16xi32, #tpu.memory_space<hbm>>
      tpu.wait_dma2 semaphore(%run_scoped3A : memref<!tpu.dma_semaphore, #tpu.memory_space<semaphore_mem>>) src(%dma_wait3A_59 : memref<16xi32, #tpu.memory_space<hbm>>) dst(%dma_wait3A_58 : memref<16xi32, #tpu.memory_space<vmem>>)
      tpu.yield
    }) : () -> ()
    "tpu.region"() ({
      %run_scoped3A = tpu.sem_alloc : memref<!tpu.dma_semaphore, #tpu.memory_space<semaphore_mem>>
      %dma_start3A_48 = arith.constant 0 : i32
      %dma_start3A_49 = tpu.memref_slice %arg9[%dma_start3A_48] : memref<128xi32, #tpu.memory_space<vmem>> -> memref<16xi32, #tpu.memory_space<vmem>>
      %dma_start3A_50 = tpu.memref_slice %arg4[%add3A_27] : memref<320000xi32, #tpu.memory_space<hbm>> -> memref<16xi32, #tpu.memory_space<hbm>>
      %dma_start3A_51 = arith.constant 0 : i32
      %dma_start3A_52 = tpu.memref_slice %arg9[%dma_start3A_51] : memref<128xi32, #tpu.memory_space<vmem>> -> memref<16xi32, #tpu.memory_space<vmem>>
      %dma_start3A_53 = tpu.memref_slice %arg4[%add3A_27] : memref<320000xi32, #tpu.memory_space<hbm>> -> memref<16xi32, #tpu.memory_space<hbm>>
      tpu.enqueue_dma source(%dma_start3A_53 : memref<16xi32, #tpu.memory_space<hbm>>) target(%dma_start3A_52 : memref<16xi32, #tpu.memory_space<vmem>>) target_semaphore(%run_scoped3A : memref<!tpu.dma_semaphore, #tpu.memory_space<semaphore_mem>>)
      %dma_wait3A_54 = arith.constant 0 : i32
      %dma_wait3A_55 = tpu.memref_slice %arg9[%dma_wait3A_54] : memref<128xi32, #tpu.memory_space<vmem>> -> memref<16xi32, #tpu.memory_space<vmem>>
      %dma_wait3A_56 = tpu.memref_slice %arg4[%add3A_27] : memref<320000xi32, #tpu.memory_space<hbm>> -> memref<16xi32, #tpu.memory_space<hbm>>
      %dma_wait3A_57 = arith.constant 0 : i32
      %dma_wait3A_58 = tpu.memref_slice %arg9[%dma_wait3A_57] : memref<128xi32, #tpu.memory_space<vmem>> -> memref<16xi32, #tpu.memory_space<vmem>>
      %dma_wait3A_59 = tpu.memref_slice %arg4[%add3A_27] : memref<320000xi32, #tpu.memory_space<hbm>> -> memref<16xi32, #tpu.memory_space<hbm>>
      tpu.wait_dma2 semaphore(%run_scoped3A : memref<!tpu.dma_semaphore, #tpu.memory_space<semaphore_mem>>) src(%dma_wait3A_59 : memref<16xi32, #tpu.memory_space<hbm>>) dst(%dma_wait3A_58 : memref<16xi32, #tpu.memory_space<vmem>>)
      tpu.yield
    }) : () -> ()
    %dma_start3A = arith.constant 0 : i32
    %dma_start3A_28 = arith.constant 0 : i32
    %dma_start3A_29 = tpu.memref_slice %arg12[%dma_start3A, %dma_start3A_28] : memref<128x128xf32, #tpu.memory_space<vmem>> -> memref<16x128xf32, #tpu.memory_space<vmem>>
    %dma_start3A_30 = arith.constant 0 : i32
    %dma_start3A_31 = tpu.memref_slice %arg6[%dma_start3A_30] : memref<128xi32, #tpu.memory_space<vmem>> -> memref<16xi32, #tpu.memory_space<vmem>>
    %dma_start3A_32 = arith.constant 0 : i32
    %dma_start3A_33 = arith.constant 0 : i32
    %dma_start3A_34 = tpu.memref_slice %arg2[%dma_start3A_32, %dma_start3A_33] : memref<10000x128xf32, #tpu.memory_space<hbm>> -> memref<10000x128xf32, #tpu.memory_space<hbm>>
    tpu.enqueue_indirect_dma source(%dma_start3A_34 : memref<10000x128xf32, #tpu.memory_space<hbm>>) target(%dma_start3A_29 : memref<16x128xf32, #tpu.memory_space<vmem>>) offsets(%dma_start3A_31 : memref<16xi32, #tpu.memory_space<vmem>>) semaphore(%arg19 : memref<!tpu.dma_semaphore, #tpu.memory_space<semaphore_mem>>)
    %dma_wait3A = arith.constant 0 : i32
    %dma_wait3A_35 = arith.constant 0 : i32
    %dma_wait3A_36 = tpu.memref_slice %arg12[%dma_wait3A, %dma_wait3A_35] : memref<128x128xf32, #tpu.memory_space<vmem>> -> memref<16x128xf32, #tpu.memory_space<vmem>>
    %dma_wait3A_37 = arith.constant 0 : i32
    %dma_wait3A_38 = tpu.memref_slice %arg6[%dma_wait3A_37] : memref<128xi32, #tpu.memory_space<vmem>> -> memref<16xi32, #tpu.memory_space<vmem>>
    %dma_wait3A_39 = arith.constant 0 : i32
    %dma_wait3A_40 = arith.constant 0 : i32
    %dma_wait3A_41 = tpu.memref_slice %arg2[%dma_wait3A_39, %dma_wait3A_40] : memref<10000x128xf32, #tpu.memory_space<hbm>> -> memref<10000x128xf32, #tpu.memory_space<hbm>>
    tpu.wait_indirect_dma semaphore(%arg19 : memref<!tpu.dma_semaphore, #tpu.memory_space<semaphore_mem>>) src(%dma_wait3A_41 : memref<10000x128xf32, #tpu.memory_space<hbm>>) dst(%dma_wait3A_36 : memref<16x128xf32, #tpu.memory_space<vmem>>)
    "tpu.region"() ({
      %run_scoped3A = tpu.sem_alloc : memref<!tpu.dma_semaphore, #tpu.memory_space<semaphore_mem>>
      %dma_start3A_48 = arith.constant 0 : i32
      %dma_start3A_49 = arith.constant 0 : i32
      %dma_start3A_50 = tpu.memref_slice %arg12[%dma_start3A_48, %dma_start3A_49] : memref<128x128xf32, #tpu.memory_space<vmem>> -> memref<16x128xf32, #tpu.memory_space<vmem>>
      %dma_start3A_51 = arith.constant 0 : i32
      %dma_start3A_52 = tpu.memref_slice %arg9[%dma_start3A_51] : memref<128xi32, #tpu.memory_space<vmem>> -> memref<16xi32, #tpu.memory_space<vmem>>
      %dma_start3A_53 = arith.constant 0 : i32
      %dma_start3A_54 = arith.constant 0 : i32
      %dma_start3A_55 = tpu.memref_slice %arg15[%dma_start3A_53, %dma_start3A_54] : memref<10000x128xf32, #tpu.memory_space<vmem_shared>> -> memref<10000x128xf32, #tpu.memory_space<vmem_shared>>
      tpu.enqueue_indirect_dma source(%dma_start3A_50 : memref<16x128xf32, #tpu.memory_space<vmem>>) target(%dma_start3A_55 : memref<10000x128xf32, #tpu.memory_space<vmem_shared>>) offsets(%dma_start3A_52 : memref<16xi32, #tpu.memory_space<vmem>>) semaphore(%run_scoped3A : memref<!tpu.dma_semaphore, #tpu.memory_space<semaphore_mem>>) {add = true}
      %dma_wait3A_56 = arith.constant 0 : i32
      %dma_wait3A_57 = arith.constant 0 : i32
      %dma_wait3A_58 = tpu.memref_slice %arg12[%dma_wait3A_56, %dma_wait3A_57] : memref<128x128xf32, #tpu.memory_space<vmem>> -> memref<16x128xf32, #tpu.memory_space<vmem>>
      %dma_wait3A_59 = arith.constant 0 : i32
      %dma_wait3A_60 = tpu.memref_slice %arg9[%dma_wait3A_59] : memref<128xi32, #tpu.memory_space<vmem>> -> memref<16xi32, #tpu.memory_space<vmem>>
      %dma_wait3A_61 = arith.constant 0 : i32
      %dma_wait3A_62 = arith.constant 0 : i32
      %dma_wait3A_63 = tpu.memref_slice %arg15[%dma_wait3A_61, %dma_wait3A_62] : memref<10000x128xf32, #tpu.memory_space<vmem_shared>> -> memref<10000x128xf32, #tpu.memory_space<vmem_shared>>
      tpu.wait_indirect_dma semaphore(%run_scoped3A : memref<!tpu.dma_semaphore, #tpu.memory_space<semaphore_mem>>) src(%dma_wait3A_58 : memref<16x128xf32, #tpu.memory_space<vmem>>) dst(%dma_wait3A_63 : memref<10000x128xf32, #tpu.memory_space<vmem_shared>>)
      tpu.yield
    }) : () -> ()
    %barrier3A_42 = arith.constant 0 : index
    tpu.barrier barrier_id(%barrier3A_42)
    "tpu.region"() ({
      %run_scoped3A = tpu.sem_alloc : memref<!tpu.dma_semaphore, #tpu.memory_space<semaphore_mem>>
      %dma_start3A_48 = arith.constant 0 : i32
      %dma_start3A_49 = arith.constant 0 : i32
      %dma_start3A_50 = tpu.memref_slice %arg5[%arg0, %dma_start3A_48, %dma_start3A_49] : memref<2x10000x128xf32, #tpu.memory_space<hbm>> -> memref<1x10000x128xf32, #tpu.memory_space<hbm>>
      %dma_start3A_51 = tpu.memref_squeeze %dma_start3A_50 : memref<1x10000x128xf32, #tpu.memory_space<hbm>> -> memref<10000x128xf32, #tpu.memory_space<hbm>>
      %dma_start3A_52 = arith.constant 0 : i32
      %dma_start3A_53 = tpu.memref_slice %dma_start3A_51[%mul3A_7, %dma_start3A_52] : memref<10000x128xf32, #tpu.memory_space<hbm>> -> memref<624x128xf32, #tpu.memory_space<hbm>>
      %dma_start3A_54 = arith.constant 0 : i32
      %dma_start3A_55 = tpu.memref_slice %arg15[%mul3A_7, %dma_start3A_54] : memref<10000x128xf32, #tpu.memory_space<vmem_shared>> -> memref<624x128xf32, #tpu.memory_space<vmem_shared>>
      tpu.enqueue_dma source(%dma_start3A_55 : memref<624x128xf32, #tpu.memory_space<vmem_shared>>) target(%dma_start3A_53 : memref<624x128xf32, #tpu.memory_space<hbm>>) target_semaphore(%run_scoped3A : memref<!tpu.dma_semaphore, #tpu.memory_space<semaphore_mem>>)
      %dma_wait3A_56 = arith.constant 0 : i32
      %dma_wait3A_57 = arith.constant 0 : i32
      %dma_wait3A_58 = tpu.memref_slice %arg5[%arg0, %dma_wait3A_56, %dma_wait3A_57] : memref<2x10000x128xf32, #tpu.memory_space<hbm>> -> memref<1x10000x128xf32, #tpu.memory_space<hbm>>
      %dma_wait3A_59 = tpu.memref_squeeze %dma_wait3A_58 : memref<1x10000x128xf32, #tpu.memory_space<hbm>> -> memref<10000x128xf32, #tpu.memory_space<hbm>>
      %dma_wait3A_60 = arith.constant 0 : i32
      %dma_wait3A_61 = tpu.memref_slice %dma_wait3A_59[%mul3A_7, %dma_wait3A_60] : memref<10000x128xf32, #tpu.memory_space<hbm>> -> memref<624x128xf32, #tpu.memory_space<hbm>>
      %dma_wait3A_62 = arith.constant 0 : i32
      %dma_wait3A_63 = tpu.memref_slice %arg15[%mul3A_7, %dma_wait3A_62] : memref<10000x128xf32, #tpu.memory_space<vmem_shared>> -> memref<624x128xf32, #tpu.memory_space<vmem_shared>>
      tpu.wait_dma2 semaphore(%run_scoped3A : memref<!tpu.dma_semaphore, #tpu.memory_space<semaphore_mem>>) src(%dma_wait3A_63 : memref<624x128xf32, #tpu.memory_space<vmem_shared>>) dst(%dma_wait3A_61 : memref<624x128xf32, #tpu.memory_space<hbm>>)
      tpu.yield
    }) : () -> ()
    %eq3A_43 = arith.constant 15 : i32
    %eq3A_44 = arith.cmpi eq, %arg1, %eq3A_43 : i32
    %convert_element_type3A_45 = arith.extui %eq3A_44 : i1 to i32
    %cond3A_46 = arith.constant 0 : i32
    %cond3A_47 = arith.cmpi ne, %convert_element_type3A_45, %cond3A_46 : i32
    scf.if %cond3A_47 {
      "tpu.region"() ({
        %run_scoped3A = tpu.sem_alloc : memref<!tpu.dma_semaphore, #tpu.memory_space<semaphore_mem>>
        %dma_start3A_48 = arith.constant 0 : i32
        %dma_start3A_49 = arith.constant 0 : i32
        %dma_start3A_50 = tpu.memref_slice %arg5[%arg0, %dma_start3A_48, %dma_start3A_49] : memref<2x10000x128xf32, #tpu.memory_space<hbm>> -> memref<1x10000x128xf32, #tpu.memory_space<hbm>>
        %dma_start3A_51 = tpu.memref_squeeze %dma_start3A_50 : memref<1x10000x128xf32, #tpu.memory_space<hbm>> -> memref<10000x128xf32, #tpu.memory_space<hbm>>
        %dma_start3A_52 = arith.constant 9984 : i32
        %dma_start3A_53 = arith.constant 0 : i32
        %dma_start3A_54 = tpu.memref_slice %dma_start3A_51[%dma_start3A_52, %dma_start3A_53] : memref<10000x128xf32, #tpu.memory_space<hbm>> -> memref<16x128xf32, #tpu.memory_space<hbm>>
        %dma_start3A_55 = arith.constant 9984 : i32
        %dma_start3A_56 = arith.constant 0 : i32
        %dma_start3A_57 = tpu.memref_slice %arg15[%dma_start3A_55, %dma_start3A_56] : memref<10000x128xf32, #tpu.memory_space<vmem_shared>> -> memref<16x128xf32, #tpu.memory_space<vmem_shared>>
        tpu.enqueue_dma source(%dma_start3A_57 : memref<16x128xf32, #tpu.memory_space<vmem_shared>>) target(%dma_start3A_54 : memref<16x128xf32, #tpu.memory_space<hbm>>) target_semaphore(%run_scoped3A : memref<!tpu.dma_semaphore, #tpu.memory_space<semaphore_mem>>)
        %dma_wait3A_58 = arith.constant 0 : i32
        %dma_wait3A_59 = arith.constant 0 : i32
        %dma_wait3A_60 = tpu.memref_slice %arg5[%arg0, %dma_wait3A_58, %dma_wait3A_59] : memref<2x10000x128xf32, #tpu.memory_space<hbm>> -> memref<1x10000x128xf32, #tpu.memory_space<hbm>>
        %dma_wait3A_61 = tpu.memref_squeeze %dma_wait3A_60 : memref<1x10000x128xf32, #tpu.memory_space<hbm>> -> memref<10000x128xf32, #tpu.memory_space<hbm>>
        %dma_wait3A_62 = arith.constant 9984 : i32
        %dma_wait3A_63 = arith.constant 0 : i32
        %dma_wait3A_64 = tpu.memref_slice %dma_wait3A_61[%dma_wait3A_62, %dma_wait3A_63] : memref<10000x128xf32, #tpu.memory_space<hbm>> -> memref<16x128xf32, #tpu.memory_space<hbm>>
        %dma_wait3A_65 = arith.constant 9984 : i32
        %dma_wait3A_66 = arith.constant 0 : i32
        %dma_wait3A_67 = tpu.memref_slice %arg15[%dma_wait3A_65, %dma_wait3A_66] : memref<10000x128xf32, #tpu.memory_space<vmem_shared>> -> memref<16x128xf32, #tpu.memory_space<vmem_shared>>
        tpu.wait_dma2 semaphore(%run_scoped3A : memref<!tpu.dma_semaphore, #tpu.memory_space<semaphore_mem>>) src(%dma_wait3A_67 : memref<16x128xf32, #tpu.memory_space<vmem_shared>>) dst(%dma_wait3A_64 : memref<16x128xf32, #tpu.memory_space<hbm>>)
        tpu.yield
      }) : () -> ()
    } else {
    }
    return
  }
}

module attributes {stable_mosaic.version = 14 : i64} {
  func.func @body(%arg0: memref<10000x128xf32, #tpu.memory_space<vmem>>, %arg1: memref<10000x128xf32, #tpu.memory_space<vmem>>, %arg2: memref<10000x128xf32, #tpu.memory_space<vmem>>, %arg3: memref<128x128xf32, #tpu.memory_space<vmem>>, %arg4: memref<1x128xf32, #tpu.memory_space<vmem>>, %arg5: memref<128x128xf32, #tpu.memory_space<vmem>>, %arg6: memref<1x128xf32, #tpu.memory_space<vmem>>, %arg7: memref<1x128xf32, #tpu.memory_space<vmem>>, %arg8: memref<1x128xf32, #tpu.memory_space<vmem>>, %arg9: memref<10000x128xf32, #tpu.memory_space<vmem>>) attributes {dimension_semantics = [], scalar_prefetch = 0 : i64, scratch_operands = 0 : i64, tpu.core_type = #tpu.core_type<tc>} {
    %get3A = arith.constant 0 : index
    %get3A_0 = arith.constant 0 : index
    %get3A_1 = vector.load %arg0[%get3A, %get3A_0] : memref<10000x128xf32, #tpu.memory_space<vmem>>, vector<10000x128xf32>
    %get3A_2 = arith.constant 0 : index
    %get3A_3 = arith.constant 0 : index
    %get3A_4 = vector.load %arg1[%get3A_2, %get3A_3] : memref<10000x128xf32, #tpu.memory_space<vmem>>, vector<10000x128xf32>
    %add3A = arith.addf %get3A_1, %get3A_4 : vector<10000x128xf32>
    %get3A_5 = arith.constant 0 : index
    %get3A_6 = arith.constant 0 : index
    %get3A_7 = vector.load %arg2[%get3A_5, %get3A_6] : memref<10000x128xf32, #tpu.memory_space<vmem>>, vector<10000x128xf32>
    %add3A_8 = arith.addf %add3A, %get3A_7 : vector<10000x128xf32>
    %get3A_9 = arith.constant 0 : index
    %get3A_10 = arith.constant 0 : index
    %get3A_11 = vector.load %arg3[%get3A_9, %get3A_10] : memref<128x128xf32, #tpu.memory_space<vmem>>, vector<128x128xf32>
    %dot_general3A = arith.constant dense<0.000000e+00> : vector<10000x128xf32>
    %dot_general3A_12 = tpu.matmul %add3A_8, %get3A_11, %dot_general3A {dimension_numbers = #tpu.dot_dimension_numbers<[1], [0], [0], [1], [0, 0, 1, 1], [], []>, transpose_lhs_hint = false} : vector<10000x128xf32>, vector<128x128xf32>, vector<10000x128xf32> -> vector<10000x128xf32>
    %get3A_13 = arith.constant 0 : index
    %get3A_14 = arith.constant 0 : index
    %get3A_15 = vector.load %arg4[%get3A_13, %get3A_14] : memref<1x128xf32, #tpu.memory_space<vmem>>, vector<1x128xf32>
    %add3A_16 = vector.broadcast %get3A_15 : vector<1x128xf32> to vector<10000x128xf32>
    %add3A_17 = arith.addf %dot_general3A_12, %add3A_16 : vector<10000x128xf32>
    %max3A = arith.constant 0.000000e+00 : f32
    %max3A_18 = vector.broadcast %max3A : f32 to vector<10000x128xf32>
    %max3A_19 = arith.maximumf %add3A_17, %max3A_18 : vector<10000x128xf32>
    %get3A_20 = arith.constant 0 : index
    %get3A_21 = arith.constant 0 : index
    %get3A_22 = vector.load %arg5[%get3A_20, %get3A_21] : memref<128x128xf32, #tpu.memory_space<vmem>>, vector<128x128xf32>
    %dot_general3A_23 = arith.constant dense<0.000000e+00> : vector<10000x128xf32>
    %dot_general3A_24 = tpu.matmul %max3A_19, %get3A_22, %dot_general3A_23 {dimension_numbers = #tpu.dot_dimension_numbers<[1], [0], [0], [1], [0, 0, 1, 1], [], []>, transpose_lhs_hint = false} : vector<10000x128xf32>, vector<128x128xf32>, vector<10000x128xf32> -> vector<10000x128xf32>
    %get3A_25 = arith.constant 0 : index
    %get3A_26 = arith.constant 0 : index
    %get3A_27 = vector.load %arg6[%get3A_25, %get3A_26] : memref<1x128xf32, #tpu.memory_space<vmem>>, vector<1x128xf32>
    %add3A_28 = vector.broadcast %get3A_27 : vector<1x128xf32> to vector<10000x128xf32>
    %add3A_29 = arith.addf %dot_general3A_24, %add3A_28 : vector<10000x128xf32>
    %reduce_sum3A = arith.constant dense<0.000000e+00> : vector<128xf32>
    %reduce_sum3A_30 = vector.multi_reduction <add>, %add3A_29, %reduce_sum3A [0] : vector<10000x128xf32> to vector<128xf32>
    %broadcast_in_dim3A = vector.shape_cast %reduce_sum3A_30 : vector<128xf32> to vector<1x128xf32>
    %div3A = arith.constant 1.000000e+04 : f32
    %div3A_31 = vector.broadcast %div3A : f32 to vector<1x128xf32>
    %div3A_32 = arith.divf %broadcast_in_dim3A, %div3A_31 : vector<1x128xf32>
    %sub3A = vector.broadcast %div3A_32 : vector<1x128xf32> to vector<10000x128xf32>
    %sub3A_33 = arith.subf %add3A_29, %sub3A : vector<10000x128xf32>
    %sub3A_34 = vector.broadcast %div3A_32 : vector<1x128xf32> to vector<10000x128xf32>
    %sub3A_35 = arith.subf %add3A_29, %sub3A_34 : vector<10000x128xf32>
    %mul3A = arith.mulf %sub3A_33, %sub3A_35 : vector<10000x128xf32>
    %reduce_sum3A_36 = arith.constant dense<0.000000e+00> : vector<128xf32>
    %reduce_sum3A_37 = vector.multi_reduction <add>, %mul3A, %reduce_sum3A_36 [0] : vector<10000x128xf32> to vector<128xf32>
    %broadcast_in_dim3A_38 = vector.shape_cast %reduce_sum3A_37 : vector<128xf32> to vector<1x128xf32>
    %div3A_39 = arith.constant 1.000000e+04 : f32
    %div3A_40 = vector.broadcast %div3A_39 : f32 to vector<1x128xf32>
    %div3A_41 = arith.divf %broadcast_in_dim3A_38, %div3A_40 : vector<1x128xf32>
    %get3A_42 = arith.constant 0 : index
    %get3A_43 = arith.constant 0 : index
    %get3A_44 = vector.load %arg7[%get3A_42, %get3A_43] : memref<1x128xf32, #tpu.memory_space<vmem>>, vector<1x128xf32>
    %sub3A_45 = vector.broadcast %div3A_32 : vector<1x128xf32> to vector<10000x128xf32>
    %sub3A_46 = arith.subf %add3A_29, %sub3A_45 : vector<10000x128xf32>
    %mul3A_47 = vector.broadcast %get3A_44 : vector<1x128xf32> to vector<10000x128xf32>
    %mul3A_48 = arith.mulf %mul3A_47, %sub3A_46 : vector<10000x128xf32>
    %add3A_49 = arith.constant 9.99999974E-6 : f32
    %add3A_50 = vector.broadcast %add3A_49 : f32 to vector<1x128xf32>
    %add3A_51 = arith.addf %div3A_41, %add3A_50 : vector<1x128xf32>
    %rsqrt3A = math.rsqrt %add3A_51 : vector<1x128xf32>
    %mul3A_52 = vector.broadcast %rsqrt3A : vector<1x128xf32> to vector<10000x128xf32>
    %mul3A_53 = arith.mulf %mul3A_48, %mul3A_52 : vector<10000x128xf32>
    %get3A_54 = arith.constant 0 : index
    %get3A_55 = arith.constant 0 : index
    %get3A_56 = vector.load %arg8[%get3A_54, %get3A_55] : memref<1x128xf32, #tpu.memory_space<vmem>>, vector<1x128xf32>
    %add3A_57 = vector.broadcast %get3A_56 : vector<1x128xf32> to vector<10000x128xf32>
    %add3A_58 = arith.addf %mul3A_53, %add3A_57 : vector<10000x128xf32>
    %swap3A = arith.constant 0 : index
    %swap3A_59 = arith.constant 0 : index
    %swap3A_60 = vector.load %arg9[%swap3A, %swap3A_59] : memref<10000x128xf32, #tpu.memory_space<vmem>>, vector<10000x128xf32>
    tpu.vector_store %arg9[%swap3A, %swap3A_59], %add3A_58 {strides = array<i32>} : memref<10000x128xf32, #tpu.memory_space<vmem>>, vector<10000x128xf32>,
    return
  }
}

module attributes {stable_mosaic.version = 14 : i64} {
  func.func @body(%arg0: memref<10000x128xf32, #tpu.memory_space<vmem>>, %arg1: memref<10000x128xf32, #tpu.memory_space<vmem>>, %arg2: memref<10000x128xf32, #tpu.memory_space<vmem>>, %arg3: memref<128x128xf32, #tpu.memory_space<vmem>>, %arg4: memref<1x128xf32, #tpu.memory_space<vmem>>, %arg5: memref<128x128xf32, #tpu.memory_space<vmem>>, %arg6: memref<1x128xf32, #tpu.memory_space<vmem>>, %arg7: memref<1x128xf32, #tpu.memory_space<vmem>>, %arg8: memref<1x128xf32, #tpu.memory_space<vmem>>, %arg9: memref<10000x128xf32, #tpu.memory_space<vmem>>) attributes {dimension_semantics = [], scalar_prefetch = 0 : i64, scratch_operands = 0 : i64, tpu.core_type = #tpu.core_type<tc>} {
    %get3A = arith.constant 0 : index
    %get3A_0 = arith.constant 0 : index
    %get3A_1 = vector.load %arg0[%get3A, %get3A_0] : memref<10000x128xf32, #tpu.memory_space<vmem>>, vector<10000x128xf32>
    %get3A_2 = arith.constant 0 : index
    %get3A_3 = arith.constant 0 : index
    %get3A_4 = vector.load %arg1[%get3A_2, %get3A_3] : memref<10000x128xf32, #tpu.memory_space<vmem>>, vector<10000x128xf32>
    %add3A = arith.addf %get3A_1, %get3A_4 : vector<10000x128xf32>
    %get3A_5 = arith.constant 0 : index
    %get3A_6 = arith.constant 0 : index
    %get3A_7 = vector.load %arg2[%get3A_5, %get3A_6] : memref<10000x128xf32, #tpu.memory_space<vmem>>, vector<10000x128xf32>
    %add3A_8 = arith.addf %add3A, %get3A_7 : vector<10000x128xf32>
    %get3A_9 = arith.constant 0 : index
    %get3A_10 = arith.constant 0 : index
    %get3A_11 = vector.load %arg3[%get3A_9, %get3A_10] : memref<128x128xf32, #tpu.memory_space<vmem>>, vector<128x128xf32>
    %dot_general3A = arith.constant dense<0.000000e+00> : vector<10000x128xf32>
    %dot_general3A_12 = tpu.matmul %add3A_8, %get3A_11, %dot_general3A {dimension_numbers = #tpu.dot_dimension_numbers<[1], [0], [0], [1], [0, 0, 1, 1], [], []>, transpose_lhs_hint = false} : vector<10000x128xf32>, vector<128x128xf32>, vector<10000x128xf32> -> vector<10000x128xf32>
    %get3A_13 = arith.constant 0 : index
    %get3A_14 = arith.constant 0 : index
    %get3A_15 = vector.load %arg4[%get3A_13, %get3A_14] : memref<1x128xf32, #tpu.memory_space<vmem>>, vector<1x128xf32>
    %add3A_16 = vector.broadcast %get3A_15 : vector<1x128xf32> to vector<10000x128xf32>
    %add3A_17 = arith.addf %dot_general3A_12, %add3A_16 : vector<10000x128xf32>
    %max3A = arith.constant 0.000000e+00 : f32
    %max3A_18 = vector.broadcast %max3A : f32 to vector<10000x128xf32>
    %max3A_19 = arith.maximumf %add3A_17, %max3A_18 : vector<10000x128xf32>
    %get3A_20 = arith.constant 0 : index
    %get3A_21 = arith.constant 0 : index
    %get3A_22 = vector.load %arg5[%get3A_20, %get3A_21] : memref<128x128xf32, #tpu.memory_space<vmem>>, vector<128x128xf32>
    %dot_general3A_23 = arith.constant dense<0.000000e+00> : vector<10000x128xf32>
    %dot_general3A_24 = tpu.matmul %max3A_19, %get3A_22, %dot_general3A_23 {dimension_numbers = #tpu.dot_dimension_numbers<[1], [0], [0], [1], [0, 0, 1, 1], [], []>, transpose_lhs_hint = false} : vector<10000x128xf32>, vector<128x128xf32>, vector<10000x128xf32> -> vector<10000x128xf32>
    %get3A_25 = arith.constant 0 : index
    %get3A_26 = arith.constant 0 : index
    %get3A_27 = vector.load %arg6[%get3A_25, %get3A_26] : memref<1x128xf32, #tpu.memory_space<vmem>>, vector<1x128xf32>
    %add3A_28 = vector.broadcast %get3A_27 : vector<1x128xf32> to vector<10000x128xf32>
    %add3A_29 = arith.addf %dot_general3A_24, %add3A_28 : vector<10000x128xf32>
    %reduce_sum3A = arith.constant dense<0.000000e+00> : vector<128xf32>
    %reduce_sum3A_30 = vector.multi_reduction <add>, %add3A_29, %reduce_sum3A [0] : vector<10000x128xf32> to vector<128xf32>
    %broadcast_in_dim3A = vector.shape_cast %reduce_sum3A_30 : vector<128xf32> to vector<1x128xf32>
    %div3A = arith.constant 1.000000e+04 : f32
    %div3A_31 = vector.broadcast %div3A : f32 to vector<1x128xf32>
    %div3A_32 = arith.divf %broadcast_in_dim3A, %div3A_31 : vector<1x128xf32>
    %sub3A = vector.broadcast %div3A_32 : vector<1x128xf32> to vector<10000x128xf32>
    %sub3A_33 = arith.subf %add3A_29, %sub3A : vector<10000x128xf32>
    %sub3A_34 = vector.broadcast %div3A_32 : vector<1x128xf32> to vector<10000x128xf32>
    %sub3A_35 = arith.subf %add3A_29, %sub3A_34 : vector<10000x128xf32>
    %mul3A = arith.mulf %sub3A_33, %sub3A_35 : vector<10000x128xf32>
    %reduce_sum3A_36 = arith.constant dense<0.000000e+00> : vector<128xf32>
    %reduce_sum3A_37 = vector.multi_reduction <add>, %mul3A, %reduce_sum3A_36 [0] : vector<10000x128xf32> to vector<128xf32>
    %broadcast_in_dim3A_38 = vector.shape_cast %reduce_sum3A_37 : vector<128xf32> to vector<1x128xf32>
    %div3A_39 = arith.constant 1.000000e+04 : f32
    %div3A_40 = vector.broadcast %div3A_39 : f32 to vector<1x128xf32>
    %div3A_41 = arith.divf %broadcast_in_dim3A_38, %div3A_40 : vector<1x128xf32>
    %get3A_42 = arith.constant 0 : index
    %get3A_43 = arith.constant 0 : index
    %get3A_44 = vector.load %arg7[%get3A_42, %get3A_43] : memref<1x128xf32, #tpu.memory_space<vmem>>, vector<1x128xf32>
    %sub3A_45 = vector.broadcast %div3A_32 : vector<1x128xf32> to vector<10000x128xf32>
    %sub3A_46 = arith.subf %add3A_29, %sub3A_45 : vector<10000x128xf32>
    %mul3A_47 = vector.broadcast %get3A_44 : vector<1x128xf32> to vector<10000x128xf32>
    %mul3A_48 = arith.mulf %mul3A_47, %sub3A_46 : vector<10000x128xf32>
    %add3A_49 = arith.constant 9.99999974E-6 : f32
    %add3A_50 = vector.broadcast %add3A_49 : f32 to vector<1x128xf32>
    %add3A_51 = arith.addf %div3A_41, %add3A_50 : vector<1x128xf32>
    %rsqrt3A = math.rsqrt %add3A_51 : vector<1x128xf32>
    %mul3A_52 = vector.broadcast %rsqrt3A : vector<1x128xf32> to vector<10000x128xf32>
    %mul3A_53 = arith.mulf %mul3A_48, %mul3A_52 : vector<10000x128xf32>
    %get3A_54 = arith.constant 0 : index
    %get3A_55 = arith.constant 0 : index
    %get3A_56 = vector.load %arg8[%get3A_54, %get3A_55] : memref<1x128xf32, #tpu.memory_space<vmem>>, vector<1x128xf32>
    %add3A_57 = vector.broadcast %get3A_56 : vector<1x128xf32> to vector<10000x128xf32>
    %add3A_58 = arith.addf %mul3A_53, %add3A_57 : vector<10000x128xf32>
    %max3A_59 = arith.constant 0.000000e+00 : f32
    %max3A_60 = vector.broadcast %max3A_59 : f32 to vector<10000x128xf32>
    %max3A_61 = arith.maximumf %add3A_58, %max3A_60 : vector<10000x128xf32>
    %swap3A = arith.constant 0 : index
    %swap3A_62 = arith.constant 0 : index
    %swap3A_63 = vector.load %arg9[%swap3A, %swap3A_62] : memref<10000x128xf32, #tpu.memory_space<vmem>>, vector<10000x128xf32>
    tpu.vector_store %arg9[%swap3A, %swap3A_62], %max3A_61 {strides = array<i32>} : memref<10000x128xf32, #tpu.memory_space<vmem>>, vector<10000x128xf32>,
    return
  }
}

</mosaic_0001>

<sc_bundles>
// kernel: kernel.11.cloned.1.call-start
scs
__scs_entry_jumppad:
0x0: {  	(pc) =	sbr.rel $0x88, $3  }
0x1: {  	(tag) =	ssettag $0x0;
	lr =	simm.s32 $0x1  }
0x2: {  	[smem:$0x3F8D] =	sst lr;
	_ =	strace $0xD0000000  }
0x3: {  	_ = 	snop  }
0x4: {  	_ = 	snop  }
0x5: {  	_ = 	snop  }
0x6: {  	_ = 	snop  }
0x7: {  	_ = 	snop  }
__scs_overlays_trampoline_lowered:
0x8: {  	[smem:$0x3F9C] =	sst s0  }
0x9: {  	[smem:$0x3F9D] =	sst s1  }
0xa: {  	[smem:$0x3F9E] =	sst s2  }
0xb: {  	[smem:$0x3F9F] =	sst s3  }
0xc: {  	[smem:$0x3FA0] =	sst s4  }
0xd: {  	[smem:$0x3FA1] =	sst s5  }
0xe: {  	[smem:$0x3FA2] =	sst s6  }
0xf: {  	[smem:$0x3FA3] =	sst s7  }
0x10: {  	[smem:$0x3FA4] =	sst s8  }
0x11: {  	[smem:$0x3FA5] =	sst s9;
	s0 =	simm.s32 @!p0 $0x0  }
0x12: {  	s1 =	sld [smem:$0x3F8B];
	s0 =	simm.s32 @p0 $0x1  }
0x13: {  	[smem:$0x3FA6] =	sst s0;
	s0 =	simm.s32 @!p1 $0x0  }
0x14: {  	s2 =	sld [smem:$0x3F8A];
	s0 =	simm.s32 @p1 $0x1  }
0x15: {  	[smem:$0x3FA7] =	sst s0;
	s0 =	simm.s32 @!p2 $0x0  }
0x16: {  	s3 =	sld [smem:$0x3FDB];
	s0 =	simm.s32 @p2 $0x1  }
0x17: {  	s4 =	simm.s32 $0x1BF5;
	[smem:$0x3FA9] =	sst s0  }
0x18: {  	s0 =	sld [smem:$0x3F8C];
	_ =	swait.ge [sflag:s4], $0x0  }
0x19: {  	s7 =	sld [smem:$0x3F8D]  }
0x1a: {  	s8 =	sadd.s32 $0xFFFFE003, lr  }
0x1b: {  	s9 =	sadd.s32 $0xFFFFFEF7, lr;
	s5 =	simm.s32 $0xFFFFFFFF;
	p2 =	slt.u32 s8, $0xFFFFF086  }
0x1c: {  	p1 =	slt.u32 s9, $0xF7A;
	s5 =	simm.s32 @!p2 $0x0  }
0x1d: {  	s5 =	simm.s32 @p1 $0x1;
	p0 =	seq.s32 s7, s2  }
0x1e: {  	s7 =	smul.u32 @!p0 $0xF7A, s2;
	p2 =	seq.s32 @!p0 s5, $0x0  }
0x1f: {  	s9 =	smul.u32 $0xF7A, s1;
	s8 =	simm.s32 @!p0 $0x1BF5;
	p2 =	por !p2, p0  }
0x20: {  	[sflag:s8] =	ssyncset.s32 @!p0 $0xFFFFF086;
	s6 =	sadd.s32 @!p0 s3, s7;
	s7 =	simm.s32 @!p0 $0x108  }
0x21: {  	s3 =	sadd.s32 s3, s9;
	s6 =	sadd.s32 @!p0 $0x88, s6;
	s7 =	simm.s32 @p2 $0x1082  }
0x22: {  	[simem:s7], [sflag:s8] =	dma.local @!p0 [hbm:s6], $0xF7A  }
0x23: {  	s9 =	sor.u32 $0xD0000000, s2;
	s6 =	simm.s32 $0x108;
	_ =	swait.ge @!p0 [sflag:s8], $0x0  }
0x24: {  	s3 =	sadd.s32 $0x88, s3;
	s6 =	simm.s32 @!p1 $0x1082;
	[sflag:s4] =	ssyncset.s32 $0xFFFFF086  }
0x25: {  	[simem:s6], [sflag:s4] =	dma.local [hbm:s3], $0xF7A  }
0x26: {  	[smem:$0x3F8D] =	sst s1;
	(tag) =	ssettag s2;
	_ =	strace s9  }
0x27: {  	s1 =	sld [smem:$0x3F9D]  }
0x28: {  	s2 =	sld [smem:$0x3F9E]  }
0x29: {  	s4 =	sld [smem:$0x3FA0]  }
0x2a: {  	p0 =	seq.s32 s5, $0x0;
	s5 =	sld [smem:$0x3FA1]  }
0x2b: {  	s6 =	sld [smem:$0x3FA2]  }
0x2c: {  	s7 =	sld [smem:$0x3FA3]  }
0x2d: {  	s3 =	simm.s32 $0x108;
	s8 =	sld [smem:$0x3FA4]  }
0x2e: {  	s3 =	simm.s32 @!p0 $0x1082;
	s9 =	sld [smem:$0x3FA5]  }
0x2f: {  	lr =	sadd.s32 s0, s3;
	s0 =	sld [smem:$0x3F9C]  }
0x30: {  	s3 =	sld [smem:$0x3F9F]  }
0x31: {  	[smem:$0x3FA8] =	sst s10  }
0x32: {  	s10 =	sld [smem:$0x3FA6];
	_ =	sdelay $0x3  }
0x33: {  	p0 =	seq.s32 s10, $0x1;
	s10 =	sld [smem:$0x3FA8];
	_ =	sdelay $0x3  }
0x34: {  	[smem:$0x3FA8] =	sst s10  }
0x35: {  	s10 =	sld [smem:$0x3FA7];
	_ =	sdelay $0x3  }
0x36: {  	p1 =	seq.s32 s10, $0x1;
	s10 =	sld [smem:$0x3FA8];
	_ =	sdelay $0x3  }
0x37: {  	[smem:$0x3FA8] =	sst s10  }
0x38: {  	s10 =	sld [smem:$0x3FA9]  }
0x39: {  	_ = 	snop;
	(pc) =	sbr.ind lr, $3  }
0x3a: {  	_ = 	snop  }
0x3b: {  	_ = 	snop  }
0x3c: {  	p2 =	seq.s32 s10, $0x1;
	s10 =	sld [smem:$0x3FA8]  }
0x3d: {  	_ =	shalt  }
0x3e: {  	_ =	shalt  }
0x3f: {  	_ =	shalt  }
0x40: {  	_ =	shalt  }
0x41: {  	_ =	shalt  }
0x42: {  	_ =	shalt  }
0x43: {  	_ =	shalt  }
0x44: {  	_ =	shalt  }
0x45: {  	_ =	shalt  }
0x46: {  	_ =	shalt  }
0x47: {  	_ =	shalt  }
0x48: {  	_ =	shalt  }
0x49: {  	_ =	shalt  }
0x4a: {  	_ =	shalt  }
0x4b: {  	_ =	shalt  }
0x4c: {  	_ =	shalt  }
0x4d: {  	_ =	shalt  }
0x4e: {  	_ =	shalt  }
0x4f: {  	_ =	shalt  }
0x50: {  	_ =	shalt  }
0x51: {  	_ =	shalt  }
0x52: {  	_ =	shalt  }
0x53: {  	_ =	shalt  }
0x54: {  	_ =	shalt  }
0x55: {  	_ =	shalt  }
0x56: {  	_ =	shalt  }
0x57: {  	_ =	shalt  }
0x58: {  	_ =	shalt  }
0x59: {  	_ =	shalt  }
0x5a: {  	_ =	shalt  }
0x5b: {  	_ =	shalt  }
0x5c: {  	_ =	shalt  }
0x5d: {  	_ =	shalt  }
0x5e: {  	_ =	shalt  }
0x5f: {  	_ =	shalt  }
0x60: {  	_ =	shalt  }
0x61: {  	_ =	shalt  }
0x62: {  	_ =	shalt  }
0x63: {  	_ =	shalt  }
0x64: {  	_ =	shalt  }
0x65: {  	_ =	shalt  }
0x66: {  	_ =	shalt  }
0x67: {  	_ =	shalt  }
0x68: {  	_ =	shalt  }
0x69: {  	_ =	shalt  }
0x6a: {  	_ =	shalt  }
0x6b: {  	_ =	shalt  }
0x6c: {  	_ =	shalt  }
0x6d: {  	_ =	shalt  }
0x6e: {  	_ =	shalt  }
0x6f: {  	_ =	shalt  }
0x70: {  	_ =	shalt  }
0x71: {  	_ =	shalt  }
0x72: {  	_ =	shalt  }
0x73: {  	_ =	shalt  }
0x74: {  	_ =	shalt  }
0x75: {  	_ =	shalt  }
0x76: {  	_ =	shalt  }
0x77: {  	_ =	shalt  }
0x78: {  	_ =	shalt  }
0x79: {  	_ =	shalt  }
0x7a: {  	_ =	shalt  }
0x7b: {  	_ =	shalt  }
0x7c: {  	_ =	shalt  }
0x7d: {  	_ =	shalt  }
0x7e: {  	_ =	shalt  }
0x7f: {  	_ =	shalt  }
0x80: {  	_ =	shalt  }
0x81: {  	_ =	shalt  }
0x82: {  	_ =	shalt  }
0x83: {  	_ =	shalt  }
0x84: {  	_ =	shalt  }
0x85: {  	_ =	shalt  }
0x86: {  	_ =	shalt  }
0x87: {  	_ =	shalt  }
.Lfunc_end0:
.L_simem_size_0:
called_computation.1_lowered:
.L_overlay_start_0:
0x88: {  	s2 =	sld [smem:$0x3FD9]  }
0x89: {  	s3 =	sld [smem:$0x3FFE];
	_ =	sdelay $0x1  }
0x8a: {  	s1 =	srdreg.scid  }
0x8b: {  	s0 =	sand.u32 $0x1, s1  }
0x8c: {  	s17 =	sshll.u32 s0, $0xA;
	s2 =	sadd.s32 s3, s2  }
0x8d: {  	s2 =	sadd.s32 s2, s17  }
0x8e: {  	[smem:$0x3FB4] =	sst s2  }
0x8f: {  	_ = 	snop  }
0x90: {  	s2 =	sld [smem:$0x3FD0];
	(tm) =	ssettm $0x1  }
0x91: {  	s18 =	sld [smem:$0x3FFB];
	_ =	sdelay $0x3  }
0x92: {  	_ =	strace s18  }
0x93: {  	s3 =	sld [smem:$0x3FFC];
	_ =	sdelay $0x3  }
0x94: {  	_ =	strace s3  }
0x95: {  	s3 =	sld [smem:$0x3FFD];
	_ =	sdelay $0x3  }
0x96: {  	_ =	strace s3  }
0x97: {  	_ =	strace $0x8FFFFFFF  }
0x98: {  	s19 =	sld [smem:$0x3FDB];
	_ =	sdelay $0x1  }
0x99: {  	s4 =	simm.s32 $_scs_section_size  }
0x9a: {  	s5 =	simm.s32 $_size__tile_overlayer_lowered;
	s6 =	simm.s32 $_tile_overlayer_lowered  }
0x9b: {  	s22 =	simm.s32 $0x1BFF;
	s21 =	sshll.u32 s6, $0x1;
	s3 =	sadd.s32 s4, s19  }
0x9c: {  	s7 =	simm.s32 $0x0;
	s20 =	sshll.u32 s5, $0x1;
	s5 =	sadd.s32 s21, s3  }
0x9d: {  	[timem:s7], [sflag:s22] =	dma.local [hbm:s5], s20  }
0x9e: {  	_ =	swait.ge [sflag:s22], s20  }
0x9f: {  	s4 =	ssub.s32 $0x0, s20;
	[sflag:s22] =	ssyncset.done $0x0  }
0xa0: {  	[sflag:s22] =	ssyncadd.s32 s4;
	_ =	sdelay $0x1  }
0xa1: {  	s23 =	simm.s32 $0x1B8B  }
0xa2: {  	_ =	swait.ge [sflag:s23], $0x1  }
0xa3: {  	[sflag:s23] =	ssyncset.done $0x0  }
0xa4: {  	s25 =	simm.s32 $0x1B8E;
	s24 =	sld [smem:$0x3FFE];
	[sflag:s23] =	ssyncadd.s32 $0xFFFFFFFF  }
0xa5: {  	s26 =	simm.s32 $execute0_lowered;
	[smem:$0x3FD2] =	sst s25  }
0xa6: {  	s5 =	sshll.u32 s26, $0x1;
	_ =	strace $0x80000049;
	[dreg:$0x1] =	wrdreg $0xFFFFFFFF  }
0xa7: {  	s28 =	simm.s32 $_size_execute0_lowered;
	s3 =	sadd.s32 s3, s5;
	[dreg:$0x0] =	wrdreg $0x0  }
0xa8: {  	s5 =	sshll.u32 s28, $0x1;
	[dreg:$0x2] =	wrdreg s3  }
0xa9: {  	[dreg:$0x3] =	wrdreg s5  }
0xaa: {  	[dreg:$0x4] =	wrdreg $0xC0  }
0xab: {  	_ =	task [dreg:s7], $0x5FFFF  }
0xac: {  	[dreg:$0x1] =	wrdreg $0xFFFFFFFF  }
0xad: {  	[dreg:$0x0] =	wrdreg $0x60  }
0xae: {  	[dreg:$0x2] =	wrdreg s2  }
0xaf: {  	[dreg:$0x3] =	wrdreg s24  }
0xb0: {  	[dreg:$0x4] =	wrdreg $0xC3000  }
0xb1: {  	[dreg:$0x5] =	wrdreg $0x9  }
0xb2: {  	_ =	task.clear_ibuf [dreg:s7], $0x6FFFF;
	_ =	strace $0x90000049  }
0xb3: {  	s29 =	simm.s32 $0x9;
	_ =	strace $0x8000004B  }
0xb4: {  	_ =	swait.ge [sflag:s29], $0x1  }
0xb5: {  	[sflag:s29] =	ssyncadd.s32 $0xFFFFFFFF  }
0xb6: {  	_ =	strace $0x9000004B  }
0xb7: {  	_ =	sfence  }
0xb8: {  	s30 =	sld [smem:$0x0];
	_ =	sdelay $0x2  }
0xb9: {  	s31 =	sshll.u32 s1, $0xD;
	s1 =	sshrl.u32 s1, $0x2  }
0xba: {  	s3 =	sand.u32 $0x4000, s31;
	s1 =	sadd.s32 s1, s30  }
0xbb: {  	s0 =	sor.u32 s3, s0;
	s1 =	sshll.u32 s1, $0x11  }
0xbc: {  	s0 =	sor.u32 s1, s0  }
0xbd: {  	s0 =	sadd.s32 $0x8F2B, s0  }
0xbe: {  	[sflag:s0] =	ssyncadd.remote.s32 $0x1  }
0xbf: {  	_ =	sfence.sel $0xFFFF  }
0xc0: {  	[dreg:$0x0] =	wrdreg $0xFFFFFFFF;
	(pc) =	sbr.abs _section_cstart, $3  }
0xc1: {  	[dreg:$0x1] =	wrdreg $0xFFFFFFFF  }
0xc2: {  	_ =	task.clear_ibuf [dreg:s7], $0x2FFFF;
	_ =	strace $0x9FFFFFFF  }
0xc3: {  	(tm) =	ssettm $0x7FFFFFFF  }
tec
execute0_lowered:
.L_overlay_start_1:
0x0: {  	(tag) =	ssettag $0x1  }
0x1: {  	s1 =	rddreg [dreg:$0x0]  }
0x2: {  	s0 =	rddreg [dreg:$0x1]  }
0x3: {  	s2 =	rddreg [dreg:$0x2];
	s3 =	simm.s32 $0x0;
	s4 =	srdreg.scid  }
0x4: {  	s11 =	stileid.u32;
	s20 =	simm.s32 $0x300;
	s21 =	simm.s32 $0xA  }
0x5: {  	s28 =	simm.s32 $0x280;
	s29 =	simm.s32 $0x1;
	s30 =	simm.s32 $0x2  }
0x6: {  	s31 =	simm.s32 $0x4300;
	[smem:$0x7FF] =	sst s3;
	s5 =	sadd.s32 $0xE200, s0  }
0x7: {  	s16 =	sadd.s32 $0x4400, s0;
	s4 =	sand.u32 $0x1, s4;
	s7 =	smul.u32 $0x4E000, s11  }
0x8: {  	s6 =	sshll.u32 s11, $0x1;
	s26 =	smul.u32 $0x4E20, s11;
	s12 =	sadd.s32 $0x138000, s2  }
0x9: {  	s15 =	smul.u32 $0x2700, s11;
	p0 =	sne.s32 s11, $0xF;
	s11 =	simm.s32 $0x6  }
0xa: {  	_ =	strace $0x8000004A;
	s8 =	smul.u32 $0x27100, s4;
	s9 =	ssub.s32 $0x2, s4  }
0xb: {  	s6 =	sor.u32 s4, s6;
	[dreg:$0x6] =	wrdreg s12;
	s4 =	smul.u32 $0x2710, s4  }
0xc: {  	s12 =	simm.s32 $0x0;
	s10 =	sshrl.u32 s9, $0x1;
	s7 =	sshrl.u32 s7, $0x2  }
0xd: {  	s6 =	smul.u32 $0x2710, s6;
	s0 =	sadd.s32 s8, s0;
	s24 =	ssub.s32 s9, s10  }
0xe: {  	s7 =	sadd.s32 s7, s2;
	s4 =	sadd.s32 s4, s26;
	s8 =	simm.s32 $0x4  }
0xf: {  	s10 =	simm.s32 $0x5;
	s25 =	sadd.s32 $0x10000, s7;
	[dreg:$0x4] =	wrdreg s7  }
0x10: {  	s6 =	sshrl.u32 s6, $0x3;
	s22 =	smax.u32 s24, $0x1;
	[dreg:$0x5] =	wrdreg s25  }
0x11: {  	s14 =	sadd.s32 $0x18000, s0;
	s23 =	sadd.s32 $0x4000, s7;
	[dreg:$0xa] =	wrdreg s22  }
0x12: {  	s24 =	sadd.s32 $0x8000, s7;
	s7 =	sadd.s32 $0xC000, s7;
	[dreg:$0xb] =	wrdreg s23  }
0x13: {  	s26 =	sadd.s32 $0x80, s4;
	s19 =	sshrl.u32 s4, $0x3;
	[dreg:$0xc] =	wrdreg s24  }
0x14: {  	s6 =	sadd.s32 $0x4E0, s6;
	s25 =	sadd.s32 $0x100, s4;
	[dreg:$0xd] =	wrdreg s7  }
0x15: {  	s18 =	sshrl.u32 s26, $0x3;
	s22 =	simm.s32 $0x180;
	s23 =	simm.s32 $0x80  }
0x16: {  	s24 =	simm.s32 $0x200;
	[dreg:$0x9] =	wrdreg s14;
	s0 =	sadd.s32 s15, s14  }
0x17: {  	s26 =	simm.s32 $0x100;
	s4 =	simm.s32 $0x8300;
	s14 =	simm.s32 $0x8  }
0x18: {  	s15 =	simm.s32 $0x9;
	s13 =	sadd.s32 s5, s6;
	[dreg:$0xe] =	wrdreg s0  }
0x19: {  	s6 =	sadd.s32 s16, s6;
	s17 =	sshrl.u32 s25, $0x3;
	[dreg:$0x7] =	wrdreg s13  }
0x1a: {  	v0 =	vimm.f32 $0.0e+00;
	s0 =	simm.s32 $0x3;
	[dreg:$0x8] =	wrdreg s6;
	s13 =	simm.s32 $0x7  }
.LBB2_1:
0x1b: {  	s6 =	sand.u32 $0xFE00, s3  }
0x1c: {  	s9 =	sand.u32 $0x70, s3;
	s25 =	sshrl.u32 s6, $0x2  }
0x1d: {  	s6 =	simm.s32 $0x40;
	s25 =	sor.u32 s9, s25;
	s9 =	simm.s32 $0x0  }
.LBB2_2:
0x1e: {  	p1 =	sne.s32 s6, $0xFFC0  }
0x1f: {  	[tilespmem:s25+$0x300] =	vst v0;
	s9 =	sadd.s32 $0x10, s9;
	s25 =	smov.u32 s6;
	s6 =	sadd.s32 $0x40, s6  }
.Ltmp0:
0x20: {  	(pc) =	sbr.rel @p1 .LBB2_2-.Ltmp0, $4  }
0x21: {  	_ = 	snop  }
0x22: {  	s25 =	sand.u32 $0xFE00, s25  }
0x23: {  	s7 =	sand.u32 $0x70, s9;
	s25 =	sshrl.u32 s25, $0x2  }
0x24: {  	s25 =	sor.u32 s7, s25  }
0x25: {  	[tilespmem:s25+$0x300] =	vst v0;
	s6 =	rddreg [dreg:$0x4]  }
0x26: {  	[spmem:s6] =	stream.linear.scatter [tilespmem:s20], [sflag:$0xA], $0x4000, $0x38;
	[tilespmem:$0x1FB80] =	vst v63  }
0x27: {  	_ =	swait.ge [sflag:s21], $0x4000  }
0x28: {  	[sflag:s21] =	ssyncset.done $0x0  }
0x29: {  	s25 =	rddreg [dreg:$0xb];
	[sflag:s21] =	ssyncadd.s32 $0xFFFFC000  }
0x2a: {  	[spmem:s25] =	stream.linear.scatter [tilespmem:s20], [sflag:$0xA], $0x4000, $0x38;
	[tilespmem:$0x1FB80] =	vst v63  }
0x2b: {  	_ =	swait.ge [sflag:s21], $0x4000  }
0x2c: {  	[sflag:s21] =	ssyncset.done $0x0  }
0x2d: {  	s7 =	rddreg [dreg:$0xc];
	[sflag:s21] =	ssyncadd.s32 $0xFFFFC000  }
0x2e: {  	[spmem:s7] =	stream.linear.scatter [tilespmem:s20], [sflag:$0xA], $0x4000, $0x38;
	[tilespmem:$0x1FB80] =	vst v63  }
0x2f: {  	_ =	swait.ge [sflag:s21], $0x4000  }
0x30: {  	[sflag:s21] =	ssyncset.done $0x0  }
0x31: {  	s9 =	rddreg [dreg:$0xd];
	[sflag:s21] =	ssyncadd.s32 $0xFFFFC000  }
0x32: {  	[spmem:s9] =	stream.linear.scatter [tilespmem:s20], [sflag:$0xA], $0x4000, $0x38;
	[tilespmem:$0x1FB80] =	vst v63  }
0x33: {  	_ =	swait.ge [sflag:s21], $0x4000  }
0x34: {  	[sflag:s21] =	ssyncset.done $0x0  }
0x35: {  	s25 =	rddreg [dreg:$0x5];
	[sflag:s21] =	ssyncadd.s32 $0xFFFFC000  }
0x36: {  	[spmem:s25] =	stream.linear.scatter [tilespmem:s20], [sflag:$0xA], $0x3800, $0x38;
	[tilespmem:$0x1FB80] =	vst v63  }
0x37: {  	_ =	swait.ge [sflag:s21], $0x3800  }
0x38: {  	[sflag:s21] =	ssyncset.done $0x0  }
0x39: {  	s6 =	simm.s32 @!p0 $0x300;
	s7 =	rddreg [dreg:$0x6];
	[sflag:s21] =	ssyncadd.s32 $0xFFFFC800  }
0x3a: {  	[spmem:s7] =	stream.linear.scatter @!p0 [tilespmem:s6], [sflag:$0xA], $0x800, $0x38;
	[tilespmem:$0x1FB80] =	vst v63  }
0x3b: {  	s6 =	simm.s32 @!p0 $0xA  }
0x3c: {  	_ =	swait.ge @!p0 [sflag:s6], $0x800  }
0x3d: {  	[sflag:s6] =	ssyncset.done @!p0 $0x0  }
0x3e: {  	[sflag:s6] =	ssyncadd.s32 @!p0 $0xFFFFF800  }
0x3f: {  	s7 =	sadd.s32 s5, s19;
	[bflag:$0x0] =	sbarrier.arrive $0xFFFF  }
0x40: {  	[tilespmem:s3], [sflag:$0x1] =	stream.linear.gather [hbm4b:s7+s3], $0x80, $0x38;
	[tilespmem:$0x1FB80] =	vst v63  }
0x41: {  	s9 =	sadd.s32 s16, s19  }
0x42: {  	[tilespmem:s22], [sflag:$0x1] =	stream.linear.gather [hbm4b:s9+s3], $0x80, $0x38;
	[tilespmem:$0x1FB80] =	vst v63  }
0x43: {  	s25 =	sadd.s32 s5, s18  }
0x44: {  	[tilespmem:s23], [sflag:$0x2] =	stream.linear.gather [hbm4b:s25+s3], $0x80, $0x38;
	[tilespmem:$0x1FB80] =	vst v63  }
0x45: {  	s7 =	sadd.s32 s16, s18  }
0x46: {  	[tilespmem:s24], [sflag:$0x2] =	stream.linear.gather [hbm4b:s7+s3], $0x80, $0x38;
	[tilespmem:$0x1FB80] =	vst v63  }
0x47: {  	s9 =	sadd.s32 s5, s17  }
0x48: {  	[tilespmem:s26], [sflag:$0x3] =	stream.linear.gather [hbm4b:s9+s3], $0x80, $0x38;
	[tilespmem:$0x1FB80] =	vst v63  }
0x49: {  	s25 =	sadd.s32 s16, s17  }
0x4a: {  	[tilespmem:s28], [sflag:$0x3] =	stream.linear.gather [hbm4b:s25+s3], $0x80, $0x38;
	[tilespmem:$0x1FB80] =	vst v63  }
0x4b: {  	_ =	swait.ge [sflag:s29], $0x80  }
0x4c: {  	[sflag:s29] =	ssyncset.done $0x0  }
0x4d: {  	[sflag:s29] =	ssyncadd.s32 $0xFFFFFF80  }
0x4e: {  	_ =	swait.ge [sflag:s29], $0x80  }
0x4f: {  	[sflag:s29] =	ssyncset.done $0x0  }
0x50: {  	[sflag:s29] =	ssyncadd.s32 $0xFFFFFF80  }
0x51: {  	[tilespmem:s20], [sflag:$0x4] =	stream.indirect.gather [hbm4b:s1+s23], $0x80, s3, s23, $0xb8;
	[tilespmem:$0x1FB80] =	vst v63  }
0x52: {  	_ =	swait.ge [sflag:s30], $0x80  }
0x53: {  	[sflag:s30] =	ssyncset.done $0x0  }
0x54: {  	[sflag:s30] =	ssyncadd.s32 $0xFFFFFF80  }
0x55: {  	_ =	swait.ge [sflag:s30], $0x80  }
0x56: {  	[sflag:s30] =	ssyncset.done $0x0  }
0x57: {  	[sflag:s30] =	ssyncadd.s32 $0xFFFFFF80  }
0x58: {  	[tilespmem:s31], [sflag:$0x5] =	stream.indirect.gather [hbm4b:s1+s23], $0x80, s23, s23, $0xb8;
	[tilespmem:$0x1FB80] =	vst v63  }
0x59: {  	_ =	swait.ge [sflag:s0], $0x80  }
0x5a: {  	[sflag:s0] =	ssyncset.done $0x0  }
0x5b: {  	[sflag:s0] =	ssyncadd.s32 $0xFFFFFF80  }
0x5c: {  	_ =	swait.ge [sflag:s0], $0x80  }
0x5d: {  	[sflag:s0] =	ssyncset.done $0x0  }
0x5e: {  	[sflag:s0] =	ssyncadd.s32 $0xFFFFFF80  }
0x5f: {  	[tilespmem:s4], [sflag:$0x6] =	stream.indirect.gather [hbm4b:s1+s23], $0x80, s26, s23, $0xb8;
	[tilespmem:$0x1FB80] =	vst v63  }
0x60: {  	_ =	swait.ge [sflag:s8], $0x4000  }
0x61: {  	[sflag:s8] =	ssyncset.done $0x0  }
0x62: {  	[sflag:s8] =	ssyncadd.s32 $0xFFFFC000  }
0x63: {  	[spmem:s2] =	stream.indirect.scatter.add.f32 [tilespmem:s20], [sflag:$0x7], $0x80, s22, s23, $0xb8;
	[tilespmem:$0x1FB80] =	vst v63  }
0x64: {  	_ =	swait.ge [sflag:s10], $0x4000  }
0x65: {  	[sflag:s10] =	ssyncset.done $0x0  }
0x66: {  	[sflag:s10] =	ssyncadd.s32 $0xFFFFC000  }
0x67: {  	[spmem:s2] =	stream.indirect.scatter.add.f32 [tilespmem:s31], [sflag:$0x8], $0x80, s24, s23, $0xb8;
	[tilespmem:$0x1FB80] =	vst v63  }
0x68: {  	_ =	swait.ge [sflag:s11], $0x4000  }
0x69: {  	[sflag:s11] =	ssyncset.done $0x0  }
0x6a: {  	[sflag:s11] =	ssyncadd.s32 $0xFFFFC000  }
0x6b: {  	[spmem:s2] =	stream.indirect.scatter.add.f32 [tilespmem:s4], [sflag:$0x9], $0x80, s28, s23, $0xb8;
	[tilespmem:$0x1FB80] =	vst v63  }
0x6c: {  	_ =	swait.ge [sflag:s13], $0x4000  }
0x6d: {  	[sflag:s13] =	ssyncset.done $0x0  }
0x6e: {  	[sflag:s13] =	ssyncadd.s32 $0xFFFFC000  }
0x6f: {  	_ =	swait.ge [sflag:s14], $0x4000  }
0x70: {  	[sflag:s14] =	ssyncset.done $0x0  }
0x71: {  	[sflag:s14] =	ssyncadd.s32 $0xFFFFC000  }
0x72: {  	s6 =	smov.u32 s16;
	_ =	swait.ge [sflag:s15], $0x4000  }
0x73: {  	s9 =	simm.s32 $0x18;
	s25 =	sadd.s32 $0x30, s5;
	[sflag:s15] =	ssyncset.done $0x0  }
.LBB2_4:
0x74: {  	s7 =	sadd.s32 s25, s19;
	[sflag:s15] =	ssyncadd.s32 $0xFFFFC000;
	s6 =	sadd.s32 $0x30, s6  }
0x75: {  	[tilespmem:s3], [sflag:$0x1] =	stream.linear.gather [hbm4b:s7+s3], $0x80, $0x38;
	[tilespmem:$0x1FB80] =	vst v63  }
0x76: {  	p1 =	sne.s32 s9, $0x1;
	s9 =	sadd.s32 $0xFFFFFFFF, s9;
	s7 =	sadd.s32 s6, s19  }
0x77: {  	[tilespmem:s22], [sflag:$0x1] =	stream.linear.gather [hbm4b:s7+s3], $0x80, $0x38;
	[tilespmem:$0x1FB80] =	vst v63  }
0x78: {  	s7 =	sadd.s32 s25, s18  }
0x79: {  	[tilespmem:s23], [sflag:$0x2] =	stream.linear.gather [hbm4b:s7+s3], $0x80, $0x38;
	[tilespmem:$0x1FB80] =	vst v63  }
0x7a: {  	s7 =	sadd.s32 s6, s18  }
0x7b: {  	[tilespmem:s24], [sflag:$0x2] =	stream.linear.gather [hbm4b:s7+s3], $0x80, $0x38;
	[tilespmem:$0x1FB80] =	vst v63  }
0x7c: {  	s7 =	sadd.s32 s25, s17  }
0x7d: {  	[tilespmem:s26], [sflag:$0x3] =	stream.linear.gather [hbm4b:s7+s3], $0x80, $0x38;
	[tilespmem:$0x1FB80] =	vst v63  }
0x7e: {  	s7 =	sadd.s32 s6, s17  }
0x7f: {  	[tilespmem:s28], [sflag:$0x3] =	stream.linear.gather [hbm4b:s7+s3], $0x80, $0x38;
	[tilespmem:$0x1FB80] =	vst v63  }
0x80: {  	_ =	swait.ge [sflag:s29], $0x80  }
0x81: {  	[sflag:s29] =	ssyncset.done $0x0  }
0x82: {  	[sflag:s29] =	ssyncadd.s32 $0xFFFFFF80  }
0x83: {  	_ =	swait.ge [sflag:s29], $0x80  }
0x84: {  	[sflag:s29] =	ssyncset.done $0x0  }
0x85: {  	[sflag:s29] =	ssyncadd.s32 $0xFFFFFF80  }
0x86: {  	[tilespmem:s20], [sflag:$0x4] =	stream.indirect.gather [hbm4b:s1+s23], $0x80, s3, s23, $0xb8;
	[tilespmem:$0x1FB80] =	vst v63  }
0x87: {  	_ =	swait.ge [sflag:s30], $0x80  }
0x88: {  	[sflag:s30] =	ssyncset.done $0x0  }
0x89: {  	[sflag:s30] =	ssyncadd.s32 $0xFFFFFF80  }
0x8a: {  	_ =	swait.ge [sflag:s30], $0x80  }
0x8b: {  	[sflag:s30] =	ssyncset.done $0x0  }
0x8c: {  	[sflag:s30] =	ssyncadd.s32 $0xFFFFFF80  }
0x8d: {  	[tilespmem:s31], [sflag:$0x5] =	stream.indirect.gather [hbm4b:s1+s23], $0x80, s23, s23, $0xb8;
	[tilespmem:$0x1FB80] =	vst v63  }
0x8e: {  	_ =	swait.ge [sflag:s0], $0x80  }
0x8f: {  	[sflag:s0] =	ssyncset.done $0x0  }
0x90: {  	[sflag:s0] =	ssyncadd.s32 $0xFFFFFF80  }
0x91: {  	_ =	swait.ge [sflag:s0], $0x80  }
0x92: {  	[sflag:s0] =	ssyncset.done $0x0  }
0x93: {  	[sflag:s0] =	ssyncadd.s32 $0xFFFFFF80  }
0x94: {  	[tilespmem:s4], [sflag:$0x6] =	stream.indirect.gather [hbm4b:s1+s23], $0x80, s26, s23, $0xb8;
	[tilespmem:$0x1FB80] =	vst v63  }
0x95: {  	_ =	swait.ge [sflag:s8], $0x4000  }
0x96: {  	[sflag:s8] =	ssyncset.done $0x0  }
0x97: {  	[sflag:s8] =	ssyncadd.s32 $0xFFFFC000  }
0x98: {  	[spmem:s2] =	stream.indirect.scatter.add.f32 [tilespmem:s20], [sflag:$0x7], $0x80, s22, s23, $0xb8;
	[tilespmem:$0x1FB80] =	vst v63  }
0x99: {  	_ =	swait.ge [sflag:s10], $0x4000  }
0x9a: {  	[sflag:s10] =	ssyncset.done $0x0  }
0x9b: {  	[sflag:s10] =	ssyncadd.s32 $0xFFFFC000  }
0x9c: {  	[spmem:s2] =	stream.indirect.scatter.add.f32 [tilespmem:s31], [sflag:$0x8], $0x80, s24, s23, $0xb8;
	[tilespmem:$0x1FB80] =	vst v63  }
0x9d: {  	_ =	swait.ge [sflag:s11], $0x4000  }
0x9e: {  	[sflag:s11] =	ssyncset.done $0x0  }
0x9f: {  	[sflag:s11] =	ssyncadd.s32 $0xFFFFC000  }
0xa0: {  	[spmem:s2] =	stream.indirect.scatter.add.f32 [tilespmem:s4], [sflag:$0x9], $0x80, s28, s23, $0xb8;
	[tilespmem:$0x1FB80] =	vst v63  }
0xa1: {  	_ =	swait.ge [sflag:s13], $0x4000  }
0xa2: {  	[sflag:s13] =	ssyncset.done $0x0  }
0xa3: {  	[sflag:s13] =	ssyncadd.s32 $0xFFFFC000  }
.Ltmp1:
0xa4: {  	_ =	swait.ge [sflag:s14], $0x4000;
	(pc) =	sbr.rel @p1 .LBB2_4-.Ltmp1, $4  }
0xa5: {  	[sflag:s14] =	ssyncset.done $0x0  }
0xa6: {  	[sflag:s14] =	ssyncadd.s32 $0xFFFFC000  }
0xa7: {  	_ =	swait.ge [sflag:s15], $0x4000  }
0xa8: {  	s25 =	sadd.s32 $0x30, s25;
	[sflag:s15] =	ssyncset.done $0x0  }
0xa9: {  	s7 =	sadd.s32 s25, s19;
	[sflag:s15] =	ssyncadd.s32 $0xFFFFC000;
	s6 =	sadd.s32 $0x30, s6  }
0xaa: {  	[tilespmem:s3], [sflag:$0x1] =	stream.linear.gather [hbm4b:s7+s3], $0x80, $0x38;
	[tilespmem:$0x1FB80] =	vst v63  }
0xab: {  	s9 =	sadd.s32 s6, s19  }
0xac: {  	[tilespmem:s22], [sflag:$0x1] =	stream.linear.gather [hbm4b:s9+s3], $0x80, $0x38;
	[tilespmem:$0x1FB80] =	vst v63  }
0xad: {  	s9 =	sadd.s32 s25, s18  }
0xae: {  	[tilespmem:s23], [sflag:$0x2] =	stream.linear.gather [hbm4b:s9+s3], $0x80, $0x38;
	[tilespmem:$0x1FB80] =	vst v63  }
0xaf: {  	s9 =	sadd.s32 s6, s18  }
0xb0: {  	[tilespmem:s24], [sflag:$0x2] =	stream.linear.gather [hbm4b:s9+s3], $0x80, $0x38;
	[tilespmem:$0x1FB80] =	vst v63  }
0xb1: {  	s25 =	sadd.s32 s25, s17  }
0xb2: {  	[tilespmem:s26], [sflag:$0x3] =	stream.linear.gather [hbm4b:s25+s3], $0x80, $0x38;
	[tilespmem:$0x1FB80] =	vst v63  }
0xb3: {  	s6 =	sadd.s32 s6, s17  }
0xb4: {  	[tilespmem:s28], [sflag:$0x3] =	stream.linear.gather [hbm4b:s6+s3], $0x80, $0x38;
	[tilespmem:$0x1FB80] =	vst v63  }
0xb5: {  	_ =	swait.ge [sflag:s29], $0x80  }
0xb6: {  	[sflag:s29] =	ssyncset.done $0x0  }
0xb7: {  	[sflag:s29] =	ssyncadd.s32 $0xFFFFFF80  }
0xb8: {  	_ =	swait.ge [sflag:s29], $0x80  }
0xb9: {  	[sflag:s29] =	ssyncset.done $0x0  }
0xba: {  	[sflag:s29] =	ssyncadd.s32 $0xFFFFFF80  }
0xbb: {  	[tilespmem:s20], [sflag:$0x4] =	stream.indirect.gather [hbm4b:s1+s23], $0x80, s3, s23, $0xb8;
	[tilespmem:$0x1FB80] =	vst v63  }
0xbc: {  	_ =	swait.ge [sflag:s30], $0x80  }
0xbd: {  	[sflag:s30] =	ssyncset.done $0x0  }
0xbe: {  	[sflag:s30] =	ssyncadd.s32 $0xFFFFFF80  }
0xbf: {  	_ =	swait.ge [sflag:s30], $0x80  }
0xc0: {  	[sflag:s30] =	ssyncset.done $0x0  }
0xc1: {  	[sflag:s30] =	ssyncadd.s32 $0xFFFFFF80  }
0xc2: {  	[tilespmem:s31], [sflag:$0x5] =	stream.indirect.gather [hbm4b:s1+s23], $0x80, s23, s23, $0xb8;
	[tilespmem:$0x1FB80] =	vst v63  }
0xc3: {  	_ =	swait.ge [sflag:s0], $0x80  }
0xc4: {  	[sflag:s0] =	ssyncset.done $0x0  }
0xc5: {  	[sflag:s0] =	ssyncadd.s32 $0xFFFFFF80  }
0xc6: {  	_ =	swait.ge [sflag:s0], $0x80  }
0xc7: {  	[sflag:s0] =	ssyncset.done $0x0  }
0xc8: {  	[sflag:s0] =	ssyncadd.s32 $0xFFFFFF80  }
0xc9: {  	[tilespmem:s4], [sflag:$0x6] =	stream.indirect.gather [hbm4b:s1+s23], $0x80, s26, s23, $0xb8;
	[tilespmem:$0x1FB80] =	vst v63  }
0xca: {  	_ =	swait.ge [sflag:s8], $0x4000  }
0xcb: {  	[sflag:s8] =	ssyncset.done $0x0  }
0xcc: {  	[sflag:s8] =	ssyncadd.s32 $0xFFFFC000  }
0xcd: {  	[spmem:s2] =	stream.indirect.scatter.add.f32 [tilespmem:s20], [sflag:$0x7], $0x80, s22, s23, $0xb8;
	[tilespmem:$0x1FB80] =	vst v63  }
0xce: {  	_ =	swait.ge [sflag:s10], $0x4000  }
0xcf: {  	[sflag:s10] =	ssyncset.done $0x0  }
0xd0: {  	[sflag:s10] =	ssyncadd.s32 $0xFFFFC000  }
0xd1: {  	[spmem:s2] =	stream.indirect.scatter.add.f32 [tilespmem:s31], [sflag:$0x8], $0x80, s24, s23, $0xb8;
	[tilespmem:$0x1FB80] =	vst v63  }
0xd2: {  	_ =	swait.ge [sflag:s11], $0x4000  }
0xd3: {  	[sflag:s11] =	ssyncset.done $0x0  }
0xd4: {  	[sflag:s11] =	ssyncadd.s32 $0xFFFFC000  }
0xd5: {  	[spmem:s2] =	stream.indirect.scatter.add.f32 [tilespmem:s4], [sflag:$0x9], $0x80, s28, s23, $0xb8;
	[tilespmem:$0x1FB80] =	vst v63  }
0xd6: {  	_ =	swait.ge [sflag:s13], $0x4000  }
0xd7: {  	[sflag:s13] =	ssyncset.done $0x0  }
0xd8: {  	[sflag:s13] =	ssyncadd.s32 $0xFFFFC000  }
0xd9: {  	_ =	swait.ge [sflag:s14], $0x4000  }
0xda: {  	[sflag:s14] =	ssyncset.done $0x0  }
0xdb: {  	[sflag:s14] =	ssyncadd.s32 $0xFFFFC000  }
0xdc: {  	_ =	swait.ge [sflag:s15], $0x4000  }
0xdd: {  	[sflag:s15] =	ssyncset.done $0x0  }
0xde: {  	s7 =	rddreg [dreg:$0x7];
	[sflag:s15] =	ssyncadd.s32 $0xFFFFC000  }
0xdf: {  	[tilespmem:s3], [sflag:$0xA] =	stream.linear.gather [hbm4b:s7+s3], $0x10, $0x38;
	[tilespmem:$0x1FB80] =	vst v63  }
0xe0: {  	_ =	swait.ge [sflag:s21], $0x10  }
0xe1: {  	[sflag:s21] =	ssyncset.done $0x0  }
0xe2: {  	s9 =	rddreg [dreg:$0x8];
	[sflag:s21] =	ssyncadd.s32 $0xFFFFFFF0  }
0xe3: {  	[tilespmem:s22], [sflag:$0xA] =	stream.linear.gather [hbm4b:s9+s3], $0x10, $0x38;
	[tilespmem:$0x1FB80] =	vst v63  }
0xe4: {  	_ =	swait.ge [sflag:s21], $0x10  }
0xe5: {  	[sflag:s21] =	ssyncset.done $0x0  }
0xe6: {  	s25 =	simm.s32 $0x10;
	[sflag:s21] =	ssyncadd.s32 $0xFFFFFFF0  }
0xe7: {  	[tilespmem:s20], [sflag:$0x4] =	stream.indirect.gather [hbm4b:s1+s25], $0x80, s3, s25, $0xb8;
	[tilespmem:$0x1FB80] =	vst v63  }
0xe8: {  	_ =	swait.ge [sflag:s8], $0x800  }
0xe9: {  	[sflag:s8] =	ssyncset.done $0x0  }
0xea: {  	[sflag:s8] =	ssyncadd.s32 $0xFFFFF800  }
0xeb: {  	[spmem:s2] =	stream.indirect.scatter.add.f32 [tilespmem:s20], [sflag:$0xA], $0x80, s22, s25, $0xb8;
	[tilespmem:$0x1FB80] =	vst v63  }
0xec: {  	_ =	swait.ge [sflag:s21], $0x800  }
0xed: {  	[sflag:s21] =	ssyncset.done $0x0  }
0xee: {  	[sflag:s21] =	ssyncadd.s32 $0xFFFFF800  }
0xef: {  	s7 =	stileid.u32;
	[bflag:$0x0] =	sbarrier.arrive $0xFFFF  }
0xf0: {  	s6 =	sshll.u32 s7, $0x6;
	s9 =	rddreg [dreg:$0x4]  }
0xf1: {  	s6 =	sor.u32 $0x1C0A, s6;
	s7 =	sshrl.u32 s9, $0x3;
	s9 =	rddreg [dreg:$0xe]  }
0xf2: {  	[hbm:s9], [sflag:s6] =	dma.local [spmem:s7], $0x2700  }
0xf3: {  	_ =	swait.ge [sflag:s21], $0x2700  }
0xf4: {  	s7 =	rddreg [dreg:$0x9]  }
0xf5: {  	[sflag:s21] =	ssyncset.done $0x0;
	s9 =	rddreg [dreg:$0x6]  }
0xf6: {  	[sflag:s21] =	ssyncadd.s32 $0xFFFFD900;
	s7 =	sadd.s32 @!p0 $0x27000, s7;
	s9 =	sshrl.u32 @!p0 s9, $0x3  }
0xf7: {  	[hbm:s7], [sflag:s6] =	dma.local @!p0 [spmem:s9], $0x100  }
0xf8: {  	s6 =	simm.s32 @!p0 $0xA  }
0xf9: {  	_ =	swait.ge @!p0 [sflag:s6], $0x100  }
0xfa: {  	s12 =	sadd.s32 $0x1, s12;
	s25 =	rddreg [dreg:$0xa]  }
0xfb: {  	p1 =	sne.s32 s12, s25  }
.Ltmp2:
0xfc: {  	_ = 	snop;
	(pc) =	sbr.rel @p1 .LBB2_1-.Ltmp2, $3  }
0xfd: {  	_ =	sdelay $0x1  }
0xfe: {  	[sflag:s6] =	ssyncset.done @!p0 $0x0  }
0xff: {  	[sflag:s6] =	ssyncadd.s32 @!p0 $0xFFFFFF00  }
0x100: {  	_ =	sfence.sel $0x180000  }
0x101: {  	[bflag:$0x0] =	sbarrier.arrive $0xFFFF  }
0x102: {  	_ =	strace $0x9000004A  }
0x103: {  	s0 =	stileid.u32;
	[bflag:$0x2] =	sbarrier.arrive $0xFFFF  }
0x104: {  	p0 =	sne.s32 s0, $0x0;
	s0 =	rddreg [dreg:$0x3]  }
0x105: {  	s0 =	sadd.s32 @!p0 $0x100000, s0  }
0x106: {  	[sflag:s0] =	ssyncadd.tile.s32 @!p0 $0x1;
	_ =	shalt  }
.Lfunc_end2:
_tile_overlayer_lowered:
.L_overlay_start_2:
0x107: {  	(tag) =	ssettag $0x2  }
0x108: {  	s0 =	rddreg [dreg:$0x0];
	s2 =	stileid.u32  }
0x109: {  	s1 =	rddreg [dreg:$0x1];
	p0 =	sne.s32 s2, $0x0  }
0x10a: {  	s3 =	rddreg [dreg:$0x2];
	[bflag:$0x3] =	sbarrier.arrive $0xFFFF;
	s2 =	simm.s32 @!p0 $0x1C0A  }
0x10b: {  	[timem:s3], [sflag:s2] =	dma.local @!p0 [hbm:s0], s1  }
0x10c: {  	s0 =	simm.s32 @!p0 $0xA  }
0x10d: {  	_ =	swait.ge @!p0 [sflag:s0], s1  }
0x10e: {  	s1 =	ssub.s32 @!p0 $0x0, s1;
	[sflag:s0] =	ssyncset.done @!p0 $0x0  }
0x10f: {  	[sflag:s0] =	ssyncadd.s32 @!p0 s1  }
0x110: {  	[bflag:$0x3] =	sbarrier.arrive $0xFFFF  }
0x111: {  	_ =	shalt  }

// kernel: kernel.14.cloned.1.call-start
scs
__scs_entry_jumppad:
0x0: {  	(pc) =	sbr.rel $0x88, $3  }
0x1: {  	(tag) =	ssettag $0x0;
	lr =	simm.s32 $0x1  }
0x2: {  	[smem:$0x3F8D] =	sst lr;
	_ =	strace $0xD0000000  }
0x3: {  	_ = 	snop  }
0x4: {  	_ = 	snop  }
0x5: {  	_ = 	snop  }
0x6: {  	_ = 	snop  }
0x7: {  	_ = 	snop  }
__scs_overlays_trampoline_lowered:
0x8: {  	[smem:$0x3F9C] =	sst s0  }
0x9: {  	[smem:$0x3F9D] =	sst s1  }
0xa: {  	[smem:$0x3F9E] =	sst s2  }
0xb: {  	[smem:$0x3F9F] =	sst s3  }
0xc: {  	[smem:$0x3FA0] =	sst s4  }
0xd: {  	[smem:$0x3FA1] =	sst s5  }
0xe: {  	[smem:$0x3FA2] =	sst s6  }
0xf: {  	[smem:$0x3FA3] =	sst s7  }
0x10: {  	[smem:$0x3FA4] =	sst s8  }
0x11: {  	[smem:$0x3FA5] =	sst s9;
	s0 =	simm.s32 @!p0 $0x0  }
0x12: {  	s1 =	sld [smem:$0x3F8B];
	s0 =	simm.s32 @p0 $0x1  }
0x13: {  	[smem:$0x3FA6] =	sst s0;
	s0 =	simm.s32 @!p1 $0x0  }
0x14: {  	s2 =	sld [smem:$0x3F8A];
	s0 =	simm.s32 @p1 $0x1  }
0x15: {  	[smem:$0x3FA7] =	sst s0;
	s0 =	simm.s32 @!p2 $0x0  }
0x16: {  	s3 =	sld [smem:$0x3FDB];
	s0 =	simm.s32 @p2 $0x1  }
0x17: {  	s4 =	simm.s32 $0x1BF5;
	[smem:$0x3FA9] =	sst s0  }
0x18: {  	s0 =	sld [smem:$0x3F8C];
	_ =	swait.ge [sflag:s4], $0x0  }
0x19: {  	s7 =	sld [smem:$0x3F8D]  }
0x1a: {  	s8 =	sadd.s32 $0xFFFFE003, lr  }
0x1b: {  	s9 =	sadd.s32 $0xFFFFFEF7, lr;
	s5 =	simm.s32 $0xFFFFFFFF;
	p2 =	slt.u32 s8, $0xFFFFF086  }
0x1c: {  	p1 =	slt.u32 s9, $0xF7A;
	s5 =	simm.s32 @!p2 $0x0  }
0x1d: {  	s5 =	simm.s32 @p1 $0x1;
	p0 =	seq.s32 s7, s2  }
0x1e: {  	s7 =	smul.u32 @!p0 $0xF7A, s2;
	p2 =	seq.s32 @!p0 s5, $0x0  }
0x1f: {  	s9 =	smul.u32 $0xF7A, s1;
	s8 =	simm.s32 @!p0 $0x1BF5;
	p2 =	por !p2, p0  }
0x20: {  	[sflag:s8] =	ssyncset.s32 @!p0 $0xFFFFF086;
	s6 =	sadd.s32 @!p0 s3, s7;
	s7 =	simm.s32 @!p0 $0x108  }
0x21: {  	s3 =	sadd.s32 s3, s9;
	s6 =	sadd.s32 @!p0 $0x88, s6;
	s7 =	simm.s32 @p2 $0x1082  }
0x22: {  	[simem:s7], [sflag:s8] =	dma.local @!p0 [hbm:s6], $0xF7A  }
0x23: {  	s9 =	sor.u32 $0xD0000000, s2;
	s6 =	simm.s32 $0x108;
	_ =	swait.ge @!p0 [sflag:s8], $0x0  }
0x24: {  	s3 =	sadd.s32 $0x88, s3;
	s6 =	simm.s32 @!p1 $0x1082;
	[sflag:s4] =	ssyncset.s32 $0xFFFFF086  }
0x25: {  	[simem:s6], [sflag:s4] =	dma.local [hbm:s3], $0xF7A  }
0x26: {  	[smem:$0x3F8D] =	sst s1;
	(tag) =	ssettag s2;
	_ =	strace s9  }
0x27: {  	s1 =	sld [smem:$0x3F9D]  }
0x28: {  	s2 =	sld [smem:$0x3F9E]  }
0x29: {  	s4 =	sld [smem:$0x3FA0]  }
0x2a: {  	p0 =	seq.s32 s5, $0x0;
	s5 =	sld [smem:$0x3FA1]  }
0x2b: {  	s6 =	sld [smem:$0x3FA2]  }
0x2c: {  	s7 =	sld [smem:$0x3FA3]  }
0x2d: {  	s3 =	simm.s32 $0x108;
	s8 =	sld [smem:$0x3FA4]  }
0x2e: {  	s3 =	simm.s32 @!p0 $0x1082;
	s9 =	sld [smem:$0x3FA5]  }
0x2f: {  	lr =	sadd.s32 s0, s3;
	s0 =	sld [smem:$0x3F9C]  }
0x30: {  	s3 =	sld [smem:$0x3F9F]  }
0x31: {  	[smem:$0x3FA8] =	sst s10  }
0x32: {  	s10 =	sld [smem:$0x3FA6];
	_ =	sdelay $0x3  }
0x33: {  	p0 =	seq.s32 s10, $0x1;
	s10 =	sld [smem:$0x3FA8];
	_ =	sdelay $0x3  }
0x34: {  	[smem:$0x3FA8] =	sst s10  }
0x35: {  	s10 =	sld [smem:$0x3FA7];
	_ =	sdelay $0x3  }
0x36: {  	p1 =	seq.s32 s10, $0x1;
	s10 =	sld [smem:$0x3FA8];
	_ =	sdelay $0x3  }
0x37: {  	[smem:$0x3FA8] =	sst s10  }
0x38: {  	s10 =	sld [smem:$0x3FA9]  }
0x39: {  	_ = 	snop;
	(pc) =	sbr.ind lr, $3  }
0x3a: {  	_ = 	snop  }
0x3b: {  	_ = 	snop  }
0x3c: {  	p2 =	seq.s32 s10, $0x1;
	s10 =	sld [smem:$0x3FA8]  }
0x3d: {  	_ =	shalt  }
0x3e: {  	_ =	shalt  }
0x3f: {  	_ =	shalt  }
0x40: {  	_ =	shalt  }
0x41: {  	_ =	shalt  }
0x42: {  	_ =	shalt  }
0x43: {  	_ =	shalt  }
0x44: {  	_ =	shalt  }
0x45: {  	_ =	shalt  }
0x46: {  	_ =	shalt  }
0x47: {  	_ =	shalt  }
0x48: {  	_ =	shalt  }
0x49: {  	_ =	shalt  }
0x4a: {  	_ =	shalt  }
0x4b: {  	_ =	shalt  }
0x4c: {  	_ =	shalt  }
0x4d: {  	_ =	shalt  }
0x4e: {  	_ =	shalt  }
0x4f: {  	_ =	shalt  }
0x50: {  	_ =	shalt  }
0x51: {  	_ =	shalt  }
0x52: {  	_ =	shalt  }
0x53: {  	_ =	shalt  }
0x54: {  	_ =	shalt  }
0x55: {  	_ =	shalt  }
0x56: {  	_ =	shalt  }
0x57: {  	_ =	shalt  }
0x58: {  	_ =	shalt  }
0x59: {  	_ =	shalt  }
0x5a: {  	_ =	shalt  }
0x5b: {  	_ =	shalt  }
0x5c: {  	_ =	shalt  }
0x5d: {  	_ =	shalt  }
0x5e: {  	_ =	shalt  }
0x5f: {  	_ =	shalt  }
0x60: {  	_ =	shalt  }
0x61: {  	_ =	shalt  }
0x62: {  	_ =	shalt  }
0x63: {  	_ =	shalt  }
0x64: {  	_ =	shalt  }
0x65: {  	_ =	shalt  }
0x66: {  	_ =	shalt  }
0x67: {  	_ =	shalt  }
0x68: {  	_ =	shalt  }
0x69: {  	_ =	shalt  }
0x6a: {  	_ =	shalt  }
0x6b: {  	_ =	shalt  }
0x6c: {  	_ =	shalt  }
0x6d: {  	_ =	shalt  }
0x6e: {  	_ =	shalt  }
0x6f: {  	_ =	shalt  }
0x70: {  	_ =	shalt  }
0x71: {  	_ =	shalt  }
0x72: {  	_ =	shalt  }
0x73: {  	_ =	shalt  }
0x74: {  	_ =	shalt  }
0x75: {  	_ =	shalt  }
0x76: {  	_ =	shalt  }
0x77: {  	_ =	shalt  }
0x78: {  	_ =	shalt  }
0x79: {  	_ =	shalt  }
0x7a: {  	_ =	shalt  }
0x7b: {  	_ =	shalt  }
0x7c: {  	_ =	shalt  }
0x7d: {  	_ =	shalt  }
0x7e: {  	_ =	shalt  }
0x7f: {  	_ =	shalt  }
0x80: {  	_ =	shalt  }
0x81: {  	_ =	shalt  }
0x82: {  	_ =	shalt  }
0x83: {  	_ =	shalt  }
0x84: {  	_ =	shalt  }
0x85: {  	_ =	shalt  }
0x86: {  	_ =	shalt  }
0x87: {  	_ =	shalt  }
.Lfunc_end0:
.L_simem_size_0:
called_computation.2_lowered:
.L_overlay_start_0:
0x88: {  	s2 =	sld [smem:$0x3FD9]  }
0x89: {  	s3 =	sld [smem:$0x3FFE];
	_ =	sdelay $0x1  }
0x8a: {  	s1 =	srdreg.scid  }
0x8b: {  	s0 =	sand.u32 $0x1, s1  }
0x8c: {  	s17 =	sshll.u32 s0, $0xA;
	s2 =	sadd.s32 s3, s2  }
0x8d: {  	s2 =	sadd.s32 s2, s17  }
0x8e: {  	[smem:$0x3FB4] =	sst s2  }
0x8f: {  	_ = 	snop  }
0x90: {  	s2 =	sld [smem:$0x3FD0];
	(tm) =	ssettm $0x1  }
0x91: {  	s18 =	sld [smem:$0x3FFB];
	_ =	sdelay $0x3  }
0x92: {  	_ =	strace s18  }
0x93: {  	s3 =	sld [smem:$0x3FFC];
	_ =	sdelay $0x3  }
0x94: {  	_ =	strace s3  }
0x95: {  	s3 =	sld [smem:$0x3FFD];
	_ =	sdelay $0x3  }
0x96: {  	_ =	strace s3  }
0x97: {  	_ =	strace $0x8FFFFFFF  }
0x98: {  	s19 =	sld [smem:$0x3FDB];
	_ =	sdelay $0x1  }
0x99: {  	s4 =	simm.s32 $_scs_section_size  }
0x9a: {  	s5 =	simm.s32 $_size__tile_overlayer_lowered;
	s6 =	simm.s32 $_tile_overlayer_lowered  }
0x9b: {  	s22 =	simm.s32 $0x1BFF;
	s21 =	sshll.u32 s6, $0x1;
	s3 =	sadd.s32 s4, s19  }
0x9c: {  	s7 =	simm.s32 $0x0;
	s20 =	sshll.u32 s5, $0x1;
	s5 =	sadd.s32 s21, s3  }
0x9d: {  	[timem:s7], [sflag:s22] =	dma.local [hbm:s5], s20  }
0x9e: {  	_ =	swait.ge [sflag:s22], s20  }
0x9f: {  	s4 =	ssub.s32 $0x0, s20;
	[sflag:s22] =	ssyncset.done $0x0  }
0xa0: {  	[sflag:s22] =	ssyncadd.s32 s4;
	_ =	sdelay $0x1  }
0xa1: {  	s23 =	simm.s32 $0x1B8B  }
0xa2: {  	_ =	swait.ge [sflag:s23], $0x1  }
0xa3: {  	[sflag:s23] =	ssyncset.done $0x0  }
0xa4: {  	s25 =	simm.s32 $0x1B8E;
	s24 =	sld [smem:$0x3FFE];
	[sflag:s23] =	ssyncadd.s32 $0xFFFFFFFF  }
0xa5: {  	s26 =	simm.s32 $execute0_lowered;
	[smem:$0x3FD2] =	sst s25  }
0xa6: {  	s5 =	sshll.u32 s26, $0x1;
	_ =	strace $0x8000004C;
	[dreg:$0x1] =	wrdreg $0xFFFFFFFF  }
0xa7: {  	s28 =	simm.s32 $_size_execute0_lowered;
	s3 =	sadd.s32 s3, s5;
	[dreg:$0x0] =	wrdreg $0x0  }
0xa8: {  	s5 =	sshll.u32 s28, $0x1;
	[dreg:$0x2] =	wrdreg s3  }
0xa9: {  	[dreg:$0x3] =	wrdreg s5  }
0xaa: {  	[dreg:$0x4] =	wrdreg $0xC0  }
0xab: {  	_ =	task [dreg:s7], $0x5FFFF  }
0xac: {  	[dreg:$0x1] =	wrdreg $0xFFFFFFFF  }
0xad: {  	[dreg:$0x0] =	wrdreg $0x60  }
0xae: {  	[dreg:$0x2] =	wrdreg s2  }
0xaf: {  	[dreg:$0x3] =	wrdreg s24  }
0xb0: {  	[dreg:$0x4] =	wrdreg $0xC3000  }
0xb1: {  	[dreg:$0x5] =	wrdreg $0x9  }
0xb2: {  	_ =	task.clear_ibuf [dreg:s7], $0x6FFFF;
	_ =	strace $0x9000004C  }
0xb3: {  	s29 =	simm.s32 $0x9;
	_ =	strace $0x8000004E  }
0xb4: {  	_ =	swait.ge [sflag:s29], $0x1  }
0xb5: {  	[sflag:s29] =	ssyncadd.s32 $0xFFFFFFFF  }
0xb6: {  	_ =	strace $0x9000004E  }
0xb7: {  	_ =	sfence  }
0xb8: {  	s30 =	sld [smem:$0x0];
	_ =	sdelay $0x2  }
0xb9: {  	s31 =	sshll.u32 s1, $0xD;
	s1 =	sshrl.u32 s1, $0x2  }
0xba: {  	s3 =	sand.u32 $0x4000, s31;
	s1 =	sadd.s32 s1, s30  }
0xbb: {  	s0 =	sor.u32 s3, s0;
	s1 =	sshll.u32 s1, $0x11  }
0xbc: {  	s0 =	sor.u32 s1, s0  }
0xbd: {  	s0 =	sadd.s32 $0x8F2B, s0  }
0xbe: {  	[sflag:s0] =	ssyncadd.remote.s32 $0x1  }
0xbf: {  	_ =	sfence.sel $0xFFFF  }
0xc0: {  	[dreg:$0x0] =	wrdreg $0xFFFFFFFF;
	(pc) =	sbr.abs _section_cstart, $3  }
0xc1: {  	[dreg:$0x1] =	wrdreg $0xFFFFFFFF  }
0xc2: {  	_ =	task.clear_ibuf [dreg:s7], $0x2FFFF;
	_ =	strace $0x9FFFFFFF  }
0xc3: {  	(tm) =	ssettm $0x7FFFFFFF  }
tec
execute0_lowered:
.L_overlay_start_1:
0x0: {  	(tag) =	ssettag $0x1  }
0x1: {  	s1 =	rddreg [dreg:$0x0]  }
0x2: {  	s0 =	rddreg [dreg:$0x1]  }
0x3: {  	s2 =	rddreg [dreg:$0x2];
	s3 =	simm.s32 $0x0;
	s4 =	srdreg.scid  }
0x4: {  	s11 =	stileid.u32;
	s20 =	simm.s32 $0x300;
	s21 =	simm.s32 $0xA  }
0x5: {  	s28 =	simm.s32 $0x280;
	s29 =	simm.s32 $0x1;
	s30 =	simm.s32 $0x2  }
0x6: {  	s31 =	simm.s32 $0x4300;
	[smem:$0x7FF] =	sst s3;
	s5 =	sadd.s32 $0xE200, s0  }
0x7: {  	s16 =	sadd.s32 $0x4400, s0;
	s4 =	sand.u32 $0x1, s4;
	s7 =	smul.u32 $0x4E000, s11  }
0x8: {  	s6 =	sshll.u32 s11, $0x1;
	s26 =	smul.u32 $0x4E20, s11;
	s12 =	sadd.s32 $0x138000, s2  }
0x9: {  	s15 =	smul.u32 $0x2700, s11;
	p0 =	sne.s32 s11, $0xF;
	s11 =	simm.s32 $0x6  }
0xa: {  	_ =	strace $0x8000004D;
	s8 =	smul.u32 $0x27100, s4;
	s9 =	ssub.s32 $0x2, s4  }
0xb: {  	s6 =	sor.u32 s4, s6;
	[dreg:$0x6] =	wrdreg s12;
	s4 =	smul.u32 $0x2710, s4  }
0xc: {  	s12 =	simm.s32 $0x0;
	s10 =	sshrl.u32 s9, $0x1;
	s7 =	sshrl.u32 s7, $0x2  }
0xd: {  	s6 =	smul.u32 $0x2710, s6;
	s0 =	sadd.s32 s8, s0;
	s24 =	ssub.s32 s9, s10  }
0xe: {  	s7 =	sadd.s32 s7, s2;
	s4 =	sadd.s32 s4, s26;
	s8 =	simm.s32 $0x4  }
0xf: {  	s10 =	simm.s32 $0x5;
	s25 =	sadd.s32 $0x10000, s7;
	[dreg:$0x4] =	wrdreg s7  }
0x10: {  	s6 =	sshrl.u32 s6, $0x3;
	s22 =	smax.u32 s24, $0x1;
	[dreg:$0x5] =	wrdreg s25  }
0x11: {  	s14 =	sadd.s32 $0x18000, s0;
	s23 =	sadd.s32 $0x4000, s7;
	[dreg:$0xa] =	wrdreg s22  }
0x12: {  	s24 =	sadd.s32 $0x8000, s7;
	s7 =	sadd.s32 $0xC000, s7;
	[dreg:$0xb] =	wrdreg s23  }
0x13: {  	s26 =	sadd.s32 $0x80, s4;
	s19 =	sshrl.u32 s4, $0x3;
	[dreg:$0xc] =	wrdreg s24  }
0x14: {  	s6 =	sadd.s32 $0x4E0, s6;
	s25 =	sadd.s32 $0x100, s4;
	[dreg:$0xd] =	wrdreg s7  }
0x15: {  	s18 =	sshrl.u32 s26, $0x3;
	s22 =	simm.s32 $0x180;
	s23 =	simm.s32 $0x80  }
0x16: {  	s24 =	simm.s32 $0x200;
	[dreg:$0x9] =	wrdreg s14;
	s0 =	sadd.s32 s15, s14  }
0x17: {  	s26 =	simm.s32 $0x100;
	s4 =	simm.s32 $0x8300;
	s14 =	simm.s32 $0x8  }
0x18: {  	s15 =	simm.s32 $0x9;
	s13 =	sadd.s32 s5, s6;
	[dreg:$0xe] =	wrdreg s0  }
0x19: {  	s6 =	sadd.s32 s16, s6;
	s17 =	sshrl.u32 s25, $0x3;
	[dreg:$0x7] =	wrdreg s13  }
0x1a: {  	v0 =	vimm.f32 $0.0e+00;
	s0 =	simm.s32 $0x3;
	[dreg:$0x8] =	wrdreg s6;
	s13 =	simm.s32 $0x7  }
.LBB2_1:
0x1b: {  	s6 =	sand.u32 $0xFE00, s3  }
0x1c: {  	s9 =	sand.u32 $0x70, s3;
	s25 =	sshrl.u32 s6, $0x2  }
0x1d: {  	s6 =	simm.s32 $0x40;
	s25 =	sor.u32 s9, s25;
	s9 =	simm.s32 $0x0  }
.LBB2_2:
0x1e: {  	p1 =	sne.s32 s6, $0xFFC0  }
0x1f: {  	[tilespmem:s25+$0x300] =	vst v0;
	s9 =	sadd.s32 $0x10, s9;
	s25 =	smov.u32 s6;
	s6 =	sadd.s32 $0x40, s6  }
.Ltmp0:
0x20: {  	(pc) =	sbr.rel @p1 .LBB2_2-.Ltmp0, $4  }
0x21: {  	_ = 	snop  }
0x22: {  	s25 =	sand.u32 $0xFE00, s25  }
0x23: {  	s7 =	sand.u32 $0x70, s9;
	s25 =	sshrl.u32 s25, $0x2  }
0x24: {  	s25 =	sor.u32 s7, s25  }
0x25: {  	[tilespmem:s25+$0x300] =	vst v0;
	s6 =	rddreg [dreg:$0x4]  }
0x26: {  	[spmem:s6] =	stream.linear.scatter [tilespmem:s20], [sflag:$0xA], $0x4000, $0x38;
	[tilespmem:$0x1FB80] =	vst v63  }
0x27: {  	_ =	swait.ge [sflag:s21], $0x4000  }
0x28: {  	[sflag:s21] =	ssyncset.done $0x0  }
0x29: {  	s25 =	rddreg [dreg:$0xb];
	[sflag:s21] =	ssyncadd.s32 $0xFFFFC000  }
0x2a: {  	[spmem:s25] =	stream.linear.scatter [tilespmem:s20], [sflag:$0xA], $0x4000, $0x38;
	[tilespmem:$0x1FB80] =	vst v63  }
0x2b: {  	_ =	swait.ge [sflag:s21], $0x4000  }
0x2c: {  	[sflag:s21] =	ssyncset.done $0x0  }
0x2d: {  	s7 =	rddreg [dreg:$0xc];
	[sflag:s21] =	ssyncadd.s32 $0xFFFFC000  }
0x2e: {  	[spmem:s7] =	stream.linear.scatter [tilespmem:s20], [sflag:$0xA], $0x4000, $0x38;
	[tilespmem:$0x1FB80] =	vst v63  }
0x2f: {  	_ =	swait.ge [sflag:s21], $0x4000  }
0x30: {  	[sflag:s21] =	ssyncset.done $0x0  }
0x31: {  	s9 =	rddreg [dreg:$0xd];
	[sflag:s21] =	ssyncadd.s32 $0xFFFFC000  }
0x32: {  	[spmem:s9] =	stream.linear.scatter [tilespmem:s20], [sflag:$0xA], $0x4000, $0x38;
	[tilespmem:$0x1FB80] =	vst v63  }
0x33: {  	_ =	swait.ge [sflag:s21], $0x4000  }
0x34: {  	[sflag:s21] =	ssyncset.done $0x0  }
0x35: {  	s25 =	rddreg [dreg:$0x5];
	[sflag:s21] =	ssyncadd.s32 $0xFFFFC000  }
0x36: {  	[spmem:s25] =	stream.linear.scatter [tilespmem:s20], [sflag:$0xA], $0x3800, $0x38;
	[tilespmem:$0x1FB80] =	vst v63  }
0x37: {  	_ =	swait.ge [sflag:s21], $0x3800  }
0x38: {  	[sflag:s21] =	ssyncset.done $0x0  }
0x39: {  	s6 =	simm.s32 @!p0 $0x300;
	s7 =	rddreg [dreg:$0x6];
	[sflag:s21] =	ssyncadd.s32 $0xFFFFC800  }
0x3a: {  	[spmem:s7] =	stream.linear.scatter @!p0 [tilespmem:s6], [sflag:$0xA], $0x800, $0x38;
	[tilespmem:$0x1FB80] =	vst v63  }
0x3b: {  	s6 =	simm.s32 @!p0 $0xA  }
0x3c: {  	_ =	swait.ge @!p0 [sflag:s6], $0x800  }
0x3d: {  	[sflag:s6] =	ssyncset.done @!p0 $0x0  }
0x3e: {  	[sflag:s6] =	ssyncadd.s32 @!p0 $0xFFFFF800  }
0x3f: {  	s7 =	sadd.s32 s5, s19;
	[bflag:$0x0] =	sbarrier.arrive $0xFFFF  }
0x40: {  	[tilespmem:s3], [sflag:$0x1] =	stream.linear.gather [hbm4b:s7+s3], $0x80, $0x38;
	[tilespmem:$0x1FB80] =	vst v63  }
0x41: {  	s9 =	sadd.s32 s16, s19  }
0x42: {  	[tilespmem:s22], [sflag:$0x1] =	stream.linear.gather [hbm4b:s9+s3], $0x80, $0x38;
	[tilespmem:$0x1FB80] =	vst v63  }
0x43: {  	s25 =	sadd.s32 s5, s18  }
0x44: {  	[tilespmem:s23], [sflag:$0x2] =	stream.linear.gather [hbm4b:s25+s3], $0x80, $0x38;
	[tilespmem:$0x1FB80] =	vst v63  }
0x45: {  	s7 =	sadd.s32 s16, s18  }
0x46: {  	[tilespmem:s24], [sflag:$0x2] =	stream.linear.gather [hbm4b:s7+s3], $0x80, $0x38;
	[tilespmem:$0x1FB80] =	vst v63  }
0x47: {  	s9 =	sadd.s32 s5, s17  }
0x48: {  	[tilespmem:s26], [sflag:$0x3] =	stream.linear.gather [hbm4b:s9+s3], $0x80, $0x38;
	[tilespmem:$0x1FB80] =	vst v63  }
0x49: {  	s25 =	sadd.s32 s16, s17  }
0x4a: {  	[tilespmem:s28], [sflag:$0x3] =	stream.linear.gather [hbm4b:s25+s3], $0x80, $0x38;
	[tilespmem:$0x1FB80] =	vst v63  }
0x4b: {  	_ =	swait.ge [sflag:s29], $0x80  }
0x4c: {  	[sflag:s29] =	ssyncset.done $0x0  }
0x4d: {  	[sflag:s29] =	ssyncadd.s32 $0xFFFFFF80  }
0x4e: {  	_ =	swait.ge [sflag:s29], $0x80  }
0x4f: {  	[sflag:s29] =	ssyncset.done $0x0  }
0x50: {  	[sflag:s29] =	ssyncadd.s32 $0xFFFFFF80  }
0x51: {  	[tilespmem:s20], [sflag:$0x4] =	stream.indirect.gather [hbm4b:s1+s23], $0x80, s3, s23, $0xb8;
	[tilespmem:$0x1FB80] =	vst v63  }
0x52: {  	_ =	swait.ge [sflag:s30], $0x80  }
0x53: {  	[sflag:s30] =	ssyncset.done $0x0  }
0x54: {  	[sflag:s30] =	ssyncadd.s32 $0xFFFFFF80  }
0x55: {  	_ =	swait.ge [sflag:s30], $0x80  }
0x56: {  	[sflag:s30] =	ssyncset.done $0x0  }
0x57: {  	[sflag:s30] =	ssyncadd.s32 $0xFFFFFF80  }
0x58: {  	[tilespmem:s31], [sflag:$0x5] =	stream.indirect.gather [hbm4b:s1+s23], $0x80, s23, s23, $0xb8;
	[tilespmem:$0x1FB80] =	vst v63  }
0x59: {  	_ =	swait.ge [sflag:s0], $0x80  }
0x5a: {  	[sflag:s0] =	ssyncset.done $0x0  }
0x5b: {  	[sflag:s0] =	ssyncadd.s32 $0xFFFFFF80  }
0x5c: {  	_ =	swait.ge [sflag:s0], $0x80  }
0x5d: {  	[sflag:s0] =	ssyncset.done $0x0  }
0x5e: {  	[sflag:s0] =	ssyncadd.s32 $0xFFFFFF80  }
0x5f: {  	[tilespmem:s4], [sflag:$0x6] =	stream.indirect.gather [hbm4b:s1+s23], $0x80, s26, s23, $0xb8;
	[tilespmem:$0x1FB80] =	vst v63  }
0x60: {  	_ =	swait.ge [sflag:s8], $0x4000  }
0x61: {  	[sflag:s8] =	ssyncset.done $0x0  }
0x62: {  	[sflag:s8] =	ssyncadd.s32 $0xFFFFC000  }
0x63: {  	[spmem:s2] =	stream.indirect.scatter.add.f32 [tilespmem:s20], [sflag:$0x7], $0x80, s22, s23, $0xb8;
	[tilespmem:$0x1FB80] =	vst v63  }
0x64: {  	_ =	swait.ge [sflag:s10], $0x4000  }
0x65: {  	[sflag:s10] =	ssyncset.done $0x0  }
0x66: {  	[sflag:s10] =	ssyncadd.s32 $0xFFFFC000  }
0x67: {  	[spmem:s2] =	stream.indirect.scatter.add.f32 [tilespmem:s31], [sflag:$0x8], $0x80, s24, s23, $0xb8;
	[tilespmem:$0x1FB80] =	vst v63  }
0x68: {  	_ =	swait.ge [sflag:s11], $0x4000  }
0x69: {  	[sflag:s11] =	ssyncset.done $0x0  }
0x6a: {  	[sflag:s11] =	ssyncadd.s32 $0xFFFFC000  }
0x6b: {  	[spmem:s2] =	stream.indirect.scatter.add.f32 [tilespmem:s4], [sflag:$0x9], $0x80, s28, s23, $0xb8;
	[tilespmem:$0x1FB80] =	vst v63  }
0x6c: {  	_ =	swait.ge [sflag:s13], $0x4000  }
0x6d: {  	[sflag:s13] =	ssyncset.done $0x0  }
0x6e: {  	[sflag:s13] =	ssyncadd.s32 $0xFFFFC000  }
0x6f: {  	_ =	swait.ge [sflag:s14], $0x4000  }
0x70: {  	[sflag:s14] =	ssyncset.done $0x0  }
0x71: {  	[sflag:s14] =	ssyncadd.s32 $0xFFFFC000  }
0x72: {  	s6 =	smov.u32 s16;
	_ =	swait.ge [sflag:s15], $0x4000  }
0x73: {  	s9 =	simm.s32 $0x18;
	s25 =	sadd.s32 $0x30, s5;
	[sflag:s15] =	ssyncset.done $0x0  }
.LBB2_4:
0x74: {  	s7 =	sadd.s32 s25, s19;
	[sflag:s15] =	ssyncadd.s32 $0xFFFFC000;
	s6 =	sadd.s32 $0x30, s6  }
0x75: {  	[tilespmem:s3], [sflag:$0x1] =	stream.linear.gather [hbm4b:s7+s3], $0x80, $0x38;
	[tilespmem:$0x1FB80] =	vst v63  }
0x76: {  	p1 =	sne.s32 s9, $0x1;
	s9 =	sadd.s32 $0xFFFFFFFF, s9;
	s7 =	sadd.s32 s6, s19  }
0x77: {  	[tilespmem:s22], [sflag:$0x1] =	stream.linear.gather [hbm4b:s7+s3], $0x80, $0x38;
	[tilespmem:$0x1FB80] =	vst v63  }
0x78: {  	s7 =	sadd.s32 s25, s18  }
0x79: {  	[tilespmem:s23], [sflag:$0x2] =	stream.linear.gather [hbm4b:s7+s3], $0x80, $0x38;
	[tilespmem:$0x1FB80] =	vst v63  }
0x7a: {  	s7 =	sadd.s32 s6, s18  }
0x7b: {  	[tilespmem:s24], [sflag:$0x2] =	stream.linear.gather [hbm4b:s7+s3], $0x80, $0x38;
	[tilespmem:$0x1FB80] =	vst v63  }
0x7c: {  	s7 =	sadd.s32 s25, s17  }
0x7d: {  	[tilespmem:s26], [sflag:$0x3] =	stream.linear.gather [hbm4b:s7+s3], $0x80, $0x38;
	[tilespmem:$0x1FB80] =	vst v63  }
0x7e: {  	s7 =	sadd.s32 s6, s17  }
0x7f: {  	[tilespmem:s28], [sflag:$0x3] =	stream.linear.gather [hbm4b:s7+s3], $0x80, $0x38;
	[tilespmem:$0x1FB80] =	vst v63  }
0x80: {  	_ =	swait.ge [sflag:s29], $0x80  }
0x81: {  	[sflag:s29] =	ssyncset.done $0x0  }
0x82: {  	[sflag:s29] =	ssyncadd.s32 $0xFFFFFF80  }
0x83: {  	_ =	swait.ge [sflag:s29], $0x80  }
0x84: {  	[sflag:s29] =	ssyncset.done $0x0  }
0x85: {  	[sflag:s29] =	ssyncadd.s32 $0xFFFFFF80  }
0x86: {  	[tilespmem:s20], [sflag:$0x4] =	stream.indirect.gather [hbm4b:s1+s23], $0x80, s3, s23, $0xb8;
	[tilespmem:$0x1FB80] =	vst v63  }
0x87: {  	_ =	swait.ge [sflag:s30], $0x80  }
0x88: {  	[sflag:s30] =	ssyncset.done $0x0  }
0x89: {  	[sflag:s30] =	ssyncadd.s32 $0xFFFFFF80  }
0x8a: {  	_ =	swait.ge [sflag:s30], $0x80  }
0x8b: {  	[sflag:s30] =	ssyncset.done $0x0  }
0x8c: {  	[sflag:s30] =	ssyncadd.s32 $0xFFFFFF80  }
0x8d: {  	[tilespmem:s31], [sflag:$0x5] =	stream.indirect.gather [hbm4b:s1+s23], $0x80, s23, s23, $0xb8;
	[tilespmem:$0x1FB80] =	vst v63  }
0x8e: {  	_ =	swait.ge [sflag:s0], $0x80  }
0x8f: {  	[sflag:s0] =	ssyncset.done $0x0  }
0x90: {  	[sflag:s0] =	ssyncadd.s32 $0xFFFFFF80  }
0x91: {  	_ =	swait.ge [sflag:s0], $0x80  }
0x92: {  	[sflag:s0] =	ssyncset.done $0x0  }
0x93: {  	[sflag:s0] =	ssyncadd.s32 $0xFFFFFF80  }
0x94: {  	[tilespmem:s4], [sflag:$0x6] =	stream.indirect.gather [hbm4b:s1+s23], $0x80, s26, s23, $0xb8;
	[tilespmem:$0x1FB80] =	vst v63  }
0x95: {  	_ =	swait.ge [sflag:s8], $0x4000  }
0x96: {  	[sflag:s8] =	ssyncset.done $0x0  }
0x97: {  	[sflag:s8] =	ssyncadd.s32 $0xFFFFC000  }
0x98: {  	[spmem:s2] =	stream.indirect.scatter.add.f32 [tilespmem:s20], [sflag:$0x7], $0x80, s22, s23, $0xb8;
	[tilespmem:$0x1FB80] =	vst v63  }
0x99: {  	_ =	swait.ge [sflag:s10], $0x4000  }
0x9a: {  	[sflag:s10] =	ssyncset.done $0x0  }
0x9b: {  	[sflag:s10] =	ssyncadd.s32 $0xFFFFC000  }
0x9c: {  	[spmem:s2] =	stream.indirect.scatter.add.f32 [tilespmem:s31], [sflag:$0x8], $0x80, s24, s23, $0xb8;
	[tilespmem:$0x1FB80] =	vst v63  }
0x9d: {  	_ =	swait.ge [sflag:s11], $0x4000  }
0x9e: {  	[sflag:s11] =	ssyncset.done $0x0  }
0x9f: {  	[sflag:s11] =	ssyncadd.s32 $0xFFFFC000  }
0xa0: {  	[spmem:s2] =	stream.indirect.scatter.add.f32 [tilespmem:s4], [sflag:$0x9], $0x80, s28, s23, $0xb8;
	[tilespmem:$0x1FB80] =	vst v63  }
0xa1: {  	_ =	swait.ge [sflag:s13], $0x4000  }
0xa2: {  	[sflag:s13] =	ssyncset.done $0x0  }
0xa3: {  	[sflag:s13] =	ssyncadd.s32 $0xFFFFC000  }
.Ltmp1:
0xa4: {  	_ =	swait.ge [sflag:s14], $0x4000;
	(pc) =	sbr.rel @p1 .LBB2_4-.Ltmp1, $4  }
0xa5: {  	[sflag:s14] =	ssyncset.done $0x0  }
0xa6: {  	[sflag:s14] =	ssyncadd.s32 $0xFFFFC000  }
0xa7: {  	_ =	swait.ge [sflag:s15], $0x4000  }
0xa8: {  	s25 =	sadd.s32 $0x30, s25;
	[sflag:s15] =	ssyncset.done $0x0  }
0xa9: {  	s7 =	sadd.s32 s25, s19;
	[sflag:s15] =	ssyncadd.s32 $0xFFFFC000;
	s6 =	sadd.s32 $0x30, s6  }
0xaa: {  	[tilespmem:s3], [sflag:$0x1] =	stream.linear.gather [hbm4b:s7+s3], $0x80, $0x38;
	[tilespmem:$0x1FB80] =	vst v63  }
0xab: {  	s9 =	sadd.s32 s6, s19  }
0xac: {  	[tilespmem:s22], [sflag:$0x1] =	stream.linear.gather [hbm4b:s9+s3], $0x80, $0x38;
	[tilespmem:$0x1FB80] =	vst v63  }
0xad: {  	s9 =	sadd.s32 s25, s18  }
0xae: {  	[tilespmem:s23], [sflag:$0x2] =	stream.linear.gather [hbm4b:s9+s3], $0x80, $0x38;
	[tilespmem:$0x1FB80] =	vst v63  }
0xaf: {  	s9 =	sadd.s32 s6, s18  }
0xb0: {  	[tilespmem:s24], [sflag:$0x2] =	stream.linear.gather [hbm4b:s9+s3], $0x80, $0x38;
	[tilespmem:$0x1FB80] =	vst v63  }
0xb1: {  	s25 =	sadd.s32 s25, s17  }
0xb2: {  	[tilespmem:s26], [sflag:$0x3] =	stream.linear.gather [hbm4b:s25+s3], $0x80, $0x38;
	[tilespmem:$0x1FB80] =	vst v63  }
0xb3: {  	s6 =	sadd.s32 s6, s17  }
0xb4: {  	[tilespmem:s28], [sflag:$0x3] =	stream.linear.gather [hbm4b:s6+s3], $0x80, $0x38;
	[tilespmem:$0x1FB80] =	vst v63  }
0xb5: {  	_ =	swait.ge [sflag:s29], $0x80  }
0xb6: {  	[sflag:s29] =	ssyncset.done $0x0  }
0xb7: {  	[sflag:s29] =	ssyncadd.s32 $0xFFFFFF80  }
0xb8: {  	_ =	swait.ge [sflag:s29], $0x80  }
0xb9: {  	[sflag:s29] =	ssyncset.done $0x0  }
0xba: {  	[sflag:s29] =	ssyncadd.s32 $0xFFFFFF80  }
0xbb: {  	[tilespmem:s20], [sflag:$0x4] =	stream.indirect.gather [hbm4b:s1+s23], $0x80, s3, s23, $0xb8;
	[tilespmem:$0x1FB80] =	vst v63  }
0xbc: {  	_ =	swait.ge [sflag:s30], $0x80  }
0xbd: {  	[sflag:s30] =	ssyncset.done $0x0  }
0xbe: {  	[sflag:s30] =	ssyncadd.s32 $0xFFFFFF80  }
0xbf: {  	_ =	swait.ge [sflag:s30], $0x80  }
0xc0: {  	[sflag:s30] =	ssyncset.done $0x0  }
0xc1: {  	[sflag:s30] =	ssyncadd.s32 $0xFFFFFF80  }
0xc2: {  	[tilespmem:s31], [sflag:$0x5] =	stream.indirect.gather [hbm4b:s1+s23], $0x80, s23, s23, $0xb8;
	[tilespmem:$0x1FB80] =	vst v63  }
0xc3: {  	_ =	swait.ge [sflag:s0], $0x80  }
0xc4: {  	[sflag:s0] =	ssyncset.done $0x0  }
0xc5: {  	[sflag:s0] =	ssyncadd.s32 $0xFFFFFF80  }
0xc6: {  	_ =	swait.ge [sflag:s0], $0x80  }
0xc7: {  	[sflag:s0] =	ssyncset.done $0x0  }
0xc8: {  	[sflag:s0] =	ssyncadd.s32 $0xFFFFFF80  }
0xc9: {  	[tilespmem:s4], [sflag:$0x6] =	stream.indirect.gather [hbm4b:s1+s23], $0x80, s26, s23, $0xb8;
	[tilespmem:$0x1FB80] =	vst v63  }
0xca: {  	_ =	swait.ge [sflag:s8], $0x4000  }
0xcb: {  	[sflag:s8] =	ssyncset.done $0x0  }
0xcc: {  	[sflag:s8] =	ssyncadd.s32 $0xFFFFC000  }
0xcd: {  	[spmem:s2] =	stream.indirect.scatter.add.f32 [tilespmem:s20], [sflag:$0x7], $0x80, s22, s23, $0xb8;
	[tilespmem:$0x1FB80] =	vst v63  }
0xce: {  	_ =	swait.ge [sflag:s10], $0x4000  }
0xcf: {  	[sflag:s10] =	ssyncset.done $0x0  }
0xd0: {  	[sflag:s10] =	ssyncadd.s32 $0xFFFFC000  }
0xd1: {  	[spmem:s2] =	stream.indirect.scatter.add.f32 [tilespmem:s31], [sflag:$0x8], $0x80, s24, s23, $0xb8;
	[tilespmem:$0x1FB80] =	vst v63  }
0xd2: {  	_ =	swait.ge [sflag:s11], $0x4000  }
0xd3: {  	[sflag:s11] =	ssyncset.done $0x0  }
0xd4: {  	[sflag:s11] =	ssyncadd.s32 $0xFFFFC000  }
0xd5: {  	[spmem:s2] =	stream.indirect.scatter.add.f32 [tilespmem:s4], [sflag:$0x9], $0x80, s28, s23, $0xb8;
	[tilespmem:$0x1FB80] =	vst v63  }
0xd6: {  	_ =	swait.ge [sflag:s13], $0x4000  }
0xd7: {  	[sflag:s13] =	ssyncset.done $0x0  }
0xd8: {  	[sflag:s13] =	ssyncadd.s32 $0xFFFFC000  }
0xd9: {  	_ =	swait.ge [sflag:s14], $0x4000  }
0xda: {  	[sflag:s14] =	ssyncset.done $0x0  }
0xdb: {  	[sflag:s14] =	ssyncadd.s32 $0xFFFFC000  }
0xdc: {  	_ =	swait.ge [sflag:s15], $0x4000  }
0xdd: {  	[sflag:s15] =	ssyncset.done $0x0  }
0xde: {  	s7 =	rddreg [dreg:$0x7];
	[sflag:s15] =	ssyncadd.s32 $0xFFFFC000  }
0xdf: {  	[tilespmem:s3], [sflag:$0xA] =	stream.linear.gather [hbm4b:s7+s3], $0x10, $0x38;
	[tilespmem:$0x1FB80] =	vst v63  }
0xe0: {  	_ =	swait.ge [sflag:s21], $0x10  }
0xe1: {  	[sflag:s21] =	ssyncset.done $0x0  }
0xe2: {  	s9 =	rddreg [dreg:$0x8];
	[sflag:s21] =	ssyncadd.s32 $0xFFFFFFF0  }
0xe3: {  	[tilespmem:s22], [sflag:$0xA] =	stream.linear.gather [hbm4b:s9+s3], $0x10, $0x38;
	[tilespmem:$0x1FB80] =	vst v63  }
0xe4: {  	_ =	swait.ge [sflag:s21], $0x10  }
0xe5: {  	[sflag:s21] =	ssyncset.done $0x0  }
0xe6: {  	s25 =	simm.s32 $0x10;
	[sflag:s21] =	ssyncadd.s32 $0xFFFFFFF0  }
0xe7: {  	[tilespmem:s20], [sflag:$0x4] =	stream.indirect.gather [hbm4b:s1+s25], $0x80, s3, s25, $0xb8;
	[tilespmem:$0x1FB80] =	vst v63  }
0xe8: {  	_ =	swait.ge [sflag:s8], $0x800  }
0xe9: {  	[sflag:s8] =	ssyncset.done $0x0  }
0xea: {  	[sflag:s8] =	ssyncadd.s32 $0xFFFFF800  }
0xeb: {  	[spmem:s2] =	stream.indirect.scatter.add.f32 [tilespmem:s20], [sflag:$0xA], $0x80, s22, s25, $0xb8;
	[tilespmem:$0x1FB80] =	vst v63  }
0xec: {  	_ =	swait.ge [sflag:s21], $0x800  }
0xed: {  	[sflag:s21] =	ssyncset.done $0x0  }
0xee: {  	[sflag:s21] =	ssyncadd.s32 $0xFFFFF800  }
0xef: {  	s7 =	stileid.u32;
	[bflag:$0x0] =	sbarrier.arrive $0xFFFF  }
0xf0: {  	s6 =	sshll.u32 s7, $0x6;
	s9 =	rddreg [dreg:$0x4]  }
0xf1: {  	s6 =	sor.u32 $0x1C0A, s6;
	s7 =	sshrl.u32 s9, $0x3;
	s9 =	rddreg [dreg:$0xe]  }
0xf2: {  	[hbm:s9], [sflag:s6] =	dma.local [spmem:s7], $0x2700  }
0xf3: {  	_ =	swait.ge [sflag:s21], $0x2700  }
0xf4: {  	s7 =	rddreg [dreg:$0x9]  }
0xf5: {  	[sflag:s21] =	ssyncset.done $0x0;
	s9 =	rddreg [dreg:$0x6]  }
0xf6: {  	[sflag:s21] =	ssyncadd.s32 $0xFFFFD900;
	s7 =	sadd.s32 @!p0 $0x27000, s7;
	s9 =	sshrl.u32 @!p0 s9, $0x3  }
0xf7: {  	[hbm:s7], [sflag:s6] =	dma.local @!p0 [spmem:s9], $0x100  }
0xf8: {  	s6 =	simm.s32 @!p0 $0xA  }
0xf9: {  	_ =	swait.ge @!p0 [sflag:s6], $0x100  }
0xfa: {  	s12 =	sadd.s32 $0x1, s12;
	s25 =	rddreg [dreg:$0xa]  }
0xfb: {  	p1 =	sne.s32 s12, s25  }
.Ltmp2:
0xfc: {  	_ = 	snop;
	(pc) =	sbr.rel @p1 .LBB2_1-.Ltmp2, $3  }
0xfd: {  	_ =	sdelay $0x1  }
0xfe: {  	[sflag:s6] =	ssyncset.done @!p0 $0x0  }
0xff: {  	[sflag:s6] =	ssyncadd.s32 @!p0 $0xFFFFFF00  }
0x100: {  	_ =	sfence.sel $0x180000  }
0x101: {  	[bflag:$0x0] =	sbarrier.arrive $0xFFFF  }
0x102: {  	_ =	strace $0x9000004D  }
0x103: {  	s0 =	stileid.u32;
	[bflag:$0x2] =	sbarrier.arrive $0xFFFF  }
0x104: {  	p0 =	sne.s32 s0, $0x0;
	s0 =	rddreg [dreg:$0x3]  }
0x105: {  	s0 =	sadd.s32 @!p0 $0x100000, s0  }
0x106: {  	[sflag:s0] =	ssyncadd.tile.s32 @!p0 $0x1;
	_ =	shalt  }
.Lfunc_end2:
_tile_overlayer_lowered:
.L_overlay_start_2:
0x107: {  	(tag) =	ssettag $0x2  }
0x108: {  	s0 =	rddreg [dreg:$0x0];
	s2 =	stileid.u32  }
0x109: {  	s1 =	rddreg [dreg:$0x1];
	p0 =	sne.s32 s2, $0x0  }
0x10a: {  	s3 =	rddreg [dreg:$0x2];
	[bflag:$0x3] =	sbarrier.arrive $0xFFFF;
	s2 =	simm.s32 @!p0 $0x1C0A  }
0x10b: {  	[timem:s3], [sflag:s2] =	dma.local @!p0 [hbm:s0], s1  }
0x10c: {  	s0 =	simm.s32 @!p0 $0xA  }
0x10d: {  	_ =	swait.ge @!p0 [sflag:s0], s1  }
0x10e: {  	s1 =	ssub.s32 @!p0 $0x0, s1;
	[sflag:s0] =	ssyncset.done @!p0 $0x0  }
0x10f: {  	[sflag:s0] =	ssyncadd.s32 @!p0 s1  }
0x110: {  	[bflag:$0x3] =	sbarrier.arrive $0xFFFF  }
0x111: {  	_ =	shalt  }

// kernel: kernel.8.cloned.1.call-start
scs
__scs_entry_jumppad:
0x0: {  	(pc) =	sbr.rel $0x88, $3  }
0x1: {  	(tag) =	ssettag $0x0;
	lr =	simm.s32 $0x1  }
0x2: {  	[smem:$0x3F8D] =	sst lr;
	_ =	strace $0xD0000000  }
0x3: {  	_ = 	snop  }
0x4: {  	_ = 	snop  }
0x5: {  	_ = 	snop  }
0x6: {  	_ = 	snop  }
0x7: {  	_ = 	snop  }
__scs_overlays_trampoline_lowered:
0x8: {  	[smem:$0x3F9C] =	sst s0  }
0x9: {  	[smem:$0x3F9D] =	sst s1  }
0xa: {  	[smem:$0x3F9E] =	sst s2  }
0xb: {  	[smem:$0x3F9F] =	sst s3  }
0xc: {  	[smem:$0x3FA0] =	sst s4  }
0xd: {  	[smem:$0x3FA1] =	sst s5  }
0xe: {  	[smem:$0x3FA2] =	sst s6  }
0xf: {  	[smem:$0x3FA3] =	sst s7  }
0x10: {  	[smem:$0x3FA4] =	sst s8  }
0x11: {  	[smem:$0x3FA5] =	sst s9;
	s0 =	simm.s32 @!p0 $0x0  }
0x12: {  	s1 =	sld [smem:$0x3F8B];
	s0 =	simm.s32 @p0 $0x1  }
0x13: {  	[smem:$0x3FA6] =	sst s0;
	s0 =	simm.s32 @!p1 $0x0  }
0x14: {  	s2 =	sld [smem:$0x3F8A];
	s0 =	simm.s32 @p1 $0x1  }
0x15: {  	[smem:$0x3FA7] =	sst s0;
	s0 =	simm.s32 @!p2 $0x0  }
0x16: {  	s3 =	sld [smem:$0x3FDB];
	s0 =	simm.s32 @p2 $0x1  }
0x17: {  	s4 =	simm.s32 $0x1BF5;
	[smem:$0x3FA9] =	sst s0  }
0x18: {  	s0 =	sld [smem:$0x3F8C];
	_ =	swait.ge [sflag:s4], $0x0  }
0x19: {  	s7 =	sld [smem:$0x3F8D]  }
0x1a: {  	s8 =	sadd.s32 $0xFFFFE003, lr  }
0x1b: {  	s9 =	sadd.s32 $0xFFFFFEF7, lr;
	s5 =	simm.s32 $0xFFFFFFFF;
	p2 =	slt.u32 s8, $0xFFFFF086  }
0x1c: {  	p1 =	slt.u32 s9, $0xF7A;
	s5 =	simm.s32 @!p2 $0x0  }
0x1d: {  	s5 =	simm.s32 @p1 $0x1;
	p0 =	seq.s32 s7, s2  }
0x1e: {  	s7 =	smul.u32 @!p0 $0xF7A, s2;
	p2 =	seq.s32 @!p0 s5, $0x0  }
0x1f: {  	s9 =	smul.u32 $0xF7A, s1;
	s8 =	simm.s32 @!p0 $0x1BF5;
	p2 =	por !p2, p0  }
0x20: {  	[sflag:s8] =	ssyncset.s32 @!p0 $0xFFFFF086;
	s6 =	sadd.s32 @!p0 s3, s7;
	s7 =	simm.s32 @!p0 $0x108  }
0x21: {  	s3 =	sadd.s32 s3, s9;
	s6 =	sadd.s32 @!p0 $0x88, s6;
	s7 =	simm.s32 @p2 $0x1082  }
0x22: {  	[simem:s7], [sflag:s8] =	dma.local @!p0 [hbm:s6], $0xF7A  }
0x23: {  	s9 =	sor.u32 $0xD0000000, s2;
	s6 =	simm.s32 $0x108;
	_ =	swait.ge @!p0 [sflag:s8], $0x0  }
0x24: {  	s3 =	sadd.s32 $0x88, s3;
	s6 =	simm.s32 @!p1 $0x1082;
	[sflag:s4] =	ssyncset.s32 $0xFFFFF086  }
0x25: {  	[simem:s6], [sflag:s4] =	dma.local [hbm:s3], $0xF7A  }
0x26: {  	[smem:$0x3F8D] =	sst s1;
	(tag) =	ssettag s2;
	_ =	strace s9  }
0x27: {  	s1 =	sld [smem:$0x3F9D]  }
0x28: {  	s2 =	sld [smem:$0x3F9E]  }
0x29: {  	s4 =	sld [smem:$0x3FA0]  }
0x2a: {  	p0 =	seq.s32 s5, $0x0;
	s5 =	sld [smem:$0x3FA1]  }
0x2b: {  	s6 =	sld [smem:$0x3FA2]  }
0x2c: {  	s7 =	sld [smem:$0x3FA3]  }
0x2d: {  	s3 =	simm.s32 $0x108;
	s8 =	sld [smem:$0x3FA4]  }
0x2e: {  	s3 =	simm.s32 @!p0 $0x1082;
	s9 =	sld [smem:$0x3FA5]  }
0x2f: {  	lr =	sadd.s32 s0, s3;
	s0 =	sld [smem:$0x3F9C]  }
0x30: {  	s3 =	sld [smem:$0x3F9F]  }
0x31: {  	[smem:$0x3FA8] =	sst s10  }
0x32: {  	s10 =	sld [smem:$0x3FA6];
	_ =	sdelay $0x3  }
0x33: {  	p0 =	seq.s32 s10, $0x1;
	s10 =	sld [smem:$0x3FA8];
	_ =	sdelay $0x3  }
0x34: {  	[smem:$0x3FA8] =	sst s10  }
0x35: {  	s10 =	sld [smem:$0x3FA7];
	_ =	sdelay $0x3  }
0x36: {  	p1 =	seq.s32 s10, $0x1;
	s10 =	sld [smem:$0x3FA8];
	_ =	sdelay $0x3  }
0x37: {  	[smem:$0x3FA8] =	sst s10  }
0x38: {  	s10 =	sld [smem:$0x3FA9]  }
0x39: {  	_ = 	snop;
	(pc) =	sbr.ind lr, $3  }
0x3a: {  	_ = 	snop  }
0x3b: {  	_ = 	snop  }
0x3c: {  	p2 =	seq.s32 s10, $0x1;
	s10 =	sld [smem:$0x3FA8]  }
0x3d: {  	_ =	shalt  }
0x3e: {  	_ =	shalt  }
0x3f: {  	_ =	shalt  }
0x40: {  	_ =	shalt  }
0x41: {  	_ =	shalt  }
0x42: {  	_ =	shalt  }
0x43: {  	_ =	shalt  }
0x44: {  	_ =	shalt  }
0x45: {  	_ =	shalt  }
0x46: {  	_ =	shalt  }
0x47: {  	_ =	shalt  }
0x48: {  	_ =	shalt  }
0x49: {  	_ =	shalt  }
0x4a: {  	_ =	shalt  }
0x4b: {  	_ =	shalt  }
0x4c: {  	_ =	shalt  }
0x4d: {  	_ =	shalt  }
0x4e: {  	_ =	shalt  }
0x4f: {  	_ =	shalt  }
0x50: {  	_ =	shalt  }
0x51: {  	_ =	shalt  }
0x52: {  	_ =	shalt  }
0x53: {  	_ =	shalt  }
0x54: {  	_ =	shalt  }
0x55: {  	_ =	shalt  }
0x56: {  	_ =	shalt  }
0x57: {  	_ =	shalt  }
0x58: {  	_ =	shalt  }
0x59: {  	_ =	shalt  }
0x5a: {  	_ =	shalt  }
0x5b: {  	_ =	shalt  }
0x5c: {  	_ =	shalt  }
0x5d: {  	_ =	shalt  }
0x5e: {  	_ =	shalt  }
0x5f: {  	_ =	shalt  }
0x60: {  	_ =	shalt  }
0x61: {  	_ =	shalt  }
0x62: {  	_ =	shalt  }
0x63: {  	_ =	shalt  }
0x64: {  	_ =	shalt  }
0x65: {  	_ =	shalt  }
0x66: {  	_ =	shalt  }
0x67: {  	_ =	shalt  }
0x68: {  	_ =	shalt  }
0x69: {  	_ =	shalt  }
0x6a: {  	_ =	shalt  }
0x6b: {  	_ =	shalt  }
0x6c: {  	_ =	shalt  }
0x6d: {  	_ =	shalt  }
0x6e: {  	_ =	shalt  }
0x6f: {  	_ =	shalt  }
0x70: {  	_ =	shalt  }
0x71: {  	_ =	shalt  }
0x72: {  	_ =	shalt  }
0x73: {  	_ =	shalt  }
0x74: {  	_ =	shalt  }
0x75: {  	_ =	shalt  }
0x76: {  	_ =	shalt  }
0x77: {  	_ =	shalt  }
0x78: {  	_ =	shalt  }
0x79: {  	_ =	shalt  }
0x7a: {  	_ =	shalt  }
0x7b: {  	_ =	shalt  }
0x7c: {  	_ =	shalt  }
0x7d: {  	_ =	shalt  }
0x7e: {  	_ =	shalt  }
0x7f: {  	_ =	shalt  }
0x80: {  	_ =	shalt  }
0x81: {  	_ =	shalt  }
0x82: {  	_ =	shalt  }
0x83: {  	_ =	shalt  }
0x84: {  	_ =	shalt  }
0x85: {  	_ =	shalt  }
0x86: {  	_ =	shalt  }
0x87: {  	_ =	shalt  }
.Lfunc_end0:
.L_simem_size_0:
called_computation_lowered:
.L_overlay_start_0:
0x88: {  	s2 =	sld [smem:$0x3FD9]  }
0x89: {  	s3 =	sld [smem:$0x3FFE];
	_ =	sdelay $0x1  }
0x8a: {  	s1 =	srdreg.scid  }
0x8b: {  	s0 =	sand.u32 $0x1, s1  }
0x8c: {  	s17 =	sshll.u32 s0, $0xA;
	s2 =	sadd.s32 s3, s2  }
0x8d: {  	s2 =	sadd.s32 s2, s17  }
0x8e: {  	[smem:$0x3FB4] =	sst s2  }
0x8f: {  	_ = 	snop  }
0x90: {  	s2 =	sld [smem:$0x3FC9];
	(tm) =	ssettm $0x1  }
0x91: {  	s18 =	sld [smem:$0x3FFB];
	_ =	sdelay $0x3  }
0x92: {  	_ =	strace s18  }
0x93: {  	s3 =	sld [smem:$0x3FFC];
	_ =	sdelay $0x3  }
0x94: {  	_ =	strace s3  }
0x95: {  	s3 =	sld [smem:$0x3FFD];
	_ =	sdelay $0x3  }
0x96: {  	_ =	strace s3  }
0x97: {  	_ =	strace $0x8FFFFFFF  }
0x98: {  	s19 =	sld [smem:$0x3FDB];
	_ =	sdelay $0x1  }
0x99: {  	s4 =	simm.s32 $_scs_section_size  }
0x9a: {  	s5 =	simm.s32 $_size__tile_overlayer_lowered;
	s6 =	simm.s32 $_tile_overlayer_lowered  }
0x9b: {  	s22 =	simm.s32 $0x1BFF;
	s21 =	sshll.u32 s6, $0x1;
	s3 =	sadd.s32 s4, s19  }
0x9c: {  	s7 =	simm.s32 $0x0;
	s20 =	sshll.u32 s5, $0x1;
	s5 =	sadd.s32 s21, s3  }
0x9d: {  	[timem:s7], [sflag:s22] =	dma.local [hbm:s5], s20  }
0x9e: {  	_ =	swait.ge [sflag:s22], s20  }
0x9f: {  	s4 =	ssub.s32 $0x0, s20;
	[sflag:s22] =	ssyncset.done $0x0  }
0xa0: {  	[sflag:s22] =	ssyncadd.s32 s4;
	_ =	sdelay $0x1  }
0xa1: {  	s23 =	simm.s32 $0x1B8B  }
0xa2: {  	_ =	swait.ge [sflag:s23], $0x1  }
0xa3: {  	[sflag:s23] =	ssyncset.done $0x0  }
0xa4: {  	s25 =	simm.s32 $0x1B8E;
	s24 =	sld [smem:$0x3FFE];
	[sflag:s23] =	ssyncadd.s32 $0xFFFFFFFF  }
0xa5: {  	s26 =	simm.s32 $execute0_lowered;
	[smem:$0x3FD2] =	sst s25  }
0xa6: {  	s5 =	sshll.u32 s26, $0x1;
	_ =	strace $0x80000046;
	[dreg:$0x1] =	wrdreg $0xFFFFFFFF  }
0xa7: {  	s28 =	simm.s32 $_size_execute0_lowered;
	s3 =	sadd.s32 s3, s5;
	[dreg:$0x0] =	wrdreg $0x0  }
0xa8: {  	s5 =	sshll.u32 s28, $0x1;
	[dreg:$0x2] =	wrdreg s3  }
0xa9: {  	[dreg:$0x3] =	wrdreg s5  }
0xaa: {  	[dreg:$0x4] =	wrdreg $0xC0  }
0xab: {  	_ =	task [dreg:s7], $0x5FFFF  }
0xac: {  	[dreg:$0x1] =	wrdreg $0xFFFFFFFF  }
0xad: {  	[dreg:$0x0] =	wrdreg $0x60  }
0xae: {  	[dreg:$0x2] =	wrdreg s2  }
0xaf: {  	[dreg:$0x3] =	wrdreg s24  }
0xb0: {  	[dreg:$0x4] =	wrdreg $0xC3000  }
0xb1: {  	[dreg:$0x5] =	wrdreg $0x9  }
0xb2: {  	_ =	task.clear_ibuf [dreg:s7], $0x6FFFF;
	_ =	strace $0x90000046  }
0xb3: {  	s29 =	simm.s32 $0x9;
	_ =	strace $0x80000048  }
0xb4: {  	_ =	swait.ge [sflag:s29], $0x1  }
0xb5: {  	[sflag:s29] =	ssyncadd.s32 $0xFFFFFFFF  }
0xb6: {  	_ =	strace $0x90000048  }
0xb7: {  	_ =	sfence  }
0xb8: {  	s30 =	sld [smem:$0x0];
	_ =	sdelay $0x2  }
0xb9: {  	s31 =	sshll.u32 s1, $0xD;
	s1 =	sshrl.u32 s1, $0x2  }
0xba: {  	s3 =	sand.u32 $0x4000, s31;
	s1 =	sadd.s32 s1, s30  }
0xbb: {  	s0 =	sor.u32 s3, s0;
	s1 =	sshll.u32 s1, $0x11  }
0xbc: {  	s0 =	sor.u32 s1, s0  }
0xbd: {  	s0 =	sadd.s32 $0x8F2B, s0  }
0xbe: {  	[sflag:s0] =	ssyncadd.remote.s32 $0x1  }
0xbf: {  	_ =	sfence.sel $0xFFFF  }
0xc0: {  	[dreg:$0x0] =	wrdreg $0xFFFFFFFF;
	(pc) =	sbr.abs _section_cstart, $3  }
0xc1: {  	[dreg:$0x1] =	wrdreg $0xFFFFFFFF  }
0xc2: {  	_ =	task.clear_ibuf [dreg:s7], $0x2FFFF;
	_ =	strace $0x9FFFFFFF  }
0xc3: {  	(tm) =	ssettm $0x7FFFFFFF  }
tec
execute0_lowered:
.L_overlay_start_1:
0x0: {  	(tag) =	ssettag $0x1  }
0x1: {  	s1 =	rddreg [dreg:$0x0]  }
0x2: {  	s0 =	rddreg [dreg:$0x1]  }
0x3: {  	s2 =	rddreg [dreg:$0x2];
	s3 =	simm.s32 $0x0;
	s4 =	srdreg.scid  }
0x4: {  	s11 =	stileid.u32;
	s20 =	simm.s32 $0x300;
	s21 =	simm.s32 $0xA  }
0x5: {  	s28 =	simm.s32 $0x280;
	s29 =	simm.s32 $0x1;
	s30 =	simm.s32 $0x2  }
0x6: {  	s31 =	simm.s32 $0x4300;
	[smem:$0x7FF] =	sst s3;
	s5 =	sadd.s32 $0xE200, s0  }
0x7: {  	s16 =	sadd.s32 $0x4400, s0;
	s4 =	sand.u32 $0x1, s4;
	s7 =	smul.u32 $0x4E000, s11  }
0x8: {  	s6 =	sshll.u32 s11, $0x1;
	s26 =	smul.u32 $0x4E20, s11;
	s12 =	sadd.s32 $0x138000, s2  }
0x9: {  	s15 =	smul.u32 $0x2700, s11;
	p0 =	sne.s32 s11, $0xF;
	s11 =	simm.s32 $0x6  }
0xa: {  	_ =	strace $0x80000047;
	s8 =	smul.u32 $0x27100, s4;
	s9 =	ssub.s32 $0x2, s4  }
0xb: {  	s6 =	sor.u32 s4, s6;
	[dreg:$0x6] =	wrdreg s12;
	s4 =	smul.u32 $0x2710, s4  }
0xc: {  	s12 =	simm.s32 $0x0;
	s10 =	sshrl.u32 s9, $0x1;
	s7 =	sshrl.u32 s7, $0x2  }
0xd: {  	s6 =	smul.u32 $0x2710, s6;
	s0 =	sadd.s32 s8, s0;
	s24 =	ssub.s32 s9, s10  }
0xe: {  	s7 =	sadd.s32 s7, s2;
	s4 =	sadd.s32 s4, s26;
	s8 =	simm.s32 $0x4  }
0xf: {  	s10 =	simm.s32 $0x5;
	s25 =	sadd.s32 $0x10000, s7;
	[dreg:$0x4] =	wrdreg s7  }
0x10: {  	s6 =	sshrl.u32 s6, $0x3;
	s22 =	smax.u32 s24, $0x1;
	[dreg:$0x5] =	wrdreg s25  }
0x11: {  	s14 =	sadd.s32 $0x18000, s0;
	s23 =	sadd.s32 $0x4000, s7;
	[dreg:$0xa] =	wrdreg s22  }
0x12: {  	s24 =	sadd.s32 $0x8000, s7;
	s7 =	sadd.s32 $0xC000, s7;
	[dreg:$0xb] =	wrdreg s23  }
0x13: {  	s26 =	sadd.s32 $0x80, s4;
	s19 =	sshrl.u32 s4, $0x3;
	[dreg:$0xc] =	wrdreg s24  }
0x14: {  	s6 =	sadd.s32 $0x4E0, s6;
	s25 =	sadd.s32 $0x100, s4;
	[dreg:$0xd] =	wrdreg s7  }
0x15: {  	s18 =	sshrl.u32 s26, $0x3;
	s22 =	simm.s32 $0x180;
	s23 =	simm.s32 $0x80  }
0x16: {  	s24 =	simm.s32 $0x200;
	[dreg:$0x9] =	wrdreg s14;
	s0 =	sadd.s32 s15, s14  }
0x17: {  	s26 =	simm.s32 $0x100;
	s4 =	simm.s32 $0x8300;
	s14 =	simm.s32 $0x8  }
0x18: {  	s15 =	simm.s32 $0x9;
	s13 =	sadd.s32 s5, s6;
	[dreg:$0xe] =	wrdreg s0  }
0x19: {  	s6 =	sadd.s32 s16, s6;
	s17 =	sshrl.u32 s25, $0x3;
	[dreg:$0x7] =	wrdreg s13  }
0x1a: {  	v0 =	vimm.f32 $0.0e+00;
	s0 =	simm.s32 $0x3;
	[dreg:$0x8] =	wrdreg s6;
	s13 =	simm.s32 $0x7  }
.LBB2_1:
0x1b: {  	s6 =	sand.u32 $0xFE00, s3  }
0x1c: {  	s9 =	sand.u32 $0x70, s3;
	s25 =	sshrl.u32 s6, $0x2  }
0x1d: {  	s6 =	simm.s32 $0x40;
	s25 =	sor.u32 s9, s25;
	s9 =	simm.s32 $0x0  }
.LBB2_2:
0x1e: {  	p1 =	sne.s32 s6, $0xFFC0  }
0x1f: {  	[tilespmem:s25+$0x300] =	vst v0;
	s9 =	sadd.s32 $0x10, s9;
	s25 =	smov.u32 s6;
	s6 =	sadd.s32 $0x40, s6  }
.Ltmp0:
0x20: {  	(pc) =	sbr.rel @p1 .LBB2_2-.Ltmp0, $4  }
0x21: {  	_ = 	snop  }
0x22: {  	s25 =	sand.u32 $0xFE00, s25  }
0x23: {  	s7 =	sand.u32 $0x70, s9;
	s25 =	sshrl.u32 s25, $0x2  }
0x24: {  	s25 =	sor.u32 s7, s25  }
0x25: {  	[tilespmem:s25+$0x300] =	vst v0;
	s6 =	rddreg [dreg:$0x4]  }
0x26: {  	[spmem:s6] =	stream.linear.scatter [tilespmem:s20], [sflag:$0xA], $0x4000, $0x38;
	[tilespmem:$0x1FB80] =	vst v63  }
0x27: {  	_ =	swait.ge [sflag:s21], $0x4000  }
0x28: {  	[sflag:s21] =	ssyncset.done $0x0  }
0x29: {  	s25 =	rddreg [dreg:$0xb];
	[sflag:s21] =	ssyncadd.s32 $0xFFFFC000  }
0x2a: {  	[spmem:s25] =	stream.linear.scatter [tilespmem:s20], [sflag:$0xA], $0x4000, $0x38;
	[tilespmem:$0x1FB80] =	vst v63  }
0x2b: {  	_ =	swait.ge [sflag:s21], $0x4000  }
0x2c: {  	[sflag:s21] =	ssyncset.done $0x0  }
0x2d: {  	s7 =	rddreg [dreg:$0xc];
	[sflag:s21] =	ssyncadd.s32 $0xFFFFC000  }
0x2e: {  	[spmem:s7] =	stream.linear.scatter [tilespmem:s20], [sflag:$0xA], $0x4000, $0x38;
	[tilespmem:$0x1FB80] =	vst v63  }
0x2f: {  	_ =	swait.ge [sflag:s21], $0x4000  }
0x30: {  	[sflag:s21] =	ssyncset.done $0x0  }
0x31: {  	s9 =	rddreg [dreg:$0xd];
	[sflag:s21] =	ssyncadd.s32 $0xFFFFC000  }
0x32: {  	[spmem:s9] =	stream.linear.scatter [tilespmem:s20], [sflag:$0xA], $0x4000, $0x38;
	[tilespmem:$0x1FB80] =	vst v63  }
0x33: {  	_ =	swait.ge [sflag:s21], $0x4000  }
0x34: {  	[sflag:s21] =	ssyncset.done $0x0  }
0x35: {  	s25 =	rddreg [dreg:$0x5];
	[sflag:s21] =	ssyncadd.s32 $0xFFFFC000  }
0x36: {  	[spmem:s25] =	stream.linear.scatter [tilespmem:s20], [sflag:$0xA], $0x3800, $0x38;
	[tilespmem:$0x1FB80] =	vst v63  }
0x37: {  	_ =	swait.ge [sflag:s21], $0x3800  }
0x38: {  	[sflag:s21] =	ssyncset.done $0x0  }
0x39: {  	s6 =	simm.s32 @!p0 $0x300;
	s7 =	rddreg [dreg:$0x6];
	[sflag:s21] =	ssyncadd.s32 $0xFFFFC800  }
0x3a: {  	[spmem:s7] =	stream.linear.scatter @!p0 [tilespmem:s6], [sflag:$0xA], $0x800, $0x38;
	[tilespmem:$0x1FB80] =	vst v63  }
0x3b: {  	s6 =	simm.s32 @!p0 $0xA  }
0x3c: {  	_ =	swait.ge @!p0 [sflag:s6], $0x800  }
0x3d: {  	[sflag:s6] =	ssyncset.done @!p0 $0x0  }
0x3e: {  	[sflag:s6] =	ssyncadd.s32 @!p0 $0xFFFFF800  }
0x3f: {  	s7 =	sadd.s32 s5, s19;
	[bflag:$0x0] =	sbarrier.arrive $0xFFFF  }
0x40: {  	[tilespmem:s3], [sflag:$0x1] =	stream.linear.gather [hbm4b:s7+s3], $0x80, $0x38;
	[tilespmem:$0x1FB80] =	vst v63  }
0x41: {  	s9 =	sadd.s32 s16, s19  }
0x42: {  	[tilespmem:s22], [sflag:$0x1] =	stream.linear.gather [hbm4b:s9+s3], $0x80, $0x38;
	[tilespmem:$0x1FB80] =	vst v63  }
0x43: {  	s25 =	sadd.s32 s5, s18  }
0x44: {  	[tilespmem:s23], [sflag:$0x2] =	stream.linear.gather [hbm4b:s25+s3], $0x80, $0x38;
	[tilespmem:$0x1FB80] =	vst v63  }
0x45: {  	s7 =	sadd.s32 s16, s18  }
0x46: {  	[tilespmem:s24], [sflag:$0x2] =	stream.linear.gather [hbm4b:s7+s3], $0x80, $0x38;
	[tilespmem:$0x1FB80] =	vst v63  }
0x47: {  	s9 =	sadd.s32 s5, s17  }
0x48: {  	[tilespmem:s26], [sflag:$0x3] =	stream.linear.gather [hbm4b:s9+s3], $0x80, $0x38;
	[tilespmem:$0x1FB80] =	vst v63  }
0x49: {  	s25 =	sadd.s32 s16, s17  }
0x4a: {  	[tilespmem:s28], [sflag:$0x3] =	stream.linear.gather [hbm4b:s25+s3], $0x80, $0x38;
	[tilespmem:$0x1FB80] =	vst v63  }
0x4b: {  	_ =	swait.ge [sflag:s29], $0x80  }
0x4c: {  	[sflag:s29] =	ssyncset.done $0x0  }
0x4d: {  	[sflag:s29] =	ssyncadd.s32 $0xFFFFFF80  }
0x4e: {  	_ =	swait.ge [sflag:s29], $0x80  }
0x4f: {  	[sflag:s29] =	ssyncset.done $0x0  }
0x50: {  	[sflag:s29] =	ssyncadd.s32 $0xFFFFFF80  }
0x51: {  	[tilespmem:s20], [sflag:$0x4] =	stream.indirect.gather [hbm4b:s1+s23], $0x80, s3, s23, $0xb8;
	[tilespmem:$0x1FB80] =	vst v63  }
0x52: {  	_ =	swait.ge [sflag:s30], $0x80  }
0x53: {  	[sflag:s30] =	ssyncset.done $0x0  }
0x54: {  	[sflag:s30] =	ssyncadd.s32 $0xFFFFFF80  }
0x55: {  	_ =	swait.ge [sflag:s30], $0x80  }
0x56: {  	[sflag:s30] =	ssyncset.done $0x0  }
0x57: {  	[sflag:s30] =	ssyncadd.s32 $0xFFFFFF80  }
0x58: {  	[tilespmem:s31], [sflag:$0x5] =	stream.indirect.gather [hbm4b:s1+s23], $0x80, s23, s23, $0xb8;
	[tilespmem:$0x1FB80] =	vst v63  }
0x59: {  	_ =	swait.ge [sflag:s0], $0x80  }
0x5a: {  	[sflag:s0] =	ssyncset.done $0x0  }
0x5b: {  	[sflag:s0] =	ssyncadd.s32 $0xFFFFFF80  }
0x5c: {  	_ =	swait.ge [sflag:s0], $0x80  }
0x5d: {  	[sflag:s0] =	ssyncset.done $0x0  }
0x5e: {  	[sflag:s0] =	ssyncadd.s32 $0xFFFFFF80  }
0x5f: {  	[tilespmem:s4], [sflag:$0x6] =	stream.indirect.gather [hbm4b:s1+s23], $0x80, s26, s23, $0xb8;
	[tilespmem:$0x1FB80] =	vst v63  }
0x60: {  	_ =	swait.ge [sflag:s8], $0x4000  }
0x61: {  	[sflag:s8] =	ssyncset.done $0x0  }
0x62: {  	[sflag:s8] =	ssyncadd.s32 $0xFFFFC000  }
0x63: {  	[spmem:s2] =	stream.indirect.scatter.add.f32 [tilespmem:s20], [sflag:$0x7], $0x80, s22, s23, $0xb8;
	[tilespmem:$0x1FB80] =	vst v63  }
0x64: {  	_ =	swait.ge [sflag:s10], $0x4000  }
0x65: {  	[sflag:s10] =	ssyncset.done $0x0  }
0x66: {  	[sflag:s10] =	ssyncadd.s32 $0xFFFFC000  }
0x67: {  	[spmem:s2] =	stream.indirect.scatter.add.f32 [tilespmem:s31], [sflag:$0x8], $0x80, s24, s23, $0xb8;
	[tilespmem:$0x1FB80] =	vst v63  }
0x68: {  	_ =	swait.ge [sflag:s11], $0x4000  }
0x69: {  	[sflag:s11] =	ssyncset.done $0x0  }
0x6a: {  	[sflag:s11] =	ssyncadd.s32 $0xFFFFC000  }
0x6b: {  	[spmem:s2] =	stream.indirect.scatter.add.f32 [tilespmem:s4], [sflag:$0x9], $0x80, s28, s23, $0xb8;
	[tilespmem:$0x1FB80] =	vst v63  }
0x6c: {  	_ =	swait.ge [sflag:s13], $0x4000  }
0x6d: {  	[sflag:s13] =	ssyncset.done $0x0  }
0x6e: {  	[sflag:s13] =	ssyncadd.s32 $0xFFFFC000  }
0x6f: {  	_ =	swait.ge [sflag:s14], $0x4000  }
0x70: {  	[sflag:s14] =	ssyncset.done $0x0  }
0x71: {  	[sflag:s14] =	ssyncadd.s32 $0xFFFFC000  }
0x72: {  	s6 =	smov.u32 s16;
	_ =	swait.ge [sflag:s15], $0x4000  }
0x73: {  	s9 =	simm.s32 $0x18;
	s25 =	sadd.s32 $0x30, s5;
	[sflag:s15] =	ssyncset.done $0x0  }
.LBB2_4:
0x74: {  	s7 =	sadd.s32 s25, s19;
	[sflag:s15] =	ssyncadd.s32 $0xFFFFC000;
	s6 =	sadd.s32 $0x30, s6  }
0x75: {  	[tilespmem:s3], [sflag:$0x1] =	stream.linear.gather [hbm4b:s7+s3], $0x80, $0x38;
	[tilespmem:$0x1FB80] =	vst v63  }
0x76: {  	p1 =	sne.s32 s9, $0x1;
	s9 =	sadd.s32 $0xFFFFFFFF, s9;
	s7 =	sadd.s32 s6, s19  }
0x77: {  	[tilespmem:s22], [sflag:$0x1] =	stream.linear.gather [hbm4b:s7+s3], $0x80, $0x38;
	[tilespmem:$0x1FB80] =	vst v63  }
0x78: {  	s7 =	sadd.s32 s25, s18  }
0x79: {  	[tilespmem:s23], [sflag:$0x2] =	stream.linear.gather [hbm4b:s7+s3], $0x80, $0x38;
	[tilespmem:$0x1FB80] =	vst v63  }
0x7a: {  	s7 =	sadd.s32 s6, s18  }
0x7b: {  	[tilespmem:s24], [sflag:$0x2] =	stream.linear.gather [hbm4b:s7+s3], $0x80, $0x38;
	[tilespmem:$0x1FB80] =	vst v63  }
0x7c: {  	s7 =	sadd.s32 s25, s17  }
0x7d: {  	[tilespmem:s26], [sflag:$0x3] =	stream.linear.gather [hbm4b:s7+s3], $0x80, $0x38;
	[tilespmem:$0x1FB80] =	vst v63  }
0x7e: {  	s7 =	sadd.s32 s6, s17  }
0x7f: {  	[tilespmem:s28], [sflag:$0x3] =	stream.linear.gather [hbm4b:s7+s3], $0x80, $0x38;
	[tilespmem:$0x1FB80] =	vst v63  }
0x80: {  	_ =	swait.ge [sflag:s29], $0x80  }
0x81: {  	[sflag:s29] =	ssyncset.done $0x0  }
0x82: {  	[sflag:s29] =	ssyncadd.s32 $0xFFFFFF80  }
0x83: {  	_ =	swait.ge [sflag:s29], $0x80  }
0x84: {  	[sflag:s29] =	ssyncset.done $0x0  }
0x85: {  	[sflag:s29] =	ssyncadd.s32 $0xFFFFFF80  }
0x86: {  	[tilespmem:s20], [sflag:$0x4] =	stream.indirect.gather [hbm4b:s1+s23], $0x80, s3, s23, $0xb8;
	[tilespmem:$0x1FB80] =	vst v63  }
0x87: {  	_ =	swait.ge [sflag:s30], $0x80  }
0x88: {  	[sflag:s30] =	ssyncset.done $0x0  }
0x89: {  	[sflag:s30] =	ssyncadd.s32 $0xFFFFFF80  }
0x8a: {  	_ =	swait.ge [sflag:s30], $0x80  }
0x8b: {  	[sflag:s30] =	ssyncset.done $0x0  }
0x8c: {  	[sflag:s30] =	ssyncadd.s32 $0xFFFFFF80  }
0x8d: {  	[tilespmem:s31], [sflag:$0x5] =	stream.indirect.gather [hbm4b:s1+s23], $0x80, s23, s23, $0xb8;
	[tilespmem:$0x1FB80] =	vst v63  }
0x8e: {  	_ =	swait.ge [sflag:s0], $0x80  }
0x8f: {  	[sflag:s0] =	ssyncset.done $0x0  }
0x90: {  	[sflag:s0] =	ssyncadd.s32 $0xFFFFFF80  }
0x91: {  	_ =	swait.ge [sflag:s0], $0x80  }
0x92: {  	[sflag:s0] =	ssyncset.done $0x0  }
0x93: {  	[sflag:s0] =	ssyncadd.s32 $0xFFFFFF80  }
0x94: {  	[tilespmem:s4], [sflag:$0x6] =	stream.indirect.gather [hbm4b:s1+s23], $0x80, s26, s23, $0xb8;
	[tilespmem:$0x1FB80] =	vst v63  }
0x95: {  	_ =	swait.ge [sflag:s8], $0x4000  }
0x96: {  	[sflag:s8] =	ssyncset.done $0x0  }
0x97: {  	[sflag:s8] =	ssyncadd.s32 $0xFFFFC000  }
0x98: {  	[spmem:s2] =	stream.indirect.scatter.add.f32 [tilespmem:s20], [sflag:$0x7], $0x80, s22, s23, $0xb8;
	[tilespmem:$0x1FB80] =	vst v63  }
0x99: {  	_ =	swait.ge [sflag:s10], $0x4000  }
0x9a: {  	[sflag:s10] =	ssyncset.done $0x0  }
0x9b: {  	[sflag:s10] =	ssyncadd.s32 $0xFFFFC000  }
0x9c: {  	[spmem:s2] =	stream.indirect.scatter.add.f32 [tilespmem:s31], [sflag:$0x8], $0x80, s24, s23, $0xb8;
	[tilespmem:$0x1FB80] =	vst v63  }
0x9d: {  	_ =	swait.ge [sflag:s11], $0x4000  }
0x9e: {  	[sflag:s11] =	ssyncset.done $0x0  }
0x9f: {  	[sflag:s11] =	ssyncadd.s32 $0xFFFFC000  }
0xa0: {  	[spmem:s2] =	stream.indirect.scatter.add.f32 [tilespmem:s4], [sflag:$0x9], $0x80, s28, s23, $0xb8;
	[tilespmem:$0x1FB80] =	vst v63  }
0xa1: {  	_ =	swait.ge [sflag:s13], $0x4000  }
0xa2: {  	[sflag:s13] =	ssyncset.done $0x0  }
0xa3: {  	[sflag:s13] =	ssyncadd.s32 $0xFFFFC000  }
.Ltmp1:
0xa4: {  	_ =	swait.ge [sflag:s14], $0x4000;
	(pc) =	sbr.rel @p1 .LBB2_4-.Ltmp1, $4  }
0xa5: {  	[sflag:s14] =	ssyncset.done $0x0  }
0xa6: {  	[sflag:s14] =	ssyncadd.s32 $0xFFFFC000  }
0xa7: {  	_ =	swait.ge [sflag:s15], $0x4000  }
0xa8: {  	s25 =	sadd.s32 $0x30, s25;
	[sflag:s15] =	ssyncset.done $0x0  }
0xa9: {  	s7 =	sadd.s32 s25, s19;
	[sflag:s15] =	ssyncadd.s32 $0xFFFFC000;
	s6 =	sadd.s32 $0x30, s6  }
0xaa: {  	[tilespmem:s3], [sflag:$0x1] =	stream.linear.gather [hbm4b:s7+s3], $0x80, $0x38;
	[tilespmem:$0x1FB80] =	vst v63  }
0xab: {  	s9 =	sadd.s32 s6, s19  }
0xac: {  	[tilespmem:s22], [sflag:$0x1] =	stream.linear.gather [hbm4b:s9+s3], $0x80, $0x38;
	[tilespmem:$0x1FB80] =	vst v63  }
0xad: {  	s9 =	sadd.s32 s25, s18  }
0xae: {  	[tilespmem:s23], [sflag:$0x2] =	stream.linear.gather [hbm4b:s9+s3], $0x80, $0x38;
	[tilespmem:$0x1FB80] =	vst v63  }
0xaf: {  	s9 =	sadd.s32 s6, s18  }
0xb0: {  	[tilespmem:s24], [sflag:$0x2] =	stream.linear.gather [hbm4b:s9+s3], $0x80, $0x38;
	[tilespmem:$0x1FB80] =	vst v63  }
0xb1: {  	s25 =	sadd.s32 s25, s17  }
0xb2: {  	[tilespmem:s26], [sflag:$0x3] =	stream.linear.gather [hbm4b:s25+s3], $0x80, $0x38;
	[tilespmem:$0x1FB80] =	vst v63  }
0xb3: {  	s6 =	sadd.s32 s6, s17  }
0xb4: {  	[tilespmem:s28], [sflag:$0x3] =	stream.linear.gather [hbm4b:s6+s3], $0x80, $0x38;
	[tilespmem:$0x1FB80] =	vst v63  }
0xb5: {  	_ =	swait.ge [sflag:s29], $0x80  }
0xb6: {  	[sflag:s29] =	ssyncset.done $0x0  }
0xb7: {  	[sflag:s29] =	ssyncadd.s32 $0xFFFFFF80  }
0xb8: {  	_ =	swait.ge [sflag:s29], $0x80  }
0xb9: {  	[sflag:s29] =	ssyncset.done $0x0  }
0xba: {  	[sflag:s29] =	ssyncadd.s32 $0xFFFFFF80  }
0xbb: {  	[tilespmem:s20], [sflag:$0x4] =	stream.indirect.gather [hbm4b:s1+s23], $0x80, s3, s23, $0xb8;
	[tilespmem:$0x1FB80] =	vst v63  }
0xbc: {  	_ =	swait.ge [sflag:s30], $0x80  }
0xbd: {  	[sflag:s30] =	ssyncset.done $0x0  }
0xbe: {  	[sflag:s30] =	ssyncadd.s32 $0xFFFFFF80  }
0xbf: {  	_ =	swait.ge [sflag:s30], $0x80  }
0xc0: {  	[sflag:s30] =	ssyncset.done $0x0  }
0xc1: {  	[sflag:s30] =	ssyncadd.s32 $0xFFFFFF80  }
0xc2: {  	[tilespmem:s31], [sflag:$0x5] =	stream.indirect.gather [hbm4b:s1+s23], $0x80, s23, s23, $0xb8;
	[tilespmem:$0x1FB80] =	vst v63  }
0xc3: {  	_ =	swait.ge [sflag:s0], $0x80  }
0xc4: {  	[sflag:s0] =	ssyncset.done $0x0  }
0xc5: {  	[sflag:s0] =	ssyncadd.s32 $0xFFFFFF80  }
0xc6: {  	_ =	swait.ge [sflag:s0], $0x80  }
0xc7: {  	[sflag:s0] =	ssyncset.done $0x0  }
0xc8: {  	[sflag:s0] =	ssyncadd.s32 $0xFFFFFF80  }
0xc9: {  	[tilespmem:s4], [sflag:$0x6] =	stream.indirect.gather [hbm4b:s1+s23], $0x80, s26, s23, $0xb8;
	[tilespmem:$0x1FB80] =	vst v63  }
0xca: {  	_ =	swait.ge [sflag:s8], $0x4000  }
0xcb: {  	[sflag:s8] =	ssyncset.done $0x0  }
0xcc: {  	[sflag:s8] =	ssyncadd.s32 $0xFFFFC000  }
0xcd: {  	[spmem:s2] =	stream.indirect.scatter.add.f32 [tilespmem:s20], [sflag:$0x7], $0x80, s22, s23, $0xb8;
	[tilespmem:$0x1FB80] =	vst v63  }
0xce: {  	_ =	swait.ge [sflag:s10], $0x4000  }
0xcf: {  	[sflag:s10] =	ssyncset.done $0x0  }
0xd0: {  	[sflag:s10] =	ssyncadd.s32 $0xFFFFC000  }
0xd1: {  	[spmem:s2] =	stream.indirect.scatter.add.f32 [tilespmem:s31], [sflag:$0x8], $0x80, s24, s23, $0xb8;
	[tilespmem:$0x1FB80] =	vst v63  }
0xd2: {  	_ =	swait.ge [sflag:s11], $0x4000  }
0xd3: {  	[sflag:s11] =	ssyncset.done $0x0  }
0xd4: {  	[sflag:s11] =	ssyncadd.s32 $0xFFFFC000  }
0xd5: {  	[spmem:s2] =	stream.indirect.scatter.add.f32 [tilespmem:s4], [sflag:$0x9], $0x80, s28, s23, $0xb8;
	[tilespmem:$0x1FB80] =	vst v63  }
0xd6: {  	_ =	swait.ge [sflag:s13], $0x4000  }
0xd7: {  	[sflag:s13] =	ssyncset.done $0x0  }
0xd8: {  	[sflag:s13] =	ssyncadd.s32 $0xFFFFC000  }
0xd9: {  	_ =	swait.ge [sflag:s14], $0x4000  }
0xda: {  	[sflag:s14] =	ssyncset.done $0x0  }
0xdb: {  	[sflag:s14] =	ssyncadd.s32 $0xFFFFC000  }
0xdc: {  	_ =	swait.ge [sflag:s15], $0x4000  }
0xdd: {  	[sflag:s15] =	ssyncset.done $0x0  }
0xde: {  	s7 =	rddreg [dreg:$0x7];
	[sflag:s15] =	ssyncadd.s32 $0xFFFFC000  }
0xdf: {  	[tilespmem:s3], [sflag:$0xA] =	stream.linear.gather [hbm4b:s7+s3], $0x10, $0x38;
	[tilespmem:$0x1FB80] =	vst v63  }
0xe0: {  	_ =	swait.ge [sflag:s21], $0x10  }
0xe1: {  	[sflag:s21] =	ssyncset.done $0x0  }
0xe2: {  	s9 =	rddreg [dreg:$0x8];
	[sflag:s21] =	ssyncadd.s32 $0xFFFFFFF0  }
0xe3: {  	[tilespmem:s22], [sflag:$0xA] =	stream.linear.gather [hbm4b:s9+s3], $0x10, $0x38;
	[tilespmem:$0x1FB80] =	vst v63  }
0xe4: {  	_ =	swait.ge [sflag:s21], $0x10  }
0xe5: {  	[sflag:s21] =	ssyncset.done $0x0  }
0xe6: {  	s25 =	simm.s32 $0x10;
	[sflag:s21] =	ssyncadd.s32 $0xFFFFFFF0  }
0xe7: {  	[tilespmem:s20], [sflag:$0x4] =	stream.indirect.gather [hbm4b:s1+s25], $0x80, s3, s25, $0xb8;
	[tilespmem:$0x1FB80] =	vst v63  }
0xe8: {  	_ =	swait.ge [sflag:s8], $0x800  }
0xe9: {  	[sflag:s8] =	ssyncset.done $0x0  }
0xea: {  	[sflag:s8] =	ssyncadd.s32 $0xFFFFF800  }
0xeb: {  	[spmem:s2] =	stream.indirect.scatter.add.f32 [tilespmem:s20], [sflag:$0xA], $0x80, s22, s25, $0xb8;
	[tilespmem:$0x1FB80] =	vst v63  }
0xec: {  	_ =	swait.ge [sflag:s21], $0x800  }
0xed: {  	[sflag:s21] =	ssyncset.done $0x0  }
0xee: {  	[sflag:s21] =	ssyncadd.s32 $0xFFFFF800  }
0xef: {  	s7 =	stileid.u32;
	[bflag:$0x0] =	sbarrier.arrive $0xFFFF  }
0xf0: {  	s6 =	sshll.u32 s7, $0x6;
	s9 =	rddreg [dreg:$0x4]  }
0xf1: {  	s6 =	sor.u32 $0x1C0A, s6;
	s7 =	sshrl.u32 s9, $0x3;
	s9 =	rddreg [dreg:$0xe]  }
0xf2: {  	[hbm:s9], [sflag:s6] =	dma.local [spmem:s7], $0x2700  }
0xf3: {  	_ =	swait.ge [sflag:s21], $0x2700  }
0xf4: {  	s7 =	rddreg [dreg:$0x9]  }
0xf5: {  	[sflag:s21] =	ssyncset.done $0x0;
	s9 =	rddreg [dreg:$0x6]  }
0xf6: {  	[sflag:s21] =	ssyncadd.s32 $0xFFFFD900;
	s7 =	sadd.s32 @!p0 $0x27000, s7;
	s9 =	sshrl.u32 @!p0 s9, $0x3  }
0xf7: {  	[hbm:s7], [sflag:s6] =	dma.local @!p0 [spmem:s9], $0x100  }
0xf8: {  	s6 =	simm.s32 @!p0 $0xA  }
0xf9: {  	_ =	swait.ge @!p0 [sflag:s6], $0x100  }
0xfa: {  	s12 =	sadd.s32 $0x1, s12;
	s25 =	rddreg [dreg:$0xa]  }
0xfb: {  	p1 =	sne.s32 s12, s25  }
.Ltmp2:
0xfc: {  	_ = 	snop;
	(pc) =	sbr.rel @p1 .LBB2_1-.Ltmp2, $3  }
0xfd: {  	_ =	sdelay $0x1  }
0xfe: {  	[sflag:s6] =	ssyncset.done @!p0 $0x0  }
0xff: {  	[sflag:s6] =	ssyncadd.s32 @!p0 $0xFFFFFF00  }
0x100: {  	_ =	sfence.sel $0x180000  }
0x101: {  	[bflag:$0x0] =	sbarrier.arrive $0xFFFF  }
0x102: {  	_ =	strace $0x90000047  }
0x103: {  	s0 =	stileid.u32;
	[bflag:$0x2] =	sbarrier.arrive $0xFFFF  }
0x104: {  	p0 =	sne.s32 s0, $0x0;
	s0 =	rddreg [dreg:$0x3]  }
0x105: {  	s0 =	sadd.s32 @!p0 $0x100000, s0  }
0x106: {  	[sflag:s0] =	ssyncadd.tile.s32 @!p0 $0x1;
	_ =	shalt  }
.Lfunc_end2:
_tile_overlayer_lowered:
.L_overlay_start_2:
0x107: {  	(tag) =	ssettag $0x2  }
0x108: {  	s0 =	rddreg [dreg:$0x0];
	s2 =	stileid.u32  }
0x109: {  	s1 =	rddreg [dreg:$0x1];
	p0 =	sne.s32 s2, $0x0  }
0x10a: {  	s3 =	rddreg [dreg:$0x2];
	[bflag:$0x3] =	sbarrier.arrive $0xFFFF;
	s2 =	simm.s32 @!p0 $0x1C0A  }
0x10b: {  	[timem:s3], [sflag:s2] =	dma.local @!p0 [hbm:s0], s1  }
0x10c: {  	s0 =	simm.s32 @!p0 $0xA  }
0x10d: {  	_ =	swait.ge @!p0 [sflag:s0], s1  }
0x10e: {  	s1 =	ssub.s32 @!p0 $0x0, s1;
	[sflag:s0] =	ssyncset.done @!p0 $0x0  }
0x10f: {  	[sflag:s0] =	ssyncadd.s32 @!p0 s1  }
0x110: {  	[bflag:$0x3] =	sbarrier.arrive $0xFFFF  }
0x111: {  	_ =	shalt  }

</sc_bundles>
